<compile_context>
chip_gen: v7x
topology: tpu7x:2x2x1
jax: 0.10.2.dev20260603
libtpu: 0.0.44.dev20260713+nightly
codegen_flags: <defaults>
</compile_context>

<pallas_src>
import functools
import math

import jax
import jax.numpy as jnp
from jax import lax
from jax.experimental import pallas as pl
from jax.experimental.pallas import tpu as pltpu
from jax.experimental.pallas import tpu_sc as plsc

D_MODEL = 128
LANES = 16
NUM_CORES = 2
NUM_SUBCORES = 16
NUM_WORKERS = NUM_CORES * NUM_SUBCORES
CHUNK = 128
NBUF = 5
SCALE = 1.0 / math.sqrt(D_MODEL)


def _make_emb_kernel(batch: int):
    rows_per_worker = batch // NUM_WORKERS
    chunks_per_worker = rows_per_worker // CHUNK
    outer_iters = chunks_per_worker // NBUF
    idx_rows = rows_per_worker // D_MODEL

    mesh = plsc.VectorSubcoreMesh(
        core_axis_name="c", subcore_axis_name="s",
        num_cores=NUM_CORES, num_subcores=NUM_SUBCORES)

    scratch = (
        [pltpu.VMEM((idx_rows, D_MODEL), jnp.int32)]
        + [pltpu.VMEM((CHUNK, D_MODEL), jnp.float32) for _ in range(NBUF)]
        + [pltpu.SemaphoreType.DMA for _ in range(2 * NBUF)]
    )

    @functools.partial(
        pl.kernel,
        out_type=jax.ShapeDtypeStruct((batch, D_MODEL), jnp.float32),
        mesh=mesh,
        scratch_types=scratch,
    )
    def emb(x_hbm, tbl_hbm, out_hbm, idx_v, *bufs_and_sems):
        rows = bufs_and_sems[:NBUF]
        gsem = bufs_and_sems[NBUF:2 * NBUF]
        ssem = bufs_and_sems[2 * NBUF:]

        wid = lax.axis_index("s") * NUM_CORES + lax.axis_index("c")
        out_base = wid * rows_per_worker

        pltpu.sync_copy(x_hbm.at[pl.ds(wid * idx_rows, idx_rows)], idx_v)

        def gather_idx(chunk):
            return idx_v.at[chunk]

        for b in range(NBUF):
            pltpu.async_copy(tbl_hbm.at[gather_idx(b)], rows[b], gsem[b])

        def scale_buf(buf):
            def row_body(r, _):
                for c in range(D_MODEL // LANES):
                    sl = pl.ds(c * LANES, LANES)
                    buf[r, sl] = buf[r, sl] * SCALE
                return 0
            lax.fori_loop(0, CHUNK, row_body, 0, unroll=4)

        def out_slice(chunk):
            return out_hbm.at[pl.ds(out_base + chunk * CHUNK, CHUNK)]

        def outer(i, _):
            for b in range(NBUF):
                chunk = i * NBUF + b
                pltpu.make_async_copy(
                    tbl_hbm.at[gather_idx(chunk)], rows[b], gsem[b]).wait()
                scale_buf(rows[b])
                pltpu.async_copy(rows[b], out_slice(chunk), ssem[b])

            @pl.when(i < outer_iters - 1)
            def _refill():
                for b in range(NBUF):
                    chunk = i * NBUF + b
                    pltpu.make_async_copy(
                        rows[b], out_slice(chunk), ssem[b]).wait()
                    pltpu.async_copy(
                        tbl_hbm.at[gather_idx(chunk + NBUF)], rows[b],
                        gsem[b])
            return 0

        lax.fori_loop(0, outer_iters, outer, 0)

        for b in range(NBUF):
            pltpu.make_async_copy(
                rows[b], out_slice((outer_iters - 1) * NBUF + b),
                ssem[b]).wait()
        plsc.subcore_barrier()

    return emb


def kernel(x, table):
    b0, b1 = x.shape
    batch = b0 * b1
    emb = _make_emb_kernel(batch)
    x2 = x.reshape(batch // D_MODEL, D_MODEL)
    out = emb(x2, table)
    return out.reshape(b0, b1, D_MODEL)

# --- scband reference (transcript-rebuilt; emitter-appended) ---
"""Pipeline reference for scband-embeddings-4629974745244 (READ-ONLY COPY).

The authoritative reference and input builder live on the scoring server;
editing this copy changes nothing except your own understanding.
"""

import jax, jax.numpy as jnp
import numpy as np
from math import sqrt

D_MODEL = 128
VOCAB = 100000

def setup_inputs(seed: int = 0) -> dict:
    key = jax.random.key(seed)
    k1, k2 = jax.random.split(key)
    x = jax.random.randint(k1, (4096, 200), 0, VOCAB, dtype=jnp.int64 if jax.config.jax_enable_x64 else jnp.int32)
    table = jax.random.normal(k2, (VOCAB, D_MODEL), dtype=jnp.float32)
    return {"x": x, "table": table}

def reference(x, table):
    # nn.Embedding lookup followed by scaling by 1/sqrt(d_model)
    emb = jnp.take(table, x, axis=0)
    return emb / sqrt(D_MODEL)

if __name__ == "__main__":
    import jax
    _d = setup_inputs()
    print(jax.jit(kernel)(*tuple(_d.values())))

</pallas_src>

<mosaic_0001>
#map = affine_map<(d0, d1) -> (0, 0)>
module attributes {stable_mosaic.version = 14 : i64} {
  func.func @emb(%arg0: i32, %arg1: i32, %arg2: memref<6400x128xi32, #tpu.memory_space<hbm>>, %arg3: memref<100000x128xf32, #tpu.memory_space<hbm>>, %arg4: memref<819200x128xf32, #tpu.memory_space<hbm>>, %arg5: memref<200x128xi32, #tpu.memory_space<vmem>>, %arg6: memref<128x128xf32, #tpu.memory_space<vmem>>, %arg7: memref<128x128xf32, #tpu.memory_space<vmem>>, %arg8: memref<128x128xf32, #tpu.memory_space<vmem>>, %arg9: memref<128x128xf32, #tpu.memory_space<vmem>>, %arg10: memref<128x128xf32, #tpu.memory_space<vmem>>, %arg11: memref<!tpu.dma_semaphore, #tpu.memory_space<semaphore_mem>>, %arg12: memref<!tpu.dma_semaphore, #tpu.memory_space<semaphore_mem>>, %arg13: memref<!tpu.dma_semaphore, #tpu.memory_space<semaphore_mem>>, %arg14: memref<!tpu.dma_semaphore, #tpu.memory_space<semaphore_mem>>, %arg15: memref<!tpu.dma_semaphore, #tpu.memory_space<semaphore_mem>>, %arg16: memref<!tpu.dma_semaphore, #tpu.memory_space<semaphore_mem>>, %arg17: memref<!tpu.dma_semaphore, #tpu.memory_space<semaphore_mem>>, %arg18: memref<!tpu.dma_semaphore, #tpu.memory_space<semaphore_mem>>, %arg19: memref<!tpu.dma_semaphore, #tpu.memory_space<semaphore_mem>>, %arg20: memref<!tpu.dma_semaphore, #tpu.memory_space<semaphore_mem>>) attributes {dimension_semantics = [#tpu.dimension_semantics<core_parallel>, #tpu.dimension_semantics<subcore_parallel>], iteration_bounds = array<i64: 2, 16>, scalar_prefetch = 0 : i64, scratch_operands = 16 : i64, tpu.core_type = #tpu.core_type<sc_vector_subcore>, window_params = [{transform_indices = #map}, {transform_indices = #map}, {transform_indices = #map}]} {
    %mul3A = arith.constant 2 : i32
    %mul3A_0 = arith.muli %arg1, %mul3A : i32
    %add3A = arith.addi %mul3A_0, %arg0 : i32
    %mul3A_1 = arith.constant 25600 : i32
    %mul3A_2 = arith.muli %add3A, %mul3A_1 : i32
    %mul3A_3 = arith.constant 200 : i32
    %mul3A_4 = arith.muli %add3A, %mul3A_3 : i32
    "tpu.region"() ({
      %run_scoped3A = tpu.sem_alloc : memref<!tpu.dma_semaphore, #tpu.memory_space<semaphore_mem>>
      %dma_start3A_74 = arith.constant 0 : i32
      %dma_start3A_75 = tpu.memref_slice %arg2[%mul3A_4, %dma_start3A_74] : memref<6400x128xi32, #tpu.memory_space<hbm>> -> memref<200x128xi32, #tpu.memory_space<hbm>>
      %dma_start3A_76 = arith.constant 0 : i32
      %dma_start3A_77 = tpu.memref_slice %arg2[%mul3A_4, %dma_start3A_76] : memref<6400x128xi32, #tpu.memory_space<hbm>> -> memref<200x128xi32, #tpu.memory_space<hbm>>
      tpu.enqueue_dma source(%dma_start3A_77 : memref<200x128xi32, #tpu.memory_space<hbm>>) target(%arg5 : memref<200x128xi32, #tpu.memory_space<vmem>>) target_semaphore(%run_scoped3A : memref<!tpu.dma_semaphore, #tpu.memory_space<semaphore_mem>>)
      %dma_wait3A_78 = arith.constant 0 : i32
      %dma_wait3A_79 = tpu.memref_slice %arg2[%mul3A_4, %dma_wait3A_78] : memref<6400x128xi32, #tpu.memory_space<hbm>> -> memref<200x128xi32, #tpu.memory_space<hbm>>
      %dma_wait3A_80 = arith.constant 0 : i32
      %dma_wait3A_81 = tpu.memref_slice %arg2[%mul3A_4, %dma_wait3A_80] : memref<6400x128xi32, #tpu.memory_space<hbm>> -> memref<200x128xi32, #tpu.memory_space<hbm>>
      tpu.wait_dma2 semaphore(%run_scoped3A : memref<!tpu.dma_semaphore, #tpu.memory_space<semaphore_mem>>) src(%dma_wait3A_81 : memref<200x128xi32, #tpu.memory_space<hbm>>) dst(%arg5 : memref<200x128xi32, #tpu.memory_space<vmem>>)
      tpu.yield
    }) : () -> ()
    %dma_start3A = arith.constant 0 : i32
    %dma_start3A_5 = arith.constant 0 : i32
    %dma_start3A_6 = tpu.memref_slice %arg5[%dma_start3A, %dma_start3A_5] : memref<200x128xi32, #tpu.memory_space<vmem>> -> memref<1x128xi32, #tpu.memory_space<vmem>>
    %dma_start3A_7 = tpu.memref_squeeze %dma_start3A_6 : memref<1x128xi32, #tpu.memory_space<vmem>> -> memref<128xi32, #tpu.memory_space<vmem>>
    %dma_start3A_8 = arith.constant 0 : i32
    %dma_start3A_9 = arith.constant 0 : i32
    %dma_start3A_10 = tpu.memref_slice %arg3[%dma_start3A_8, %dma_start3A_9] : memref<100000x128xf32, #tpu.memory_space<hbm>> -> memref<100000x128xf32, #tpu.memory_space<hbm>>
    tpu.enqueue_indirect_dma source(%dma_start3A_10 : memref<100000x128xf32, #tpu.memory_space<hbm>>) target(%arg6 : memref<128x128xf32, #tpu.memory_space<vmem>>) offsets(%dma_start3A_7 : memref<128xi32, #tpu.memory_space<vmem>>) semaphore(%arg11 : memref<!tpu.dma_semaphore, #tpu.memory_space<semaphore_mem>>)
    %dma_start3A_11 = arith.constant 1 : i32
    %dma_start3A_12 = arith.constant 0 : i32
    %dma_start3A_13 = tpu.memref_slice %arg5[%dma_start3A_11, %dma_start3A_12] : memref<200x128xi32, #tpu.memory_space<vmem>> -> memref<1x128xi32, #tpu.memory_space<vmem>>
    %dma_start3A_14 = tpu.memref_squeeze %dma_start3A_13 : memref<1x128xi32, #tpu.memory_space<vmem>> -> memref<128xi32, #tpu.memory_space<vmem>>
    %dma_start3A_15 = arith.constant 0 : i32
    %dma_start3A_16 = arith.constant 0 : i32
    %dma_start3A_17 = tpu.memref_slice %arg3[%dma_start3A_15, %dma_start3A_16] : memref<100000x128xf32, #tpu.memory_space<hbm>> -> memref<100000x128xf32, #tpu.memory_space<hbm>>
    tpu.enqueue_indirect_dma source(%dma_start3A_17 : memref<100000x128xf32, #tpu.memory_space<hbm>>) target(%arg7 : memref<128x128xf32, #tpu.memory_space<vmem>>) offsets(%dma_start3A_14 : memref<128xi32, #tpu.memory_space<vmem>>) semaphore(%arg12 : memref<!tpu.dma_semaphore, #tpu.memory_space<semaphore_mem>>)
    %dma_start3A_18 = arith.constant 2 : i32
    %dma_start3A_19 = arith.constant 0 : i32
    %dma_start3A_20 = tpu.memref_slice %arg5[%dma_start3A_18, %dma_start3A_19] : memref<200x128xi32, #tpu.memory_space<vmem>> -> memref<1x128xi32, #tpu.memory_space<vmem>>
    %dma_start3A_21 = tpu.memref_squeeze %dma_start3A_20 : memref<1x128xi32, #tpu.memory_space<vmem>> -> memref<128xi32, #tpu.memory_space<vmem>>
    %dma_start3A_22 = arith.constant 0 : i32
    %dma_start3A_23 = arith.constant 0 : i32
    %dma_start3A_24 = tpu.memref_slice %arg3[%dma_start3A_22, %dma_start3A_23] : memref<100000x128xf32, #tpu.memory_space<hbm>> -> memref<100000x128xf32, #tpu.memory_space<hbm>>
    tpu.enqueue_indirect_dma source(%dma_start3A_24 : memref<100000x128xf32, #tpu.memory_space<hbm>>) target(%arg8 : memref<128x128xf32, #tpu.memory_space<vmem>>) offsets(%dma_start3A_21 : memref<128xi32, #tpu.memory_space<vmem>>) semaphore(%arg13 : memref<!tpu.dma_semaphore, #tpu.memory_space<semaphore_mem>>)
    %dma_start3A_25 = arith.constant 3 : i32
    %dma_start3A_26 = arith.constant 0 : i32
    %dma_start3A_27 = tpu.memref_slice %arg5[%dma_start3A_25, %dma_start3A_26] : memref<200x128xi32, #tpu.memory_space<vmem>> -> memref<1x128xi32, #tpu.memory_space<vmem>>
    %dma_start3A_28 = tpu.memref_squeeze %dma_start3A_27 : memref<1x128xi32, #tpu.memory_space<vmem>> -> memref<128xi32, #tpu.memory_space<vmem>>
    %dma_start3A_29 = arith.constant 0 : i32
    %dma_start3A_30 = arith.constant 0 : i32
    %dma_start3A_31 = tpu.memref_slice %arg3[%dma_start3A_29, %dma_start3A_30] : memref<100000x128xf32, #tpu.memory_space<hbm>> -> memref<100000x128xf32, #tpu.memory_space<hbm>>
    tpu.enqueue_indirect_dma source(%dma_start3A_31 : memref<100000x128xf32, #tpu.memory_space<hbm>>) target(%arg9 : memref<128x128xf32, #tpu.memory_space<vmem>>) offsets(%dma_start3A_28 : memref<128xi32, #tpu.memory_space<vmem>>) semaphore(%arg14 : memref<!tpu.dma_semaphore, #tpu.memory_space<semaphore_mem>>)
    %dma_start3A_32 = arith.constant 4 : i32
    %dma_start3A_33 = arith.constant 0 : i32
    %dma_start3A_34 = tpu.memref_slice %arg5[%dma_start3A_32, %dma_start3A_33] : memref<200x128xi32, #tpu.memory_space<vmem>> -> memref<1x128xi32, #tpu.memory_space<vmem>>
    %dma_start3A_35 = tpu.memref_squeeze %dma_start3A_34 : memref<1x128xi32, #tpu.memory_space<vmem>> -> memref<128xi32, #tpu.memory_space<vmem>>
    %dma_start3A_36 = arith.constant 0 : i32
    %dma_start3A_37 = arith.constant 0 : i32
    %dma_start3A_38 = tpu.memref_slice %arg3[%dma_start3A_36, %dma_start3A_37] : memref<100000x128xf32, #tpu.memory_space<hbm>> -> memref<100000x128xf32, #tpu.memory_space<hbm>>
    tpu.enqueue_indirect_dma source(%dma_start3A_38 : memref<100000x128xf32, #tpu.memory_space<hbm>>) target(%arg10 : memref<128x128xf32, #tpu.memory_space<vmem>>) offsets(%dma_start3A_35 : memref<128xi32, #tpu.memory_space<vmem>>) semaphore(%arg15 : memref<!tpu.dma_semaphore, #tpu.memory_space<semaphore_mem>>)
    %scan3A = arith.constant 0 : i32
    %scan3A_39 = arith.constant 0 : i32
    %scan3A_40 = arith.constant 40 : i32
    %scan3A_41 = arith.addi %scan3A_39, %scan3A_40 : i32
    %scan3A_42 = arith.constant 1 : i32
    %scan3A_43 = scf.for %scan3A_74 = %scan3A_39 to %scan3A_41 step %scan3A_42 iter_args(%scan3A_75 = %scan3A) -> (i32)  : i32 {
      %mul3A_76 = arith.constant 5 : i32
      %mul3A_77 = arith.muli %scan3A_74, %mul3A_76 : i32
      %add3A_78 = arith.constant 0 : i32
      %add3A_79 = arith.addi %mul3A_77, %add3A_78 : i32
      %dma_wait3A_80 = arith.constant 0 : i32
      %dma_wait3A_81 = tpu.memref_slice %arg5[%add3A_79, %dma_wait3A_80] : memref<200x128xi32, #tpu.memory_space<vmem>> -> memref<1x128xi32, #tpu.memory_space<vmem>>
      %dma_wait3A_82 = tpu.memref_squeeze %dma_wait3A_81 : memref<1x128xi32, #tpu.memory_space<vmem>> -> memref<128xi32, #tpu.memory_space<vmem>>
      %dma_wait3A_83 = arith.constant 0 : i32
      %dma_wait3A_84 = arith.constant 0 : i32
      %dma_wait3A_85 = tpu.memref_slice %arg3[%dma_wait3A_83, %dma_wait3A_84] : memref<100000x128xf32, #tpu.memory_space<hbm>> -> memref<100000x128xf32, #tpu.memory_space<hbm>>
      tpu.wait_indirect_dma semaphore(%arg11 : memref<!tpu.dma_semaphore, #tpu.memory_space<semaphore_mem>>) src(%dma_wait3A_85 : memref<100000x128xf32, #tpu.memory_space<hbm>>) dst(%arg6 : memref<128x128xf32, #tpu.memory_space<vmem>>)
      %scan3A_86 = arith.constant 0 : i32
      %scan3A_87 = arith.constant 0 : i32
      %scan3A_88 = arith.constant 128 : i32
      %scan3A_89 = arith.addi %scan3A_87, %scan3A_88 : i32
      %scan3A_90 = arith.constant 4 : i32
      %scan3A_91 = scf.for %scan3A_199 = %scan3A_87 to %scan3A_89 step %scan3A_90 iter_args(%scan3A_200 = %scan3A_86) -> (i32)  : i32 {
        %get3A = arith.index_cast %scan3A_199 : i32 to index
        %get3A_201 = arith.constant 0 : index
        %get3A_202 = tpu.vector_load %arg6[%get3A, %get3A_201] {strides = array<i32>} : memref<128x128xf32, #tpu.memory_space<vmem>>, vector<1x16xf32>,
        %get3A_203 = vector.shape_cast %get3A_202 : vector<1x16xf32> to vector<16xf32>
        %mul3A_204 = arith.constant 0.0883883461 : f32
        %mul3A_205 = vector.broadcast %mul3A_204 : f32 to vector<16xf32>
        %mul3A_206 = arith.mulf %get3A_203, %mul3A_205 : vector<16xf32>
        %swap3A = arith.index_cast %scan3A_199 : i32 to index
        %swap3A_207 = arith.constant 0 : index
        %swap3A_208 = tpu.vector_load %arg6[%swap3A, %swap3A_207] {strides = array<i32>} : memref<128x128xf32, #tpu.memory_space<vmem>>, vector<1x16xf32>,
        %swap3A_209 = vector.shape_cast %swap3A_208 : vector<1x16xf32> to vector<16xf32>
        %swap3A_210 = vector.shape_cast %mul3A_206 : vector<16xf32> to vector<1x16xf32>
        tpu.vector_store %arg6[%swap3A, %swap3A_207], %swap3A_210 {strides = array<i32>} : memref<128x128xf32, #tpu.memory_space<vmem>>, vector<1x16xf32>,
        %get3A_211 = arith.index_cast %scan3A_199 : i32 to index
        %get3A_212 = arith.constant 16 : index
        %get3A_213 = tpu.vector_load %arg6[%get3A_211, %get3A_212] {strides = array<i32>} : memref<128x128xf32, #tpu.memory_space<vmem>>, vector<1x16xf32>,
        %get3A_214 = vector.shape_cast %get3A_213 : vector<1x16xf32> to vector<16xf32>
        %mul3A_215 = arith.constant 0.0883883461 : f32
        %mul3A_216 = vector.broadcast %mul3A_215 : f32 to vector<16xf32>
        %mul3A_217 = arith.mulf %get3A_214, %mul3A_216 : vector<16xf32>
        %swap3A_218 = arith.index_cast %scan3A_199 : i32 to index
        %swap3A_219 = arith.constant 16 : index
        %swap3A_220 = tpu.vector_load %arg6[%swap3A_218, %swap3A_219] {strides = array<i32>} : memref<128x128xf32, #tpu.memory_space<vmem>>, vector<1x16xf32>,
        %swap3A_221 = vector.shape_cast %swap3A_220 : vector<1x16xf32> to vector<16xf32>
        %swap3A_222 = vector.shape_cast %mul3A_217 : vector<16xf32> to vector<1x16xf32>
        tpu.vector_store %arg6[%swap3A_218, %swap3A_219], %swap3A_222 {strides = array<i32>} : memref<128x128xf32, #tpu.memory_space<vmem>>, vector<1x16xf32>,
        %get3A_223 = arith.index_cast %scan3A_199 : i32 to index
        %get3A_224 = arith.constant 32 : index
        %get3A_225 = tpu.vector_load %arg6[%get3A_223, %get3A_224] {strides = array<i32>} : memref<128x128xf32, #tpu.memory_space<vmem>>, vector<1x16xf32>,
        %get3A_226 = vector.shape_cast %get3A_225 : vector<1x16xf32> to vector<16xf32>
        %mul3A_227 = arith.constant 0.0883883461 : f32
        %mul3A_228 = vector.broadcast %mul3A_227 : f32 to vector<16xf32>
        %mul3A_229 = arith.mulf %get3A_226, %mul3A_228 : vector<16xf32>
        %swap3A_230 = arith.index_cast %scan3A_199 : i32 to index
        %swap3A_231 = arith.constant 32 : index
        %swap3A_232 = tpu.vector_load %arg6[%swap3A_230, %swap3A_231] {strides = array<i32>} : memref<128x128xf32, #tpu.memory_space<vmem>>, vector<1x16xf32>,
        %swap3A_233 = vector.shape_cast %swap3A_232 : vector<1x16xf32> to vector<16xf32>
        %swap3A_234 = vector.shape_cast %mul3A_229 : vector<16xf32> to vector<1x16xf32>
        tpu.vector_store %arg6[%swap3A_230, %swap3A_231], %swap3A_234 {strides = array<i32>} : memref<128x128xf32, #tpu.memory_space<vmem>>, vector<1x16xf32>,
        %get3A_235 = arith.index_cast %scan3A_199 : i32 to index
        %get3A_236 = arith.constant 48 : index
        %get3A_237 = tpu.vector_load %arg6[%get3A_235, %get3A_236] {strides = array<i32>} : memref<128x128xf32, #tpu.memory_space<vmem>>, vector<1x16xf32>,
        %get3A_238 = vector.shape_cast %get3A_237 : vector<1x16xf32> to vector<16xf32>
        %mul3A_239 = arith.constant 0.0883883461 : f32
        %mul3A_240 = vector.broadcast %mul3A_239 : f32 to vector<16xf32>
        %mul3A_241 = arith.mulf %get3A_238, %mul3A_240 : vector<16xf32>
        %swap3A_242 = arith.index_cast %scan3A_199 : i32 to index
        %swap3A_243 = arith.constant 48 : index
        %swap3A_244 = tpu.vector_load %arg6[%swap3A_242, %swap3A_243] {strides = array<i32>} : memref<128x128xf32, #tpu.memory_space<vmem>>, vector<1x16xf32>,
        %swap3A_245 = vector.shape_cast %swap3A_244 : vector<1x16xf32> to vector<16xf32>
        %swap3A_246 = vector.shape_cast %mul3A_241 : vector<16xf32> to vector<1x16xf32>
        tpu.vector_store %arg6[%swap3A_242, %swap3A_243], %swap3A_246 {strides = array<i32>} : memref<128x128xf32, #tpu.memory_space<vmem>>, vector<1x16xf32>,
        %get3A_247 = arith.index_cast %scan3A_199 : i32 to index
        %get3A_248 = arith.constant 64 : index
        %get3A_249 = tpu.vector_load %arg6[%get3A_247, %get3A_248] {strides = array<i32>} : memref<128x128xf32, #tpu.memory_space<vmem>>, vector<1x16xf32>,
        %get3A_250 = vector.shape_cast %get3A_249 : vector<1x16xf32> to vector<16xf32>
        %mul3A_251 = arith.constant 0.0883883461 : f32
        %mul3A_252 = vector.broadcast %mul3A_251 : f32 to vector<16xf32>
        %mul3A_253 = arith.mulf %get3A_250, %mul3A_252 : vector<16xf32>
        %swap3A_254 = arith.index_cast %scan3A_199 : i32 to index
        %swap3A_255 = arith.constant 64 : index
        %swap3A_256 = tpu.vector_load %arg6[%swap3A_254, %swap3A_255] {strides = array<i32>} : memref<128x128xf32, #tpu.memory_space<vmem>>, vector<1x16xf32>,
        %swap3A_257 = vector.shape_cast %swap3A_256 : vector<1x16xf32> to vector<16xf32>
        %swap3A_258 = vector.shape_cast %mul3A_253 : vector<16xf32> to vector<1x16xf32>
        tpu.vector_store %arg6[%swap3A_254, %swap3A_255], %swap3A_258 {strides = array<i32>} : memref<128x128xf32, #tpu.memory_space<vmem>>, vector<1x16xf32>,
        %get3A_259 = arith.index_cast %scan3A_199 : i32 to index
        %get3A_260 = arith.constant 80 : index
        %get3A_261 = tpu.vector_load %arg6[%get3A_259, %get3A_260] {strides = array<i32>} : memref<128x128xf32, #tpu.memory_space<vmem>>, vector<1x16xf32>,
        %get3A_262 = vector.shape_cast %get3A_261 : vector<1x16xf32> to vector<16xf32>
        %mul3A_263 = arith.constant 0.0883883461 : f32
        %mul3A_264 = vector.broadcast %mul3A_263 : f32 to vector<16xf32>
        %mul3A_265 = arith.mulf %get3A_262, %mul3A_264 : vector<16xf32>
        %swap3A_266 = arith.index_cast %scan3A_199 : i32 to index
        %swap3A_267 = arith.constant 80 : index
        %swap3A_268 = tpu.vector_load %arg6[%swap3A_266, %swap3A_267] {strides = array<i32>} : memref<128x128xf32, #tpu.memory_space<vmem>>, vector<1x16xf32>,
        %swap3A_269 = vector.shape_cast %swap3A_268 : vector<1x16xf32> to vector<16xf32>
        %swap3A_270 = vector.shape_cast %mul3A_265 : vector<16xf32> to vector<1x16xf32>
        tpu.vector_store %arg6[%swap3A_266, %swap3A_267], %swap3A_270 {strides = array<i32>} : memref<128x128xf32, #tpu.memory_space<vmem>>, vector<1x16xf32>,
        %get3A_271 = arith.index_cast %scan3A_199 : i32 to index
        %get3A_272 = arith.constant 96 : index
        %get3A_273 = tpu.vector_load %arg6[%get3A_271, %get3A_272] {strides = array<i32>} : memref<128x128xf32, #tpu.memory_space<vmem>>, vector<1x16xf32>,
        %get3A_274 = vector.shape_cast %get3A_273 : vector<1x16xf32> to vector<16xf32>
        %mul3A_275 = arith.constant 0.0883883461 : f32
        %mul3A_276 = vector.broadcast %mul3A_275 : f32 to vector<16xf32>
        %mul3A_277 = arith.mulf %get3A_274, %mul3A_276 : vector<16xf32>
        %swap3A_278 = arith.index_cast %scan3A_199 : i32 to index
        %swap3A_279 = arith.constant 96 : index
        %swap3A_280 = tpu.vector_load %arg6[%swap3A_278, %swap3A_279] {strides = array<i32>} : memref<128x128xf32, #tpu.memory_space<vmem>>, vector<1x16xf32>,
        %swap3A_281 = vector.shape_cast %swap3A_280 : vector<1x16xf32> to vector<16xf32>
        %swap3A_282 = vector.shape_cast %mul3A_277 : vector<16xf32> to vector<1x16xf32>
        tpu.vector_store %arg6[%swap3A_278, %swap3A_279], %swap3A_282 {strides = array<i32>} : memref<128x128xf32, #tpu.memory_space<vmem>>, vector<1x16xf32>,
        %get3A_283 = arith.index_cast %scan3A_199 : i32 to index
        %get3A_284 = arith.constant 112 : index
        %get3A_285 = tpu.vector_load %arg6[%get3A_283, %get3A_284] {strides = array<i32>} : memref<128x128xf32, #tpu.memory_space<vmem>>, vector<1x16xf32>,
        %get3A_286 = vector.shape_cast %get3A_285 : vector<1x16xf32> to vector<16xf32>
        %mul3A_287 = arith.constant 0.0883883461 : f32
        %mul3A_288 = vector.broadcast %mul3A_287 : f32 to vector<16xf32>
        %mul3A_289 = arith.mulf %get3A_286, %mul3A_288 : vector<16xf32>
        %swap3A_290 = arith.index_cast %scan3A_199 : i32 to index
        %swap3A_291 = arith.constant 112 : index
        %swap3A_292 = tpu.vector_load %arg6[%swap3A_290, %swap3A_291] {strides = array<i32>} : memref<128x128xf32, #tpu.memory_space<vmem>>, vector<1x16xf32>,
        %swap3A_293 = vector.shape_cast %swap3A_292 : vector<1x16xf32> to vector<16xf32>
        %swap3A_294 = vector.shape_cast %mul3A_289 : vector<16xf32> to vector<1x16xf32>
        tpu.vector_store %arg6[%swap3A_290, %swap3A_291], %swap3A_294 {strides = array<i32>} : memref<128x128xf32, #tpu.memory_space<vmem>>, vector<1x16xf32>,
        %scan3A_295 = arith.constant 0 : i32
        %scan3A_296 = arith.constant 1 : i32
        %scan3A_297 = arith.addi %scan3A_199, %scan3A_296 : i32
        %get3A_298 = arith.index_cast %scan3A_297 : i32 to index
        %get3A_299 = arith.constant 0 : index
        %get3A_300 = tpu.vector_load %arg6[%get3A_298, %get3A_299] {strides = array<i32>} : memref<128x128xf32, #tpu.memory_space<vmem>>, vector<1x16xf32>,
        %get3A_301 = vector.shape_cast %get3A_300 : vector<1x16xf32> to vector<16xf32>
        %mul3A_302 = arith.constant 0.0883883461 : f32
        %mul3A_303 = vector.broadcast %mul3A_302 : f32 to vector<16xf32>
        %mul3A_304 = arith.mulf %get3A_301, %mul3A_303 : vector<16xf32>
        %swap3A_305 = arith.index_cast %scan3A_297 : i32 to index
        %swap3A_306 = arith.constant 0 : index
        %swap3A_307 = tpu.vector_load %arg6[%swap3A_305, %swap3A_306] {strides = array<i32>} : memref<128x128xf32, #tpu.memory_space<vmem>>, vector<1x16xf32>,
        %swap3A_308 = vector.shape_cast %swap3A_307 : vector<1x16xf32> to vector<16xf32>
        %swap3A_309 = vector.shape_cast %mul3A_304 : vector<16xf32> to vector<1x16xf32>
        tpu.vector_store %arg6[%swap3A_305, %swap3A_306], %swap3A_309 {strides = array<i32>} : memref<128x128xf32, #tpu.memory_space<vmem>>, vector<1x16xf32>,
        %get3A_310 = arith.index_cast %scan3A_297 : i32 to index
        %get3A_311 = arith.constant 16 : index
        %get3A_312 = tpu.vector_load %arg6[%get3A_310, %get3A_311] {strides = array<i32>} : memref<128x128xf32, #tpu.memory_space<vmem>>, vector<1x16xf32>,
        %get3A_313 = vector.shape_cast %get3A_312 : vector<1x16xf32> to vector<16xf32>
        %mul3A_314 = arith.constant 0.0883883461 : f32
        %mul3A_315 = vector.broadcast %mul3A_314 : f32 to vector<16xf32>
        %mul3A_316 = arith.mulf %get3A_313, %mul3A_315 : vector<16xf32>
        %swap3A_317 = arith.index_cast %scan3A_297 : i32 to index
        %swap3A_318 = arith.constant 16 : index
        %swap3A_319 = tpu.vector_load %arg6[%swap3A_317, %swap3A_318] {strides = array<i32>} : memref<128x128xf32, #tpu.memory_space<vmem>>, vector<1x16xf32>,
        %swap3A_320 = vector.shape_cast %swap3A_319 : vector<1x16xf32> to vector<16xf32>
        %swap3A_321 = vector.shape_cast %mul3A_316 : vector<16xf32> to vector<1x16xf32>
        tpu.vector_store %arg6[%swap3A_317, %swap3A_318], %swap3A_321 {strides = array<i32>} : memref<128x128xf32, #tpu.memory_space<vmem>>, vector<1x16xf32>,
        %get3A_322 = arith.index_cast %scan3A_297 : i32 to index
        %get3A_323 = arith.constant 32 : index
        %get3A_324 = tpu.vector_load %arg6[%get3A_322, %get3A_323] {strides = array<i32>} : memref<128x128xf32, #tpu.memory_space<vmem>>, vector<1x16xf32>,
        %get3A_325 = vector.shape_cast %get3A_324 : vector<1x16xf32> to vector<16xf32>
        %mul3A_326 = arith.constant 0.0883883461 : f32
        %mul3A_327 = vector.broadcast %mul3A_326 : f32 to vector<16xf32>
        %mul3A_328 = arith.mulf %get3A_325, %mul3A_327 : vector<16xf32>
        %swap3A_329 = arith.index_cast %scan3A_297 : i32 to index
        %swap3A_330 = arith.constant 32 : index
        %swap3A_331 = tpu.vector_load %arg6[%swap3A_329, %swap3A_330] {strides = array<i32>} : memref<128x128xf32, #tpu.memory_space<vmem>>, vector<1x16xf32>,
        %swap3A_332 = vector.shape_cast %swap3A_331 : vector<1x16xf32> to vector<16xf32>
        %swap3A_333 = vector.shape_cast %mul3A_328 : vector<16xf32> to vector<1x16xf32>
        tpu.vector_store %arg6[%swap3A_329, %swap3A_330], %swap3A_333 {strides = array<i32>} : memref<128x128xf32, #tpu.memory_space<vmem>>, vector<1x16xf32>,
        %get3A_334 = arith.index_cast %scan3A_297 : i32 to index
        %get3A_335 = arith.constant 48 : index
        %get3A_336 = tpu.vector_load %arg6[%get3A_334, %get3A_335] {strides = array<i32>} : memref<128x128xf32, #tpu.memory_space<vmem>>, vector<1x16xf32>,
        %get3A_337 = vector.shape_cast %get3A_336 : vector<1x16xf32> to vector<16xf32>
        %mul3A_338 = arith.constant 0.0883883461 : f32
        %mul3A_339 = vector.broadcast %mul3A_338 : f32 to vector<16xf32>
        %mul3A_340 = arith.mulf %get3A_337, %mul3A_339 : vector<16xf32>
        %swap3A_341 = arith.index_cast %scan3A_297 : i32 to index
        %swap3A_342 = arith.constant 48 : index
        %swap3A_343 = tpu.vector_load %arg6[%swap3A_341, %swap3A_342] {strides = array<i32>} : memref<128x128xf32, #tpu.memory_space<vmem>>, vector<1x16xf32>,
        %swap3A_344 = vector.shape_cast %swap3A_343 : vector<1x16xf32> to vector<16xf32>
        %swap3A_345 = vector.shape_cast %mul3A_340 : vector<16xf32> to vector<1x16xf32>
        tpu.vector_store %arg6[%swap3A_341, %swap3A_342], %swap3A_345 {strides = array<i32>} : memref<128x128xf32, #tpu.memory_space<vmem>>, vector<1x16xf32>,
        %get3A_346 = arith.index_cast %scan3A_297 : i32 to index
        %get3A_347 = arith.constant 64 : index
        %get3A_348 = tpu.vector_load %arg6[%get3A_346, %get3A_347] {strides = array<i32>} : memref<128x128xf32, #tpu.memory_space<vmem>>, vector<1x16xf32>,
        %get3A_349 = vector.shape_cast %get3A_348 : vector<1x16xf32> to vector<16xf32>
        %mul3A_350 = arith.constant 0.0883883461 : f32
        %mul3A_351 = vector.broadcast %mul3A_350 : f32 to vector<16xf32>
        %mul3A_352 = arith.mulf %get3A_349, %mul3A_351 : vector<16xf32>
        %swap3A_353 = arith.index_cast %scan3A_297 : i32 to index
        %swap3A_354 = arith.constant 64 : index
        %swap3A_355 = tpu.vector_load %arg6[%swap3A_353, %swap3A_354] {strides = array<i32>} : memref<128x128xf32, #tpu.memory_space<vmem>>, vector<1x16xf32>,
        %swap3A_356 = vector.shape_cast %swap3A_355 : vector<1x16xf32> to vector<16xf32>
        %swap3A_357 = vector.shape_cast %mul3A_352 : vector<16xf32> to vector<1x16xf32>
        tpu.vector_store %arg6[%swap3A_353, %swap3A_354], %swap3A_357 {strides = array<i32>} : memref<128x128xf32, #tpu.memory_space<vmem>>, vector<1x16xf32>,
        %get3A_358 = arith.index_cast %scan3A_297 : i32 to index
        %get3A_359 = arith.constant 80 : index
        %get3A_360 = tpu.vector_load %arg6[%get3A_358, %get3A_359] {strides = array<i32>} : memref<128x128xf32, #tpu.memory_space<vmem>>, vector<1x16xf32>,
        %get3A_361 = vector.shape_cast %get3A_360 : vector<1x16xf32> to vector<16xf32>
        %mul3A_362 = arith.constant 0.0883883461 : f32
        %mul3A_363 = vector.broadcast %mul3A_362 : f32 to vector<16xf32>
        %mul3A_364 = arith.mulf %get3A_361, %mul3A_363 : vector<16xf32>
        %swap3A_365 = arith.index_cast %scan3A_297 : i32 to index
        %swap3A_366 = arith.constant 80 : index
        %swap3A_367 = tpu.vector_load %arg6[%swap3A_365, %swap3A_366] {strides = array<i32>} : memref<128x128xf32, #tpu.memory_space<vmem>>, vector<1x16xf32>,
        %swap3A_368 = vector.shape_cast %swap3A_367 : vector<1x16xf32> to vector<16xf32>
        %swap3A_369 = vector.shape_cast %mul3A_364 : vector<16xf32> to vector<1x16xf32>
        tpu.vector_store %arg6[%swap3A_365, %swap3A_366], %swap3A_369 {strides = array<i32>} : memref<128x128xf32, #tpu.memory_space<vmem>>, vector<1x16xf32>,
        %get3A_370 = arith.index_cast %scan3A_297 : i32 to index
        %get3A_371 = arith.constant 96 : index
        %get3A_372 = tpu.vector_load %arg6[%get3A_370, %get3A_371] {strides = array<i32>} : memref<128x128xf32, #tpu.memory_space<vmem>>, vector<1x16xf32>,
        %get3A_373 = vector.shape_cast %get3A_372 : vector<1x16xf32> to vector<16xf32>
        %mul3A_374 = arith.constant 0.0883883461 : f32
        %mul3A_375 = vector.broadcast %mul3A_374 : f32 to vector<16xf32>
        %mul3A_376 = arith.mulf %get3A_373, %mul3A_375 : vector<16xf32>
        %swap3A_377 = arith.index_cast %scan3A_297 : i32 to index
        %swap3A_378 = arith.constant 96 : index
        %swap3A_379 = tpu.vector_load %arg6[%swap3A_377, %swap3A_378] {strides = array<i32>} : memref<128x128xf32, #tpu.memory_space<vmem>>, vector<1x16xf32>,
        %swap3A_380 = vector.shape_cast %swap3A_379 : vector<1x16xf32> to vector<16xf32>
        %swap3A_381 = vector.shape_cast %mul3A_376 : vector<16xf32> to vector<1x16xf32>
        tpu.vector_store %arg6[%swap3A_377, %swap3A_378], %swap3A_381 {strides = array<i32>} : memref<128x128xf32, #tpu.memory_space<vmem>>, vector<1x16xf32>,
        %get3A_382 = arith.index_cast %scan3A_297 : i32 to index
        %get3A_383 = arith.constant 112 : index
        %get3A_384 = tpu.vector_load %arg6[%get3A_382, %get3A_383] {strides = array<i32>} : memref<128x128xf32, #tpu.memory_space<vmem>>, vector<1x16xf32>,
        %get3A_385 = vector.shape_cast %get3A_384 : vector<1x16xf32> to vector<16xf32>
        %mul3A_386 = arith.constant 0.0883883461 : f32
        %mul3A_387 = vector.broadcast %mul3A_386 : f32 to vector<16xf32>
        %mul3A_388 = arith.mulf %get3A_385, %mul3A_387 : vector<16xf32>
        %swap3A_389 = arith.index_cast %scan3A_297 : i32 to index
        %swap3A_390 = arith.constant 112 : index
        %swap3A_391 = tpu.vector_load %arg6[%swap3A_389, %swap3A_390] {strides = array<i32>} : memref<128x128xf32, #tpu.memory_space<vmem>>, vector<1x16xf32>,
        %swap3A_392 = vector.shape_cast %swap3A_391 : vector<1x16xf32> to vector<16xf32>
        %swap3A_393 = vector.shape_cast %mul3A_388 : vector<16xf32> to vector<1x16xf32>
        tpu.vector_store %arg6[%swap3A_389, %swap3A_390], %swap3A_393 {strides = array<i32>} : memref<128x128xf32, #tpu.memory_space<vmem>>, vector<1x16xf32>,
        %scan3A_394 = arith.constant 0 : i32
        %scan3A_395 = arith.constant 2 : i32
        %scan3A_396 = arith.addi %scan3A_199, %scan3A_395 : i32
        %get3A_397 = arith.index_cast %scan3A_396 : i32 to index
        %get3A_398 = arith.constant 0 : index
        %get3A_399 = tpu.vector_load %arg6[%get3A_397, %get3A_398] {strides = array<i32>} : memref<128x128xf32, #tpu.memory_space<vmem>>, vector<1x16xf32>,
        %get3A_400 = vector.shape_cast %get3A_399 : vector<1x16xf32> to vector<16xf32>
        %mul3A_401 = arith.constant 0.0883883461 : f32
        %mul3A_402 = vector.broadcast %mul3A_401 : f32 to vector<16xf32>
        %mul3A_403 = arith.mulf %get3A_400, %mul3A_402 : vector<16xf32>
        %swap3A_404 = arith.index_cast %scan3A_396 : i32 to index
        %swap3A_405 = arith.constant 0 : index
        %swap3A_406 = tpu.vector_load %arg6[%swap3A_404, %swap3A_405] {strides = array<i32>} : memref<128x128xf32, #tpu.memory_space<vmem>>, vector<1x16xf32>,
        %swap3A_407 = vector.shape_cast %swap3A_406 : vector<1x16xf32> to vector<16xf32>
        %swap3A_408 = vector.shape_cast %mul3A_403 : vector<16xf32> to vector<1x16xf32>
        tpu.vector_store %arg6[%swap3A_404, %swap3A_405], %swap3A_408 {strides = array<i32>} : memref<128x128xf32, #tpu.memory_space<vmem>>, vector<1x16xf32>,
        %get3A_409 = arith.index_cast %scan3A_396 : i32 to index
        %get3A_410 = arith.constant 16 : index
        %get3A_411 = tpu.vector_load %arg6[%get3A_409, %get3A_410] {strides = array<i32>} : memref<128x128xf32, #tpu.memory_space<vmem>>, vector<1x16xf32>,
        %get3A_412 = vector.shape_cast %get3A_411 : vector<1x16xf32> to vector<16xf32>
        %mul3A_413 = arith.constant 0.0883883461 : f32
        %mul3A_414 = vector.broadcast %mul3A_413 : f32 to vector<16xf32>
        %mul3A_415 = arith.mulf %get3A_412, %mul3A_414 : vector<16xf32>
        %swap3A_416 = arith.index_cast %scan3A_396 : i32 to index
        %swap3A_417 = arith.constant 16 : index
        %swap3A_418 = tpu.vector_load %arg6[%swap3A_416, %swap3A_417] {strides = array<i32>} : memref<128x128xf32, #tpu.memory_space<vmem>>, vector<1x16xf32>,
        %swap3A_419 = vector.shape_cast %swap3A_418 : vector<1x16xf32> to vector<16xf32>
        %swap3A_420 = vector.shape_cast %mul3A_415 : vector<16xf32> to vector<1x16xf32>
        tpu.vector_store %arg6[%swap3A_416, %swap3A_417], %swap3A_420 {strides = array<i32>} : memref<128x128xf32, #tpu.memory_space<vmem>>, vector<1x16xf32>,
        %get3A_421 = arith.index_cast %scan3A_396 : i32 to index
        %get3A_422 = arith.constant 32 : index
        %get3A_423 = tpu.vector_load %arg6[%get3A_421, %get3A_422] {strides = array<i32>} : memref<128x128xf32, #tpu.memory_space<vmem>>, vector<1x16xf32>,
        %get3A_424 = vector.shape_cast %get3A_423 : vector<1x16xf32> to vector<16xf32>
        %mul3A_425 = arith.constant 0.0883883461 : f32
        %mul3A_426 = vector.broadcast %mul3A_425 : f32 to vector<16xf32>
        %mul3A_427 = arith.mulf %get3A_424, %mul3A_426 : vector<16xf32>
        %swap3A_428 = arith.index_cast %scan3A_396 : i32 to index
        %swap3A_429 = arith.constant 32 : index
        %swap3A_430 = tpu.vector_load %arg6[%swap3A_428, %swap3A_429] {strides = array<i32>} : memref<128x128xf32, #tpu.memory_space<vmem>>, vector<1x16xf32>,
        %swap3A_431 = vector.shape_cast %swap3A_430 : vector<1x16xf32> to vector<16xf32>
        %swap3A_432 = vector.shape_cast %mul3A_427 : vector<16xf32> to vector<1x16xf32>
        tpu.vector_store %arg6[%swap3A_428, %swap3A_429], %swap3A_432 {strides = array<i32>} : memref<128x128xf32, #tpu.memory_space<vmem>>, vector<1x16xf32>,
        %get3A_433 = arith.index_cast %scan3A_396 : i32 to index
        %get3A_434 = arith.constant 48 : index
        %get3A_435 = tpu.vector_load %arg6[%get3A_433, %get3A_434] {strides = array<i32>} : memref<128x128xf32, #tpu.memory_space<vmem>>, vector<1x16xf32>,
        %get3A_436 = vector.shape_cast %get3A_435 : vector<1x16xf32> to vector<16xf32>
        %mul3A_437 = arith.constant 0.0883883461 : f32
        %mul3A_438 = vector.broadcast %mul3A_437 : f32 to vector<16xf32>
        %mul3A_439 = arith.mulf %get3A_436, %mul3A_438 : vector<16xf32>
        %swap3A_440 = arith.index_cast %scan3A_396 : i32 to index
        %swap3A_441 = arith.constant 48 : index
        %swap3A_442 = tpu.vector_load %arg6[%swap3A_440, %swap3A_441] {strides = array<i32>} : memref<128x128xf32, #tpu.memory_space<vmem>>, vector<1x16xf32>,
        %swap3A_443 = vector.shape_cast %swap3A_442 : vector<1x16xf32> to vector<16xf32>
        %swap3A_444 = vector.shape_cast %mul3A_439 : vector<16xf32> to vector<1x16xf32>
        tpu.vector_store %arg6[%swap3A_440, %swap3A_441], %swap3A_444 {strides = array<i32>} : memref<128x128xf32, #tpu.memory_space<vmem>>, vector<1x16xf32>,
        %get3A_445 = arith.index_cast %scan3A_396 : i32 to index
        %get3A_446 = arith.constant 64 : index
        %get3A_447 = tpu.vector_load %arg6[%get3A_445, %get3A_446] {strides = array<i32>} : memref<128x128xf32, #tpu.memory_space<vmem>>, vector<1x16xf32>,
        %get3A_448 = vector.shape_cast %get3A_447 : vector<1x16xf32> to vector<16xf32>
        %mul3A_449 = arith.constant 0.0883883461 : f32
        %mul3A_450 = vector.broadcast %mul3A_449 : f32 to vector<16xf32>
        %mul3A_451 = arith.mulf %get3A_448, %mul3A_450 : vector<16xf32>
        %swap3A_452 = arith.index_cast %scan3A_396 : i32 to index
        %swap3A_453 = arith.constant 64 : index
        %swap3A_454 = tpu.vector_load %arg6[%swap3A_452, %swap3A_453] {strides = array<i32>} : memref<128x128xf32, #tpu.memory_space<vmem>>, vector<1x16xf32>,
        %swap3A_455 = vector.shape_cast %swap3A_454 : vector<1x16xf32> to vector<16xf32>
        %swap3A_456 = vector.shape_cast %mul3A_451 : vector<16xf32> to vector<1x16xf32>
        tpu.vector_store %arg6[%swap3A_452, %swap3A_453], %swap3A_456 {strides = array<i32>} : memref<128x128xf32, #tpu.memory_space<vmem>>, vector<1x16xf32>,
        %get3A_457 = arith.index_cast %scan3A_396 : i32 to index
        %get3A_458 = arith.constant 80 : index
        %get3A_459 = tpu.vector_load %arg6[%get3A_457, %get3A_458] {strides = array<i32>} : memref<128x128xf32, #tpu.memory_space<vmem>>, vector<1x16xf32>,
        %get3A_460 = vector.shape_cast %get3A_459 : vector<1x16xf32> to vector<16xf32>
        %mul3A_461 = arith.constant 0.0883883461 : f32
        %mul3A_462 = vector.broadcast %mul3A_461 : f32 to vector<16xf32>
        %mul3A_463 = arith.mulf %get3A_460, %mul3A_462 : vector<16xf32>
        %swap3A_464 = arith.index_cast %scan3A_396 : i32 to index
        %swap3A_465 = arith.constant 80 : index
        %swap3A_466 = tpu.vector_load %arg6[%swap3A_464, %swap3A_465] {strides = array<i32>} : memref<128x128xf32, #tpu.memory_space<vmem>>, vector<1x16xf32>,
        %swap3A_467 = vector.shape_cast %swap3A_466 : vector<1x16xf32> to vector<16xf32>
        %swap3A_468 = vector.shape_cast %mul3A_463 : vector<16xf32> to vector<1x16xf32>
        tpu.vector_store %arg6[%swap3A_464, %swap3A_465], %swap3A_468 {strides = array<i32>} : memref<128x128xf32, #tpu.memory_space<vmem>>, vector<1x16xf32>,
        %get3A_469 = arith.index_cast %scan3A_396 : i32 to index
        %get3A_470 = arith.constant 96 : index
        %get3A_471 = tpu.vector_load %arg6[%get3A_469, %get3A_470] {strides = array<i32>} : memref<128x128xf32, #tpu.memory_space<vmem>>, vector<1x16xf32>,
        %get3A_472 = vector.shape_cast %get3A_471 : vector<1x16xf32> to vector<16xf32>
        %mul3A_473 = arith.constant 0.0883883461 : f32
        %mul3A_474 = vector.broadcast %mul3A_473 : f32 to vector<16xf32>
        %mul3A_475 = arith.mulf %get3A_472, %mul3A_474 : vector<16xf32>
        %swap3A_476 = arith.index_cast %scan3A_396 : i32 to index
        %swap3A_477 = arith.constant 96 : index
        %swap3A_478 = tpu.vector_load %arg6[%swap3A_476, %swap3A_477] {strides = array<i32>} : memref<128x128xf32, #tpu.memory_space<vmem>>, vector<1x16xf32>,
        %swap3A_479 = vector.shape_cast %swap3A_478 : vector<1x16xf32> to vector<16xf32>
        %swap3A_480 = vector.shape_cast %mul3A_475 : vector<16xf32> to vector<1x16xf32>
        tpu.vector_store %arg6[%swap3A_476, %swap3A_477], %swap3A_480 {strides = array<i32>} : memref<128x128xf32, #tpu.memory_space<vmem>>, vector<1x16xf32>,
        %get3A_481 = arith.index_cast %scan3A_396 : i32 to index
        %get3A_482 = arith.constant 112 : index
        %get3A_483 = tpu.vector_load %arg6[%get3A_481, %get3A_482] {strides = array<i32>} : memref<128x128xf32, #tpu.memory_space<vmem>>, vector<1x16xf32>,
        %get3A_484 = vector.shape_cast %get3A_483 : vector<1x16xf32> to vector<16xf32>
        %mul3A_485 = arith.constant 0.0883883461 : f32
        %mul3A_486 = vector.broadcast %mul3A_485 : f32 to vector<16xf32>
        %mul3A_487 = arith.mulf %get3A_484, %mul3A_486 : vector<16xf32>
        %swap3A_488 = arith.index_cast %scan3A_396 : i32 to index
        %swap3A_489 = arith.constant 112 : index
        %swap3A_490 = tpu.vector_load %arg6[%swap3A_488, %swap3A_489] {strides = array<i32>} : memref<128x128xf32, #tpu.memory_space<vmem>>, vector<1x16xf32>,
        %swap3A_491 = vector.shape_cast %swap3A_490 : vector<1x16xf32> to vector<16xf32>
        %swap3A_492 = vector.shape_cast %mul3A_487 : vector<16xf32> to vector<1x16xf32>
        tpu.vector_store %arg6[%swap3A_488, %swap3A_489], %swap3A_492 {strides = array<i32>} : memref<128x128xf32, #tpu.memory_space<vmem>>, vector<1x16xf32>,
        %scan3A_493 = arith.constant 0 : i32
        %scan3A_494 = arith.constant 3 : i32
        %scan3A_495 = arith.addi %scan3A_199, %scan3A_494 : i32
        %get3A_496 = arith.index_cast %scan3A_495 : i32 to index
        %get3A_497 = arith.constant 0 : index
        %get3A_498 = tpu.vector_load %arg6[%get3A_496, %get3A_497] {strides = array<i32>} : memref<128x128xf32, #tpu.memory_space<vmem>>, vector<1x16xf32>,
        %get3A_499 = vector.shape_cast %get3A_498 : vector<1x16xf32> to vector<16xf32>
        %mul3A_500 = arith.constant 0.0883883461 : f32
        %mul3A_501 = vector.broadcast %mul3A_500 : f32 to vector<16xf32>
        %mul3A_502 = arith.mulf %get3A_499, %mul3A_501 : vector<16xf32>
        %swap3A_503 = arith.index_cast %scan3A_495 : i32 to index
        %swap3A_504 = arith.constant 0 : index
        %swap3A_505 = tpu.vector_load %arg6[%swap3A_503, %swap3A_504] {strides = array<i32>} : memref<128x128xf32, #tpu.memory_space<vmem>>, vector<1x16xf32>,
        %swap3A_506 = vector.shape_cast %swap3A_505 : vector<1x16xf32> to vector<16xf32>
        %swap3A_507 = vector.shape_cast %mul3A_502 : vector<16xf32> to vector<1x16xf32>
        tpu.vector_store %arg6[%swap3A_503, %swap3A_504], %swap3A_507 {strides = array<i32>} : memref<128x128xf32, #tpu.memory_space<vmem>>, vector<1x16xf32>,
        %get3A_508 = arith.index_cast %scan3A_495 : i32 to index
        %get3A_509 = arith.constant 16 : index
        %get3A_510 = tpu.vector_load %arg6[%get3A_508, %get3A_509] {strides = array<i32>} : memref<128x128xf32, #tpu.memory_space<vmem>>, vector<1x16xf32>,
        %get3A_511 = vector.shape_cast %get3A_510 : vector<1x16xf32> to vector<16xf32>
        %mul3A_512 = arith.constant 0.0883883461 : f32
        %mul3A_513 = vector.broadcast %mul3A_512 : f32 to vector<16xf32>
        %mul3A_514 = arith.mulf %get3A_511, %mul3A_513 : vector<16xf32>
        %swap3A_515 = arith.index_cast %scan3A_495 : i32 to index
        %swap3A_516 = arith.constant 16 : index
        %swap3A_517 = tpu.vector_load %arg6[%swap3A_515, %swap3A_516] {strides = array<i32>} : memref<128x128xf32, #tpu.memory_space<vmem>>, vector<1x16xf32>,
        %swap3A_518 = vector.shape_cast %swap3A_517 : vector<1x16xf32> to vector<16xf32>
        %swap3A_519 = vector.shape_cast %mul3A_514 : vector<16xf32> to vector<1x16xf32>
        tpu.vector_store %arg6[%swap3A_515, %swap3A_516], %swap3A_519 {strides = array<i32>} : memref<128x128xf32, #tpu.memory_space<vmem>>, vector<1x16xf32>,
        %get3A_520 = arith.index_cast %scan3A_495 : i32 to index
        %get3A_521 = arith.constant 32 : index
        %get3A_522 = tpu.vector_load %arg6[%get3A_520, %get3A_521] {strides = array<i32>} : memref<128x128xf32, #tpu.memory_space<vmem>>, vector<1x16xf32>,
        %get3A_523 = vector.shape_cast %get3A_522 : vector<1x16xf32> to vector<16xf32>
        %mul3A_524 = arith.constant 0.0883883461 : f32
        %mul3A_525 = vector.broadcast %mul3A_524 : f32 to vector<16xf32>
        %mul3A_526 = arith.mulf %get3A_523, %mul3A_525 : vector<16xf32>
        %swap3A_527 = arith.index_cast %scan3A_495 : i32 to index
        %swap3A_528 = arith.constant 32 : index
        %swap3A_529 = tpu.vector_load %arg6[%swap3A_527, %swap3A_528] {strides = array<i32>} : memref<128x128xf32, #tpu.memory_space<vmem>>, vector<1x16xf32>,
        %swap3A_530 = vector.shape_cast %swap3A_529 : vector<1x16xf32> to vector<16xf32>
        %swap3A_531 = vector.shape_cast %mul3A_526 : vector<16xf32> to vector<1x16xf32>
        tpu.vector_store %arg6[%swap3A_527, %swap3A_528], %swap3A_531 {strides = array<i32>} : memref<128x128xf32, #tpu.memory_space<vmem>>, vector<1x16xf32>,
        %get3A_532 = arith.index_cast %scan3A_495 : i32 to index
        %get3A_533 = arith.constant 48 : index
        %get3A_534 = tpu.vector_load %arg6[%get3A_532, %get3A_533] {strides = array<i32>} : memref<128x128xf32, #tpu.memory_space<vmem>>, vector<1x16xf32>,
        %get3A_535 = vector.shape_cast %get3A_534 : vector<1x16xf32> to vector<16xf32>
        %mul3A_536 = arith.constant 0.0883883461 : f32
        %mul3A_537 = vector.broadcast %mul3A_536 : f32 to vector<16xf32>
        %mul3A_538 = arith.mulf %get3A_535, %mul3A_537 : vector<16xf32>
        %swap3A_539 = arith.index_cast %scan3A_495 : i32 to index
        %swap3A_540 = arith.constant 48 : index
        %swap3A_541 = tpu.vector_load %arg6[%swap3A_539, %swap3A_540] {strides = array<i32>} : memref<128x128xf32, #tpu.memory_space<vmem>>, vector<1x16xf32>,
        %swap3A_542 = vector.shape_cast %swap3A_541 : vector<1x16xf32> to vector<16xf32>
        %swap3A_543 = vector.shape_cast %mul3A_538 : vector<16xf32> to vector<1x16xf32>
        tpu.vector_store %arg6[%swap3A_539, %swap3A_540], %swap3A_543 {strides = array<i32>} : memref<128x128xf32, #tpu.memory_space<vmem>>, vector<1x16xf32>,
        %get3A_544 = arith.index_cast %scan3A_495 : i32 to index
        %get3A_545 = arith.constant 64 : index
        %get3A_546 = tpu.vector_load %arg6[%get3A_544, %get3A_545] {strides = array<i32>} : memref<128x128xf32, #tpu.memory_space<vmem>>, vector<1x16xf32>,
        %get3A_547 = vector.shape_cast %get3A_546 : vector<1x16xf32> to vector<16xf32>
        %mul3A_548 = arith.constant 0.0883883461 : f32
        %mul3A_549 = vector.broadcast %mul3A_548 : f32 to vector<16xf32>
        %mul3A_550 = arith.mulf %get3A_547, %mul3A_549 : vector<16xf32>
        %swap3A_551 = arith.index_cast %scan3A_495 : i32 to index
        %swap3A_552 = arith.constant 64 : index
        %swap3A_553 = tpu.vector_load %arg6[%swap3A_551, %swap3A_552] {strides = array<i32>} : memref<128x128xf32, #tpu.memory_space<vmem>>, vector<1x16xf32>,
        %swap3A_554 = vector.shape_cast %swap3A_553 : vector<1x16xf32> to vector<16xf32>
        %swap3A_555 = vector.shape_cast %mul3A_550 : vector<16xf32> to vector<1x16xf32>
        tpu.vector_store %arg6[%swap3A_551, %swap3A_552], %swap3A_555 {strides = array<i32>} : memref<128x128xf32, #tpu.memory_space<vmem>>, vector<1x16xf32>,
        %get3A_556 = arith.index_cast %scan3A_495 : i32 to index
        %get3A_557 = arith.constant 80 : index
        %get3A_558 = tpu.vector_load %arg6[%get3A_556, %get3A_557] {strides = array<i32>} : memref<128x128xf32, #tpu.memory_space<vmem>>, vector<1x16xf32>,
        %get3A_559 = vector.shape_cast %get3A_558 : vector<1x16xf32> to vector<16xf32>
        %mul3A_560 = arith.constant 0.0883883461 : f32
        %mul3A_561 = vector.broadcast %mul3A_560 : f32 to vector<16xf32>
        %mul3A_562 = arith.mulf %get3A_559, %mul3A_561 : vector<16xf32>
        %swap3A_563 = arith.index_cast %scan3A_495 : i32 to index
        %swap3A_564 = arith.constant 80 : index
        %swap3A_565 = tpu.vector_load %arg6[%swap3A_563, %swap3A_564] {strides = array<i32>} : memref<128x128xf32, #tpu.memory_space<vmem>>, vector<1x16xf32>,
        %swap3A_566 = vector.shape_cast %swap3A_565 : vector<1x16xf32> to vector<16xf32>
        %swap3A_567 = vector.shape_cast %mul3A_562 : vector<16xf32> to vector<1x16xf32>
        tpu.vector_store %arg6[%swap3A_563, %swap3A_564], %swap3A_567 {strides = array<i32>} : memref<128x128xf32, #tpu.memory_space<vmem>>, vector<1x16xf32>,
        %get3A_568 = arith.index_cast %scan3A_495 : i32 to index
        %get3A_569 = arith.constant 96 : index
        %get3A_570 = tpu.vector_load %arg6[%get3A_568, %get3A_569] {strides = array<i32>} : memref<128x128xf32, #tpu.memory_space<vmem>>, vector<1x16xf32>,
        %get3A_571 = vector.shape_cast %get3A_570 : vector<1x16xf32> to vector<16xf32>
        %mul3A_572 = arith.constant 0.0883883461 : f32
        %mul3A_573 = vector.broadcast %mul3A_572 : f32 to vector<16xf32>
        %mul3A_574 = arith.mulf %get3A_571, %mul3A_573 : vector<16xf32>
        %swap3A_575 = arith.index_cast %scan3A_495 : i32 to index
        %swap3A_576 = arith.constant 96 : index
        %swap3A_577 = tpu.vector_load %arg6[%swap3A_575, %swap3A_576] {strides = array<i32>} : memref<128x128xf32, #tpu.memory_space<vmem>>, vector<1x16xf32>,
        %swap3A_578 = vector.shape_cast %swap3A_577 : vector<1x16xf32> to vector<16xf32>
        %swap3A_579 = vector.shape_cast %mul3A_574 : vector<16xf32> to vector<1x16xf32>
        tpu.vector_store %arg6[%swap3A_575, %swap3A_576], %swap3A_579 {strides = array<i32>} : memref<128x128xf32, #tpu.memory_space<vmem>>, vector<1x16xf32>,
        %get3A_580 = arith.index_cast %scan3A_495 : i32 to index
        %get3A_581 = arith.constant 112 : index
        %get3A_582 = tpu.vector_load %arg6[%get3A_580, %get3A_581] {strides = array<i32>} : memref<128x128xf32, #tpu.memory_space<vmem>>, vector<1x16xf32>,
        %get3A_583 = vector.shape_cast %get3A_582 : vector<1x16xf32> to vector<16xf32>
        %mul3A_584 = arith.constant 0.0883883461 : f32
        %mul3A_585 = vector.broadcast %mul3A_584 : f32 to vector<16xf32>
        %mul3A_586 = arith.mulf %get3A_583, %mul3A_585 : vector<16xf32>
        %swap3A_587 = arith.index_cast %scan3A_495 : i32 to index
        %swap3A_588 = arith.constant 112 : index
        %swap3A_589 = tpu.vector_load %arg6[%swap3A_587, %swap3A_588] {strides = array<i32>} : memref<128x128xf32, #tpu.memory_space<vmem>>, vector<1x16xf32>,
        %swap3A_590 = vector.shape_cast %swap3A_589 : vector<1x16xf32> to vector<16xf32>
        %swap3A_591 = vector.shape_cast %mul3A_586 : vector<16xf32> to vector<1x16xf32>
        tpu.vector_store %arg6[%swap3A_587, %swap3A_588], %swap3A_591 {strides = array<i32>} : memref<128x128xf32, #tpu.memory_space<vmem>>, vector<1x16xf32>,
        %scan3A_592 = arith.constant 0 : i32
        scf.yield %scan3A_592 : i32
      }
      %scan3A_92 = arith.constant 128 : i32
      %mul3A_93 = arith.constant 128 : i32
      %mul3A_94 = arith.muli %add3A_79, %mul3A_93 : i32
      %add3A_95 = arith.addi %mul3A_2, %mul3A_94 : i32
      %dma_start3A_96 = arith.constant 0 : i32
      %dma_start3A_97 = tpu.memref_slice %arg4[%add3A_95, %dma_start3A_96] : memref<819200x128xf32, #tpu.memory_space<hbm>> -> memref<128x128xf32, #tpu.memory_space<hbm>>
      %dma_start3A_98 = arith.constant 0 : i32
      %dma_start3A_99 = tpu.memref_slice %arg4[%add3A_95, %dma_start3A_98] : memref<819200x128xf32, #tpu.memory_space<hbm>> -> memref<128x128xf32, #tpu.memory_space<hbm>>
      tpu.enqueue_dma source(%arg6 : memref<128x128xf32, #tpu.memory_space<vmem>>) target(%dma_start3A_99 : memref<128x128xf32, #tpu.memory_space<hbm>>) target_semaphore(%arg16 : memref<!tpu.dma_semaphore, #tpu.memory_space<semaphore_mem>>)
      %mul3A_100 = arith.constant 5 : i32
      %mul3A_101 = arith.muli %scan3A_74, %mul3A_100 : i32
      %add3A_102 = arith.constant 1 : i32
      %add3A_103 = arith.addi %mul3A_101, %add3A_102 : i32
      %dma_wait3A_104 = arith.constant 0 : i32
      %dma_wait3A_105 = tpu.memref_slice %arg5[%add3A_103, %dma_wait3A_104] : memref<200x128xi32, #tpu.memory_space<vmem>> -> memref<1x128xi32, #tpu.memory_space<vmem>>
      %dma_wait3A_106 = tpu.memref_squeeze %dma_wait3A_105 : memref<1x128xi32, #tpu.memory_space<vmem>> -> memref<128xi32, #tpu.memory_space<vmem>>
      %dma_wait3A_107 = arith.constant 0 : i32
      %dma_wait3A_108 = arith.constant 0 : i32
      %dma_wait3A_109 = tpu.memref_slice %arg3[%dma_wait3A_107, %dma_wait3A_108] : memref<100000x128xf32, #tpu.memory_space<hbm>> -> memref<100000x128xf32, #tpu.memory_space<hbm>>
      tpu.wait_indirect_dma semaphore(%arg12 : memref<!tpu.dma_semaphore, #tpu.memory_space<semaphore_mem>>) src(%dma_wait3A_109 : memref<100000x128xf32, #tpu.memory_space<hbm>>) dst(%arg7 : memref<128x128xf32, #tpu.memory_space<vmem>>)
      %scan3A_110 = arith.constant 0 : i32
      %scan3A_111 = arith.constant 0 : i32
      %scan3A_112 = arith.constant 128 : i32
      %scan3A_113 = arith.addi %scan3A_111, %scan3A_112 : i32
      %scan3A_114 = arith.constant 4 : i32
      %scan3A_115 = scf.for %scan3A_199 = %scan3A_111 to %scan3A_113 step %scan3A_114 iter_args(%scan3A_200 = %scan3A_110) -> (i32)  : i32 {
        %get3A = arith.index_cast %scan3A_199 : i32 to index
        %get3A_201 = arith.constant 0 : index
        %get3A_202 = tpu.vector_load %arg7[%get3A, %get3A_201] {strides = array<i32>} : memref<128x128xf32, #tpu.memory_space<vmem>>, vector<1x16xf32>,
        %get3A_203 = vector.shape_cast %get3A_202 : vector<1x16xf32> to vector<16xf32>
        %mul3A_204 = arith.constant 0.0883883461 : f32
        %mul3A_205 = vector.broadcast %mul3A_204 : f32 to vector<16xf32>
        %mul3A_206 = arith.mulf %get3A_203, %mul3A_205 : vector<16xf32>
        %swap3A = arith.index_cast %scan3A_199 : i32 to index
        %swap3A_207 = arith.constant 0 : index
        %swap3A_208 = tpu.vector_load %arg7[%swap3A, %swap3A_207] {strides = array<i32>} : memref<128x128xf32, #tpu.memory_space<vmem>>, vector<1x16xf32>,
        %swap3A_209 = vector.shape_cast %swap3A_208 : vector<1x16xf32> to vector<16xf32>
        %swap3A_210 = vector.shape_cast %mul3A_206 : vector<16xf32> to vector<1x16xf32>
        tpu.vector_store %arg7[%swap3A, %swap3A_207], %swap3A_210 {strides = array<i32>} : memref<128x128xf32, #tpu.memory_space<vmem>>, vector<1x16xf32>,
        %get3A_211 = arith.index_cast %scan3A_199 : i32 to index
        %get3A_212 = arith.constant 16 : index
        %get3A_213 = tpu.vector_load %arg7[%get3A_211, %get3A_212] {strides = array<i32>} : memref<128x128xf32, #tpu.memory_space<vmem>>, vector<1x16xf32>,
        %get3A_214 = vector.shape_cast %get3A_213 : vector<1x16xf32> to vector<16xf32>
        %mul3A_215 = arith.constant 0.0883883461 : f32
        %mul3A_216 = vector.broadcast %mul3A_215 : f32 to vector<16xf32>
        %mul3A_217 = arith.mulf %get3A_214, %mul3A_216 : vector<16xf32>
        %swap3A_218 = arith.index_cast %scan3A_199 : i32 to index
        %swap3A_219 = arith.constant 16 : index
        %swap3A_220 = tpu.vector_load %arg7[%swap3A_218, %swap3A_219] {strides = array<i32>} : memref<128x128xf32, #tpu.memory_space<vmem>>, vector<1x16xf32>,
        %swap3A_221 = vector.shape_cast %swap3A_220 : vector<1x16xf32> to vector<16xf32>
        %swap3A_222 = vector.shape_cast %mul3A_217 : vector<16xf32> to vector<1x16xf32>
        tpu.vector_store %arg7[%swap3A_218, %swap3A_219], %swap3A_222 {strides = array<i32>} : memref<128x128xf32, #tpu.memory_space<vmem>>, vector<1x16xf32>,
        %get3A_223 = arith.index_cast %scan3A_199 : i32 to index
        %get3A_224 = arith.constant 32 : index
        %get3A_225 = tpu.vector_load %arg7[%get3A_223, %get3A_224] {strides = array<i32>} : memref<128x128xf32, #tpu.memory_space<vmem>>, vector<1x16xf32>,
        %get3A_226 = vector.shape_cast %get3A_225 : vector<1x16xf32> to vector<16xf32>
        %mul3A_227 = arith.constant 0.0883883461 : f32
        %mul3A_228 = vector.broadcast %mul3A_227 : f32 to vector<16xf32>
        %mul3A_229 = arith.mulf %get3A_226, %mul3A_228 : vector<16xf32>
        %swap3A_230 = arith.index_cast %scan3A_199 : i32 to index
        %swap3A_231 = arith.constant 32 : index
        %swap3A_232 = tpu.vector_load %arg7[%swap3A_230, %swap3A_231] {strides = array<i32>} : memref<128x128xf32, #tpu.memory_space<vmem>>, vector<1x16xf32>,
        %swap3A_233 = vector.shape_cast %swap3A_232 : vector<1x16xf32> to vector<16xf32>
        %swap3A_234 = vector.shape_cast %mul3A_229 : vector<16xf32> to vector<1x16xf32>
        tpu.vector_store %arg7[%swap3A_230, %swap3A_231], %swap3A_234 {strides = array<i32>} : memref<128x128xf32, #tpu.memory_space<vmem>>, vector<1x16xf32>,
        %get3A_235 = arith.index_cast %scan3A_199 : i32 to index
        %get3A_236 = arith.constant 48 : index
        %get3A_237 = tpu.vector_load %arg7[%get3A_235, %get3A_236] {strides = array<i32>} : memref<128x128xf32, #tpu.memory_space<vmem>>, vector<1x16xf32>,
        %get3A_238 = vector.shape_cast %get3A_237 : vector<1x16xf32> to vector<16xf32>
        %mul3A_239 = arith.constant 0.0883883461 : f32
        %mul3A_240 = vector.broadcast %mul3A_239 : f32 to vector<16xf32>
        %mul3A_241 = arith.mulf %get3A_238, %mul3A_240 : vector<16xf32>
        %swap3A_242 = arith.index_cast %scan3A_199 : i32 to index
        %swap3A_243 = arith.constant 48 : index
        %swap3A_244 = tpu.vector_load %arg7[%swap3A_242, %swap3A_243] {strides = array<i32>} : memref<128x128xf32, #tpu.memory_space<vmem>>, vector<1x16xf32>,
        %swap3A_245 = vector.shape_cast %swap3A_244 : vector<1x16xf32> to vector<16xf32>
        %swap3A_246 = vector.shape_cast %mul3A_241 : vector<16xf32> to vector<1x16xf32>
        tpu.vector_store %arg7[%swap3A_242, %swap3A_243], %swap3A_246 {strides = array<i32>} : memref<128x128xf32, #tpu.memory_space<vmem>>, vector<1x16xf32>,
        %get3A_247 = arith.index_cast %scan3A_199 : i32 to index
        %get3A_248 = arith.constant 64 : index
        %get3A_249 = tpu.vector_load %arg7[%get3A_247, %get3A_248] {strides = array<i32>} : memref<128x128xf32, #tpu.memory_space<vmem>>, vector<1x16xf32>,
        %get3A_250 = vector.shape_cast %get3A_249 : vector<1x16xf32> to vector<16xf32>
        %mul3A_251 = arith.constant 0.0883883461 : f32
        %mul3A_252 = vector.broadcast %mul3A_251 : f32 to vector<16xf32>
        %mul3A_253 = arith.mulf %get3A_250, %mul3A_252 : vector<16xf32>
        %swap3A_254 = arith.index_cast %scan3A_199 : i32 to index
        %swap3A_255 = arith.constant 64 : index
        %swap3A_256 = tpu.vector_load %arg7[%swap3A_254, %swap3A_255] {strides = array<i32>} : memref<128x128xf32, #tpu.memory_space<vmem>>, vector<1x16xf32>,
        %swap3A_257 = vector.shape_cast %swap3A_256 : vector<1x16xf32> to vector<16xf32>
        %swap3A_258 = vector.shape_cast %mul3A_253 : vector<16xf32> to vector<1x16xf32>
        tpu.vector_store %arg7[%swap3A_254, %swap3A_255], %swap3A_258 {strides = array<i32>} : memref<128x128xf32, #tpu.memory_space<vmem>>, vector<1x16xf32>,
        %get3A_259 = arith.index_cast %scan3A_199 : i32 to index
        %get3A_260 = arith.constant 80 : index
        %get3A_261 = tpu.vector_load %arg7[%get3A_259, %get3A_260] {strides = array<i32>} : memref<128x128xf32, #tpu.memory_space<vmem>>, vector<1x16xf32>,
        %get3A_262 = vector.shape_cast %get3A_261 : vector<1x16xf32> to vector<16xf32>
        %mul3A_263 = arith.constant 0.0883883461 : f32
        %mul3A_264 = vector.broadcast %mul3A_263 : f32 to vector<16xf32>
        %mul3A_265 = arith.mulf %get3A_262, %mul3A_264 : vector<16xf32>
        %swap3A_266 = arith.index_cast %scan3A_199 : i32 to index
        %swap3A_267 = arith.constant 80 : index
        %swap3A_268 = tpu.vector_load %arg7[%swap3A_266, %swap3A_267] {strides = array<i32>} : memref<128x128xf32, #tpu.memory_space<vmem>>, vector<1x16xf32>,
        %swap3A_269 = vector.shape_cast %swap3A_268 : vector<1x16xf32> to vector<16xf32>
        %swap3A_270 = vector.shape_cast %mul3A_265 : vector<16xf32> to vector<1x16xf32>
        tpu.vector_store %arg7[%swap3A_266, %swap3A_267], %swap3A_270 {strides = array<i32>} : memref<128x128xf32, #tpu.memory_space<vmem>>, vector<1x16xf32>,
        %get3A_271 = arith.index_cast %scan3A_199 : i32 to index
        %get3A_272 = arith.constant 96 : index
        %get3A_273 = tpu.vector_load %arg7[%get3A_271, %get3A_272] {strides = array<i32>} : memref<128x128xf32, #tpu.memory_space<vmem>>, vector<1x16xf32>,
        %get3A_274 = vector.shape_cast %get3A_273 : vector<1x16xf32> to vector<16xf32>
        %mul3A_275 = arith.constant 0.0883883461 : f32
        %mul3A_276 = vector.broadcast %mul3A_275 : f32 to vector<16xf32>
        %mul3A_277 = arith.mulf %get3A_274, %mul3A_276 : vector<16xf32>
        %swap3A_278 = arith.index_cast %scan3A_199 : i32 to index
        %swap3A_279 = arith.constant 96 : index
        %swap3A_280 = tpu.vector_load %arg7[%swap3A_278, %swap3A_279] {strides = array<i32>} : memref<128x128xf32, #tpu.memory_space<vmem>>, vector<1x16xf32>,
        %swap3A_281 = vector.shape_cast %swap3A_280 : vector<1x16xf32> to vector<16xf32>
        %swap3A_282 = vector.shape_cast %mul3A_277 : vector<16xf32> to vector<1x16xf32>
        tpu.vector_store %arg7[%swap3A_278, %swap3A_279], %swap3A_282 {strides = array<i32>} : memref<128x128xf32, #tpu.memory_space<vmem>>, vector<1x16xf32>,
        %get3A_283 = arith.index_cast %scan3A_199 : i32 to index
        %get3A_284 = arith.constant 112 : index
        %get3A_285 = tpu.vector_load %arg7[%get3A_283, %get3A_284] {strides = array<i32>} : memref<128x128xf32, #tpu.memory_space<vmem>>, vector<1x16xf32>,
        %get3A_286 = vector.shape_cast %get3A_285 : vector<1x16xf32> to vector<16xf32>
        %mul3A_287 = arith.constant 0.0883883461 : f32
        %mul3A_288 = vector.broadcast %mul3A_287 : f32 to vector<16xf32>
        %mul3A_289 = arith.mulf %get3A_286, %mul3A_288 : vector<16xf32>
        %swap3A_290 = arith.index_cast %scan3A_199 : i32 to index
        %swap3A_291 = arith.constant 112 : index
        %swap3A_292 = tpu.vector_load %arg7[%swap3A_290, %swap3A_291] {strides = array<i32>} : memref<128x128xf32, #tpu.memory_space<vmem>>, vector<1x16xf32>,
        %swap3A_293 = vector.shape_cast %swap3A_292 : vector<1x16xf32> to vector<16xf32>
        %swap3A_294 = vector.shape_cast %mul3A_289 : vector<16xf32> to vector<1x16xf32>
        tpu.vector_store %arg7[%swap3A_290, %swap3A_291], %swap3A_294 {strides = array<i32>} : memref<128x128xf32, #tpu.memory_space<vmem>>, vector<1x16xf32>,
        %scan3A_295 = arith.constant 0 : i32
        %scan3A_296 = arith.constant 1 : i32
        %scan3A_297 = arith.addi %scan3A_199, %scan3A_296 : i32
        %get3A_298 = arith.index_cast %scan3A_297 : i32 to index
        %get3A_299 = arith.constant 0 : index
        %get3A_300 = tpu.vector_load %arg7[%get3A_298, %get3A_299] {strides = array<i32>} : memref<128x128xf32, #tpu.memory_space<vmem>>, vector<1x16xf32>,
        %get3A_301 = vector.shape_cast %get3A_300 : vector<1x16xf32> to vector<16xf32>
        %mul3A_302 = arith.constant 0.0883883461 : f32
        %mul3A_303 = vector.broadcast %mul3A_302 : f32 to vector<16xf32>
        %mul3A_304 = arith.mulf %get3A_301, %mul3A_303 : vector<16xf32>
        %swap3A_305 = arith.index_cast %scan3A_297 : i32 to index
        %swap3A_306 = arith.constant 0 : index
        %swap3A_307 = tpu.vector_load %arg7[%swap3A_305, %swap3A_306] {strides = array<i32>} : memref<128x128xf32, #tpu.memory_space<vmem>>, vector<1x16xf32>,
        %swap3A_308 = vector.shape_cast %swap3A_307 : vector<1x16xf32> to vector<16xf32>
        %swap3A_309 = vector.shape_cast %mul3A_304 : vector<16xf32> to vector<1x16xf32>
        tpu.vector_store %arg7[%swap3A_305, %swap3A_306], %swap3A_309 {strides = array<i32>} : memref<128x128xf32, #tpu.memory_space<vmem>>, vector<1x16xf32>,
        %get3A_310 = arith.index_cast %scan3A_297 : i32 to index
        %get3A_311 = arith.constant 16 : index
        %get3A_312 = tpu.vector_load %arg7[%get3A_310, %get3A_311] {strides = array<i32>} : memref<128x128xf32, #tpu.memory_space<vmem>>, vector<1x16xf32>,
        %get3A_313 = vector.shape_cast %get3A_312 : vector<1x16xf32> to vector<16xf32>
        %mul3A_314 = arith.constant 0.0883883461 : f32
        %mul3A_315 = vector.broadcast %mul3A_314 : f32 to vector<16xf32>
        %mul3A_316 = arith.mulf %get3A_313, %mul3A_315 : vector<16xf32>
        %swap3A_317 = arith.index_cast %scan3A_297 : i32 to index
        %swap3A_318 = arith.constant 16 : index
        %swap3A_319 = tpu.vector_load %arg7[%swap3A_317, %swap3A_318] {strides = array<i32>} : memref<128x128xf32, #tpu.memory_space<vmem>>, vector<1x16xf32>,
        %swap3A_320 = vector.shape_cast %swap3A_319 : vector<1x16xf32> to vector<16xf32>
        %swap3A_321 = vector.shape_cast %mul3A_316 : vector<16xf32> to vector<1x16xf32>
        tpu.vector_store %arg7[%swap3A_317, %swap3A_318], %swap3A_321 {strides = array<i32>} : memref<128x128xf32, #tpu.memory_space<vmem>>, vector<1x16xf32>,
        %get3A_322 = arith.index_cast %scan3A_297 : i32 to index
        %get3A_323 = arith.constant 32 : index
        %get3A_324 = tpu.vector_load %arg7[%get3A_322, %get3A_323] {strides = array<i32>} : memref<128x128xf32, #tpu.memory_space<vmem>>, vector<1x16xf32>,
        %get3A_325 = vector.shape_cast %get3A_324 : vector<1x16xf32> to vector<16xf32>
        %mul3A_326 = arith.constant 0.0883883461 : f32
        %mul3A_327 = vector.broadcast %mul3A_326 : f32 to vector<16xf32>
        %mul3A_328 = arith.mulf %get3A_325, %mul3A_327 : vector<16xf32>
        %swap3A_329 = arith.index_cast %scan3A_297 : i32 to index
        %swap3A_330 = arith.constant 32 : index
        %swap3A_331 = tpu.vector_load %arg7[%swap3A_329, %swap3A_330] {strides = array<i32>} : memref<128x128xf32, #tpu.memory_space<vmem>>, vector<1x16xf32>,
        %swap3A_332 = vector.shape_cast %swap3A_331 : vector<1x16xf32> to vector<16xf32>
        %swap3A_333 = vector.shape_cast %mul3A_328 : vector<16xf32> to vector<1x16xf32>
        tpu.vector_store %arg7[%swap3A_329, %swap3A_330], %swap3A_333 {strides = array<i32>} : memref<128x128xf32, #tpu.memory_space<vmem>>, vector<1x16xf32>,
        %get3A_334 = arith.index_cast %scan3A_297 : i32 to index
        %get3A_335 = arith.constant 48 : index
        %get3A_336 = tpu.vector_load %arg7[%get3A_334, %get3A_335] {strides = array<i32>} : memref<128x128xf32, #tpu.memory_space<vmem>>, vector<1x16xf32>,
        %get3A_337 = vector.shape_cast %get3A_336 : vector<1x16xf32> to vector<16xf32>
        %mul3A_338 = arith.constant 0.0883883461 : f32
        %mul3A_339 = vector.broadcast %mul3A_338 : f32 to vector<16xf32>
        %mul3A_340 = arith.mulf %get3A_337, %mul3A_339 : vector<16xf32>
        %swap3A_341 = arith.index_cast %scan3A_297 : i32 to index
        %swap3A_342 = arith.constant 48 : index
        %swap3A_343 = tpu.vector_load %arg7[%swap3A_341, %swap3A_342] {strides = array<i32>} : memref<128x128xf32, #tpu.memory_space<vmem>>, vector<1x16xf32>,
        %swap3A_344 = vector.shape_cast %swap3A_343 : vector<1x16xf32> to vector<16xf32>
        %swap3A_345 = vector.shape_cast %mul3A_340 : vector<16xf32> to vector<1x16xf32>
        tpu.vector_store %arg7[%swap3A_341, %swap3A_342], %swap3A_345 {strides = array<i32>} : memref<128x128xf32, #tpu.memory_space<vmem>>, vector<1x16xf32>,
        %get3A_346 = arith.index_cast %scan3A_297 : i32 to index
        %get3A_347 = arith.constant 64 : index
        %get3A_348 = tpu.vector_load %arg7[%get3A_346, %get3A_347] {strides = array<i32>} : memref<128x128xf32, #tpu.memory_space<vmem>>, vector<1x16xf32>,
        %get3A_349 = vector.shape_cast %get3A_348 : vector<1x16xf32> to vector<16xf32>
        %mul3A_350 = arith.constant 0.0883883461 : f32
        %mul3A_351 = vector.broadcast %mul3A_350 : f32 to vector<16xf32>
        %mul3A_352 = arith.mulf %get3A_349, %mul3A_351 : vector<16xf32>
        %swap3A_353 = arith.index_cast %scan3A_297 : i32 to index
        %swap3A_354 = arith.constant 64 : index
        %swap3A_355 = tpu.vector_load %arg7[%swap3A_353, %swap3A_354] {strides = array<i32>} : memref<128x128xf32, #tpu.memory_space<vmem>>, vector<1x16xf32>,
        %swap3A_356 = vector.shape_cast %swap3A_355 : vector<1x16xf32> to vector<16xf32>
        %swap3A_357 = vector.shape_cast %mul3A_352 : vector<16xf32> to vector<1x16xf32>
        tpu.vector_store %arg7[%swap3A_353, %swap3A_354], %swap3A_357 {strides = array<i32>} : memref<128x128xf32, #tpu.memory_space<vmem>>, vector<1x16xf32>,
        %get3A_358 = arith.index_cast %scan3A_297 : i32 to index
        %get3A_359 = arith.constant 80 : index
        %get3A_360 = tpu.vector_load %arg7[%get3A_358, %get3A_359] {strides = array<i32>} : memref<128x128xf32, #tpu.memory_space<vmem>>, vector<1x16xf32>,
        %get3A_361 = vector.shape_cast %get3A_360 : vector<1x16xf32> to vector<16xf32>
        %mul3A_362 = arith.constant 0.0883883461 : f32
        %mul3A_363 = vector.broadcast %mul3A_362 : f32 to vector<16xf32>
        %mul3A_364 = arith.mulf %get3A_361, %mul3A_363 : vector<16xf32>
        %swap3A_365 = arith.index_cast %scan3A_297 : i32 to index
        %swap3A_366 = arith.constant 80 : index
        %swap3A_367 = tpu.vector_load %arg7[%swap3A_365, %swap3A_366] {strides = array<i32>} : memref<128x128xf32, #tpu.memory_space<vmem>>, vector<1x16xf32>,
        %swap3A_368 = vector.shape_cast %swap3A_367 : vector<1x16xf32> to vector<16xf32>
        %swap3A_369 = vector.shape_cast %mul3A_364 : vector<16xf32> to vector<1x16xf32>
        tpu.vector_store %arg7[%swap3A_365, %swap3A_366], %swap3A_369 {strides = array<i32>} : memref<128x128xf32, #tpu.memory_space<vmem>>, vector<1x16xf32>,
        %get3A_370 = arith.index_cast %scan3A_297 : i32 to index
        %get3A_371 = arith.constant 96 : index
        %get3A_372 = tpu.vector_load %arg7[%get3A_370, %get3A_371] {strides = array<i32>} : memref<128x128xf32, #tpu.memory_space<vmem>>, vector<1x16xf32>,
        %get3A_373 = vector.shape_cast %get3A_372 : vector<1x16xf32> to vector<16xf32>
        %mul3A_374 = arith.constant 0.0883883461 : f32
        %mul3A_375 = vector.broadcast %mul3A_374 : f32 to vector<16xf32>
        %mul3A_376 = arith.mulf %get3A_373, %mul3A_375 : vector<16xf32>
        %swap3A_377 = arith.index_cast %scan3A_297 : i32 to index
        %swap3A_378 = arith.constant 96 : index
        %swap3A_379 = tpu.vector_load %arg7[%swap3A_377, %swap3A_378] {strides = array<i32>} : memref<128x128xf32, #tpu.memory_space<vmem>>, vector<1x16xf32>,
        %swap3A_380 = vector.shape_cast %swap3A_379 : vector<1x16xf32> to vector<16xf32>
        %swap3A_381 = vector.shape_cast %mul3A_376 : vector<16xf32> to vector<1x16xf32>
        tpu.vector_store %arg7[%swap3A_377, %swap3A_378], %swap3A_381 {strides = array<i32>} : memref<128x128xf32, #tpu.memory_space<vmem>>, vector<1x16xf32>,
        %get3A_382 = arith.index_cast %scan3A_297 : i32 to index
        %get3A_383 = arith.constant 112 : index
        %get3A_384 = tpu.vector_load %arg7[%get3A_382, %get3A_383] {strides = array<i32>} : memref<128x128xf32, #tpu.memory_space<vmem>>, vector<1x16xf32>,
        %get3A_385 = vector.shape_cast %get3A_384 : vector<1x16xf32> to vector<16xf32>
        %mul3A_386 = arith.constant 0.0883883461 : f32
        %mul3A_387 = vector.broadcast %mul3A_386 : f32 to vector<16xf32>
        %mul3A_388 = arith.mulf %get3A_385, %mul3A_387 : vector<16xf32>
        %swap3A_389 = arith.index_cast %scan3A_297 : i32 to index
        %swap3A_390 = arith.constant 112 : index
        %swap3A_391 = tpu.vector_load %arg7[%swap3A_389, %swap3A_390] {strides = array<i32>} : memref<128x128xf32, #tpu.memory_space<vmem>>, vector<1x16xf32>,
        %swap3A_392 = vector.shape_cast %swap3A_391 : vector<1x16xf32> to vector<16xf32>
        %swap3A_393 = vector.shape_cast %mul3A_388 : vector<16xf32> to vector<1x16xf32>
        tpu.vector_store %arg7[%swap3A_389, %swap3A_390], %swap3A_393 {strides = array<i32>} : memref<128x128xf32, #tpu.memory_space<vmem>>, vector<1x16xf32>,
        %scan3A_394 = arith.constant 0 : i32
        %scan3A_395 = arith.constant 2 : i32
        %scan3A_396 = arith.addi %scan3A_199, %scan3A_395 : i32
        %get3A_397 = arith.index_cast %scan3A_396 : i32 to index
        %get3A_398 = arith.constant 0 : index
        %get3A_399 = tpu.vector_load %arg7[%get3A_397, %get3A_398] {strides = array<i32>} : memref<128x128xf32, #tpu.memory_space<vmem>>, vector<1x16xf32>,
        %get3A_400 = vector.shape_cast %get3A_399 : vector<1x16xf32> to vector<16xf32>
        %mul3A_401 = arith.constant 0.0883883461 : f32
        %mul3A_402 = vector.broadcast %mul3A_401 : f32 to vector<16xf32>
        %mul3A_403 = arith.mulf %get3A_400, %mul3A_402 : vector<16xf32>
        %swap3A_404 = arith.index_cast %scan3A_396 : i32 to index
        %swap3A_405 = arith.constant 0 : index
        %swap3A_406 = tpu.vector_load %arg7[%swap3A_404, %swap3A_405] {strides = array<i32>} : memref<128x128xf32, #tpu.memory_space<vmem>>, vector<1x16xf32>,
        %swap3A_407 = vector.shape_cast %swap3A_406 : vector<1x16xf32> to vector<16xf32>
        %swap3A_408 = vector.shape_cast %mul3A_403 : vector<16xf32> to vector<1x16xf32>
        tpu.vector_store %arg7[%swap3A_404, %swap3A_405], %swap3A_408 {strides = array<i32>} : memref<128x128xf32, #tpu.memory_space<vmem>>, vector<1x16xf32>,
        %get3A_409 = arith.index_cast %scan3A_396 : i32 to index
        %get3A_410 = arith.constant 16 : index
        %get3A_411 = tpu.vector_load %arg7[%get3A_409, %get3A_410] {strides = array<i32>} : memref<128x128xf32, #tpu.memory_space<vmem>>, vector<1x16xf32>,
        %get3A_412 = vector.shape_cast %get3A_411 : vector<1x16xf32> to vector<16xf32>
        %mul3A_413 = arith.constant 0.0883883461 : f32
        %mul3A_414 = vector.broadcast %mul3A_413 : f32 to vector<16xf32>
        %mul3A_415 = arith.mulf %get3A_412, %mul3A_414 : vector<16xf32>
        %swap3A_416 = arith.index_cast %scan3A_396 : i32 to index
        %swap3A_417 = arith.constant 16 : index
        %swap3A_418 = tpu.vector_load %arg7[%swap3A_416, %swap3A_417] {strides = array<i32>} : memref<128x128xf32, #tpu.memory_space<vmem>>, vector<1x16xf32>,
        %swap3A_419 = vector.shape_cast %swap3A_418 : vector<1x16xf32> to vector<16xf32>
        %swap3A_420 = vector.shape_cast %mul3A_415 : vector<16xf32> to vector<1x16xf32>
        tpu.vector_store %arg7[%swap3A_416, %swap3A_417], %swap3A_420 {strides = array<i32>} : memref<128x128xf32, #tpu.memory_space<vmem>>, vector<1x16xf32>,
        %get3A_421 = arith.index_cast %scan3A_396 : i32 to index
        %get3A_422 = arith.constant 32 : index
        %get3A_423 = tpu.vector_load %arg7[%get3A_421, %get3A_422] {strides = array<i32>} : memref<128x128xf32, #tpu.memory_space<vmem>>, vector<1x16xf32>,
        %get3A_424 = vector.shape_cast %get3A_423 : vector<1x16xf32> to vector<16xf32>
        %mul3A_425 = arith.constant 0.0883883461 : f32
        %mul3A_426 = vector.broadcast %mul3A_425 : f32 to vector<16xf32>
        %mul3A_427 = arith.mulf %get3A_424, %mul3A_426 : vector<16xf32>
        %swap3A_428 = arith.index_cast %scan3A_396 : i32 to index
        %swap3A_429 = arith.constant 32 : index
        %swap3A_430 = tpu.vector_load %arg7[%swap3A_428, %swap3A_429] {strides = array<i32>} : memref<128x128xf32, #tpu.memory_space<vmem>>, vector<1x16xf32>,
        %swap3A_431 = vector.shape_cast %swap3A_430 : vector<1x16xf32> to vector<16xf32>
        %swap3A_432 = vector.shape_cast %mul3A_427 : vector<16xf32> to vector<1x16xf32>
        tpu.vector_store %arg7[%swap3A_428, %swap3A_429], %swap3A_432 {strides = array<i32>} : memref<128x128xf32, #tpu.memory_space<vmem>>, vector<1x16xf32>,
        %get3A_433 = arith.index_cast %scan3A_396 : i32 to index
        %get3A_434 = arith.constant 48 : index
        %get3A_435 = tpu.vector_load %arg7[%get3A_433, %get3A_434] {strides = array<i32>} : memref<128x128xf32, #tpu.memory_space<vmem>>, vector<1x16xf32>,
        %get3A_436 = vector.shape_cast %get3A_435 : vector<1x16xf32> to vector<16xf32>
        %mul3A_437 = arith.constant 0.0883883461 : f32
        %mul3A_438 = vector.broadcast %mul3A_437 : f32 to vector<16xf32>
        %mul3A_439 = arith.mulf %get3A_436, %mul3A_438 : vector<16xf32>
        %swap3A_440 = arith.index_cast %scan3A_396 : i32 to index
        %swap3A_441 = arith.constant 48 : index
        %swap3A_442 = tpu.vector_load %arg7[%swap3A_440, %swap3A_441] {strides = array<i32>} : memref<128x128xf32, #tpu.memory_space<vmem>>, vector<1x16xf32>,
        %swap3A_443 = vector.shape_cast %swap3A_442 : vector<1x16xf32> to vector<16xf32>
        %swap3A_444 = vector.shape_cast %mul3A_439 : vector<16xf32> to vector<1x16xf32>
        tpu.vector_store %arg7[%swap3A_440, %swap3A_441], %swap3A_444 {strides = array<i32>} : memref<128x128xf32, #tpu.memory_space<vmem>>, vector<1x16xf32>,
        %get3A_445 = arith.index_cast %scan3A_396 : i32 to index
        %get3A_446 = arith.constant 64 : index
        %get3A_447 = tpu.vector_load %arg7[%get3A_445, %get3A_446] {strides = array<i32>} : memref<128x128xf32, #tpu.memory_space<vmem>>, vector<1x16xf32>,
        %get3A_448 = vector.shape_cast %get3A_447 : vector<1x16xf32> to vector<16xf32>
        %mul3A_449 = arith.constant 0.0883883461 : f32
        %mul3A_450 = vector.broadcast %mul3A_449 : f32 to vector<16xf32>
        %mul3A_451 = arith.mulf %get3A_448, %mul3A_450 : vector<16xf32>
        %swap3A_452 = arith.index_cast %scan3A_396 : i32 to index
        %swap3A_453 = arith.constant 64 : index
        %swap3A_454 = tpu.vector_load %arg7[%swap3A_452, %swap3A_453] {strides = array<i32>} : memref<128x128xf32, #tpu.memory_space<vmem>>, vector<1x16xf32>,
        %swap3A_455 = vector.shape_cast %swap3A_454 : vector<1x16xf32> to vector<16xf32>
        %swap3A_456 = vector.shape_cast %mul3A_451 : vector<16xf32> to vector<1x16xf32>
        tpu.vector_store %arg7[%swap3A_452, %swap3A_453], %swap3A_456 {strides = array<i32>} : memref<128x128xf32, #tpu.memory_space<vmem>>, vector<1x16xf32>,
        %get3A_457 = arith.index_cast %scan3A_396 : i32 to index
        %get3A_458 = arith.constant 80 : index
        %get3A_459 = tpu.vector_load %arg7[%get3A_457, %get3A_458] {strides = array<i32>} : memref<128x128xf32, #tpu.memory_space<vmem>>, vector<1x16xf32>,
        %get3A_460 = vector.shape_cast %get3A_459 : vector<1x16xf32> to vector<16xf32>
        %mul3A_461 = arith.constant 0.0883883461 : f32
        %mul3A_462 = vector.broadcast %mul3A_461 : f32 to vector<16xf32>
        %mul3A_463 = arith.mulf %get3A_460, %mul3A_462 : vector<16xf32>
        %swap3A_464 = arith.index_cast %scan3A_396 : i32 to index
        %swap3A_465 = arith.constant 80 : index
        %swap3A_466 = tpu.vector_load %arg7[%swap3A_464, %swap3A_465] {strides = array<i32>} : memref<128x128xf32, #tpu.memory_space<vmem>>, vector<1x16xf32>,
        %swap3A_467 = vector.shape_cast %swap3A_466 : vector<1x16xf32> to vector<16xf32>
        %swap3A_468 = vector.shape_cast %mul3A_463 : vector<16xf32> to vector<1x16xf32>
        tpu.vector_store %arg7[%swap3A_464, %swap3A_465], %swap3A_468 {strides = array<i32>} : memref<128x128xf32, #tpu.memory_space<vmem>>, vector<1x16xf32>,
        %get3A_469 = arith.index_cast %scan3A_396 : i32 to index
        %get3A_470 = arith.constant 96 : index
        %get3A_471 = tpu.vector_load %arg7[%get3A_469, %get3A_470] {strides = array<i32>} : memref<128x128xf32, #tpu.memory_space<vmem>>, vector<1x16xf32>,
        %get3A_472 = vector.shape_cast %get3A_471 : vector<1x16xf32> to vector<16xf32>
        %mul3A_473 = arith.constant 0.0883883461 : f32
        %mul3A_474 = vector.broadcast %mul3A_473 : f32 to vector<16xf32>
        %mul3A_475 = arith.mulf %get3A_472, %mul3A_474 : vector<16xf32>
        %swap3A_476 = arith.index_cast %scan3A_396 : i32 to index
        %swap3A_477 = arith.constant 96 : index
        %swap3A_478 = tpu.vector_load %arg7[%swap3A_476, %swap3A_477] {strides = array<i32>} : memref<128x128xf32, #tpu.memory_space<vmem>>, vector<1x16xf32>,
        %swap3A_479 = vector.shape_cast %swap3A_478 : vector<1x16xf32> to vector<16xf32>
        %swap3A_480 = vector.shape_cast %mul3A_475 : vector<16xf32> to vector<1x16xf32>
        tpu.vector_store %arg7[%swap3A_476, %swap3A_477], %swap3A_480 {strides = array<i32>} : memref<128x128xf32, #tpu.memory_space<vmem>>, vector<1x16xf32>,
        %get3A_481 = arith.index_cast %scan3A_396 : i32 to index
        %get3A_482 = arith.constant 112 : index
        %get3A_483 = tpu.vector_load %arg7[%get3A_481, %get3A_482] {strides = array<i32>} : memref<128x128xf32, #tpu.memory_space<vmem>>, vector<1x16xf32>,
        %get3A_484 = vector.shape_cast %get3A_483 : vector<1x16xf32> to vector<16xf32>
        %mul3A_485 = arith.constant 0.0883883461 : f32
        %mul3A_486 = vector.broadcast %mul3A_485 : f32 to vector<16xf32>
        %mul3A_487 = arith.mulf %get3A_484, %mul3A_486 : vector<16xf32>
        %swap3A_488 = arith.index_cast %scan3A_396 : i32 to index
        %swap3A_489 = arith.constant 112 : index
        %swap3A_490 = tpu.vector_load %arg7[%swap3A_488, %swap3A_489] {strides = array<i32>} : memref<128x128xf32, #tpu.memory_space<vmem>>, vector<1x16xf32>,
        %swap3A_491 = vector.shape_cast %swap3A_490 : vector<1x16xf32> to vector<16xf32>
        %swap3A_492 = vector.shape_cast %mul3A_487 : vector<16xf32> to vector<1x16xf32>
        tpu.vector_store %arg7[%swap3A_488, %swap3A_489], %swap3A_492 {strides = array<i32>} : memref<128x128xf32, #tpu.memory_space<vmem>>, vector<1x16xf32>,
        %scan3A_493 = arith.constant 0 : i32
        %scan3A_494 = arith.constant 3 : i32
        %scan3A_495 = arith.addi %scan3A_199, %scan3A_494 : i32
        %get3A_496 = arith.index_cast %scan3A_495 : i32 to index
        %get3A_497 = arith.constant 0 : index
        %get3A_498 = tpu.vector_load %arg7[%get3A_496, %get3A_497] {strides = array<i32>} : memref<128x128xf32, #tpu.memory_space<vmem>>, vector<1x16xf32>,
        %get3A_499 = vector.shape_cast %get3A_498 : vector<1x16xf32> to vector<16xf32>
        %mul3A_500 = arith.constant 0.0883883461 : f32
        %mul3A_501 = vector.broadcast %mul3A_500 : f32 to vector<16xf32>
        %mul3A_502 = arith.mulf %get3A_499, %mul3A_501 : vector<16xf32>
        %swap3A_503 = arith.index_cast %scan3A_495 : i32 to index
        %swap3A_504 = arith.constant 0 : index
        %swap3A_505 = tpu.vector_load %arg7[%swap3A_503, %swap3A_504] {strides = array<i32>} : memref<128x128xf32, #tpu.memory_space<vmem>>, vector<1x16xf32>,
        %swap3A_506 = vector.shape_cast %swap3A_505 : vector<1x16xf32> to vector<16xf32>
        %swap3A_507 = vector.shape_cast %mul3A_502 : vector<16xf32> to vector<1x16xf32>
        tpu.vector_store %arg7[%swap3A_503, %swap3A_504], %swap3A_507 {strides = array<i32>} : memref<128x128xf32, #tpu.memory_space<vmem>>, vector<1x16xf32>,
        %get3A_508 = arith.index_cast %scan3A_495 : i32 to index
        %get3A_509 = arith.constant 16 : index
        %get3A_510 = tpu.vector_load %arg7[%get3A_508, %get3A_509] {strides = array<i32>} : memref<128x128xf32, #tpu.memory_space<vmem>>, vector<1x16xf32>,
        %get3A_511 = vector.shape_cast %get3A_510 : vector<1x16xf32> to vector<16xf32>
        %mul3A_512 = arith.constant 0.0883883461 : f32
        %mul3A_513 = vector.broadcast %mul3A_512 : f32 to vector<16xf32>
        %mul3A_514 = arith.mulf %get3A_511, %mul3A_513 : vector<16xf32>
        %swap3A_515 = arith.index_cast %scan3A_495 : i32 to index
        %swap3A_516 = arith.constant 16 : index
        %swap3A_517 = tpu.vector_load %arg7[%swap3A_515, %swap3A_516] {strides = array<i32>} : memref<128x128xf32, #tpu.memory_space<vmem>>, vector<1x16xf32>,
        %swap3A_518 = vector.shape_cast %swap3A_517 : vector<1x16xf32> to vector<16xf32>
        %swap3A_519 = vector.shape_cast %mul3A_514 : vector<16xf32> to vector<1x16xf32>
        tpu.vector_store %arg7[%swap3A_515, %swap3A_516], %swap3A_519 {strides = array<i32>} : memref<128x128xf32, #tpu.memory_space<vmem>>, vector<1x16xf32>,
        %get3A_520 = arith.index_cast %scan3A_495 : i32 to index
        %get3A_521 = arith.constant 32 : index
        %get3A_522 = tpu.vector_load %arg7[%get3A_520, %get3A_521] {strides = array<i32>} : memref<128x128xf32, #tpu.memory_space<vmem>>, vector<1x16xf32>,
        %get3A_523 = vector.shape_cast %get3A_522 : vector<1x16xf32> to vector<16xf32>
        %mul3A_524 = arith.constant 0.0883883461 : f32
        %mul3A_525 = vector.broadcast %mul3A_524 : f32 to vector<16xf32>
        %mul3A_526 = arith.mulf %get3A_523, %mul3A_525 : vector<16xf32>
        %swap3A_527 = arith.index_cast %scan3A_495 : i32 to index
        %swap3A_528 = arith.constant 32 : index
        %swap3A_529 = tpu.vector_load %arg7[%swap3A_527, %swap3A_528] {strides = array<i32>} : memref<128x128xf32, #tpu.memory_space<vmem>>, vector<1x16xf32>,
        %swap3A_530 = vector.shape_cast %swap3A_529 : vector<1x16xf32> to vector<16xf32>
        %swap3A_531 = vector.shape_cast %mul3A_526 : vector<16xf32> to vector<1x16xf32>
        tpu.vector_store %arg7[%swap3A_527, %swap3A_528], %swap3A_531 {strides = array<i32>} : memref<128x128xf32, #tpu.memory_space<vmem>>, vector<1x16xf32>,
        %get3A_532 = arith.index_cast %scan3A_495 : i32 to index
        %get3A_533 = arith.constant 48 : index
        %get3A_534 = tpu.vector_load %arg7[%get3A_532, %get3A_533] {strides = array<i32>} : memref<128x128xf32, #tpu.memory_space<vmem>>, vector<1x16xf32>,
        %get3A_535 = vector.shape_cast %get3A_534 : vector<1x16xf32> to vector<16xf32>
        %mul3A_536 = arith.constant 0.0883883461 : f32
        %mul3A_537 = vector.broadcast %mul3A_536 : f32 to vector<16xf32>
        %mul3A_538 = arith.mulf %get3A_535, %mul3A_537 : vector<16xf32>
        %swap3A_539 = arith.index_cast %scan3A_495 : i32 to index
        %swap3A_540 = arith.constant 48 : index
        %swap3A_541 = tpu.vector_load %arg7[%swap3A_539, %swap3A_540] {strides = array<i32>} : memref<128x128xf32, #tpu.memory_space<vmem>>, vector<1x16xf32>,
        %swap3A_542 = vector.shape_cast %swap3A_541 : vector<1x16xf32> to vector<16xf32>
        %swap3A_543 = vector.shape_cast %mul3A_538 : vector<16xf32> to vector<1x16xf32>
        tpu.vector_store %arg7[%swap3A_539, %swap3A_540], %swap3A_543 {strides = array<i32>} : memref<128x128xf32, #tpu.memory_space<vmem>>, vector<1x16xf32>,
        %get3A_544 = arith.index_cast %scan3A_495 : i32 to index
        %get3A_545 = arith.constant 64 : index
        %get3A_546 = tpu.vector_load %arg7[%get3A_544, %get3A_545] {strides = array<i32>} : memref<128x128xf32, #tpu.memory_space<vmem>>, vector<1x16xf32>,
        %get3A_547 = vector.shape_cast %get3A_546 : vector<1x16xf32> to vector<16xf32>
        %mul3A_548 = arith.constant 0.0883883461 : f32
        %mul3A_549 = vector.broadcast %mul3A_548 : f32 to vector<16xf32>
        %mul3A_550 = arith.mulf %get3A_547, %mul3A_549 : vector<16xf32>
        %swap3A_551 = arith.index_cast %scan3A_495 : i32 to index
        %swap3A_552 = arith.constant 64 : index
        %swap3A_553 = tpu.vector_load %arg7[%swap3A_551, %swap3A_552] {strides = array<i32>} : memref<128x128xf32, #tpu.memory_space<vmem>>, vector<1x16xf32>,
        %swap3A_554 = vector.shape_cast %swap3A_553 : vector<1x16xf32> to vector<16xf32>
        %swap3A_555 = vector.shape_cast %mul3A_550 : vector<16xf32> to vector<1x16xf32>
        tpu.vector_store %arg7[%swap3A_551, %swap3A_552], %swap3A_555 {strides = array<i32>} : memref<128x128xf32, #tpu.memory_space<vmem>>, vector<1x16xf32>,
        %get3A_556 = arith.index_cast %scan3A_495 : i32 to index
        %get3A_557 = arith.constant 80 : index
        %get3A_558 = tpu.vector_load %arg7[%get3A_556, %get3A_557] {strides = array<i32>} : memref<128x128xf32, #tpu.memory_space<vmem>>, vector<1x16xf32>,
        %get3A_559 = vector.shape_cast %get3A_558 : vector<1x16xf32> to vector<16xf32>
        %mul3A_560 = arith.constant 0.0883883461 : f32
        %mul3A_561 = vector.broadcast %mul3A_560 : f32 to vector<16xf32>
        %mul3A_562 = arith.mulf %get3A_559, %mul3A_561 : vector<16xf32>
        %swap3A_563 = arith.index_cast %scan3A_495 : i32 to index
        %swap3A_564 = arith.constant 80 : index
        %swap3A_565 = tpu.vector_load %arg7[%swap3A_563, %swap3A_564] {strides = array<i32>} : memref<128x128xf32, #tpu.memory_space<vmem>>, vector<1x16xf32>,
        %swap3A_566 = vector.shape_cast %swap3A_565 : vector<1x16xf32> to vector<16xf32>
        %swap3A_567 = vector.shape_cast %mul3A_562 : vector<16xf32> to vector<1x16xf32>
        tpu.vector_store %arg7[%swap3A_563, %swap3A_564], %swap3A_567 {strides = array<i32>} : memref<128x128xf32, #tpu.memory_space<vmem>>, vector<1x16xf32>,
        %get3A_568 = arith.index_cast %scan3A_495 : i32 to index
        %get3A_569 = arith.constant 96 : index
        %get3A_570 = tpu.vector_load %arg7[%get3A_568, %get3A_569] {strides = array<i32>} : memref<128x128xf32, #tpu.memory_space<vmem>>, vector<1x16xf32>,
        %get3A_571 = vector.shape_cast %get3A_570 : vector<1x16xf32> to vector<16xf32>
        %mul3A_572 = arith.constant 0.0883883461 : f32
        %mul3A_573 = vector.broadcast %mul3A_572 : f32 to vector<16xf32>
        %mul3A_574 = arith.mulf %get3A_571, %mul3A_573 : vector<16xf32>
        %swap3A_575 = arith.index_cast %scan3A_495 : i32 to index
        %swap3A_576 = arith.constant 96 : index
        %swap3A_577 = tpu.vector_load %arg7[%swap3A_575, %swap3A_576] {strides = array<i32>} : memref<128x128xf32, #tpu.memory_space<vmem>>, vector<1x16xf32>,
        %swap3A_578 = vector.shape_cast %swap3A_577 : vector<1x16xf32> to vector<16xf32>
        %swap3A_579 = vector.shape_cast %mul3A_574 : vector<16xf32> to vector<1x16xf32>
        tpu.vector_store %arg7[%swap3A_575, %swap3A_576], %swap3A_579 {strides = array<i32>} : memref<128x128xf32, #tpu.memory_space<vmem>>, vector<1x16xf32>,
        %get3A_580 = arith.index_cast %scan3A_495 : i32 to index
        %get3A_581 = arith.constant 112 : index
        %get3A_582 = tpu.vector_load %arg7[%get3A_580, %get3A_581] {strides = array<i32>} : memref<128x128xf32, #tpu.memory_space<vmem>>, vector<1x16xf32>,
        %get3A_583 = vector.shape_cast %get3A_582 : vector<1x16xf32> to vector<16xf32>
        %mul3A_584 = arith.constant 0.0883883461 : f32
        %mul3A_585 = vector.broadcast %mul3A_584 : f32 to vector<16xf32>
        %mul3A_586 = arith.mulf %get3A_583, %mul3A_585 : vector<16xf32>
        %swap3A_587 = arith.index_cast %scan3A_495 : i32 to index
        %swap3A_588 = arith.constant 112 : index
        %swap3A_589 = tpu.vector_load %arg7[%swap3A_587, %swap3A_588] {strides = array<i32>} : memref<128x128xf32, #tpu.memory_space<vmem>>, vector<1x16xf32>,
        %swap3A_590 = vector.shape_cast %swap3A_589 : vector<1x16xf32> to vector<16xf32>
        %swap3A_591 = vector.shape_cast %mul3A_586 : vector<16xf32> to vector<1x16xf32>
        tpu.vector_store %arg7[%swap3A_587, %swap3A_588], %swap3A_591 {strides = array<i32>} : memref<128x128xf32, #tpu.memory_space<vmem>>, vector<1x16xf32>,
        %scan3A_592 = arith.constant 0 : i32
        scf.yield %scan3A_592 : i32
      }
      %scan3A_116 = arith.constant 128 : i32
      %mul3A_117 = arith.constant 128 : i32
      %mul3A_118 = arith.muli %add3A_103, %mul3A_117 : i32
      %add3A_119 = arith.addi %mul3A_2, %mul3A_118 : i32
      %dma_start3A_120 = arith.constant 0 : i32
      %dma_start3A_121 = tpu.memref_slice %arg4[%add3A_119, %dma_start3A_120] : memref<819200x128xf32, #tpu.memory_space<hbm>> -> memref<128x128xf32, #tpu.memory_space<hbm>>
      %dma_start3A_122 = arith.constant 0 : i32
      %dma_start3A_123 = tpu.memref_slice %arg4[%add3A_119, %dma_start3A_122] : memref<819200x128xf32, #tpu.memory_space<hbm>> -> memref<128x128xf32, #tpu.memory_space<hbm>>
      tpu.enqueue_dma source(%arg7 : memref<128x128xf32, #tpu.memory_space<vmem>>) target(%dma_start3A_123 : memref<128x128xf32, #tpu.memory_space<hbm>>) target_semaphore(%arg17 : memref<!tpu.dma_semaphore, #tpu.memory_space<semaphore_mem>>)
      %mul3A_124 = arith.constant 5 : i32
      %mul3A_125 = arith.muli %scan3A_74, %mul3A_124 : i32
      %add3A_126 = arith.constant 2 : i32
      %add3A_127 = arith.addi %mul3A_125, %add3A_126 : i32
      %dma_wait3A_128 = arith.constant 0 : i32
      %dma_wait3A_129 = tpu.memref_slice %arg5[%add3A_127, %dma_wait3A_128] : memref<200x128xi32, #tpu.memory_space<vmem>> -> memref<1x128xi32, #tpu.memory_space<vmem>>
      %dma_wait3A_130 = tpu.memref_squeeze %dma_wait3A_129 : memref<1x128xi32, #tpu.memory_space<vmem>> -> memref<128xi32, #tpu.memory_space<vmem>>
      %dma_wait3A_131 = arith.constant 0 : i32
      %dma_wait3A_132 = arith.constant 0 : i32
      %dma_wait3A_133 = tpu.memref_slice %arg3[%dma_wait3A_131, %dma_wait3A_132] : memref<100000x128xf32, #tpu.memory_space<hbm>> -> memref<100000x128xf32, #tpu.memory_space<hbm>>
      tpu.wait_indirect_dma semaphore(%arg13 : memref<!tpu.dma_semaphore, #tpu.memory_space<semaphore_mem>>) src(%dma_wait3A_133 : memref<100000x128xf32, #tpu.memory_space<hbm>>) dst(%arg8 : memref<128x128xf32, #tpu.memory_space<vmem>>)
      %scan3A_134 = arith.constant 0 : i32
      %scan3A_135 = arith.constant 0 : i32
      %scan3A_136 = arith.constant 128 : i32
      %scan3A_137 = arith.addi %scan3A_135, %scan3A_136 : i32
      %scan3A_138 = arith.constant 4 : i32
      %scan3A_139 = scf.for %scan3A_199 = %scan3A_135 to %scan3A_137 step %scan3A_138 iter_args(%scan3A_200 = %scan3A_134) -> (i32)  : i32 {
        %get3A = arith.index_cast %scan3A_199 : i32 to index
        %get3A_201 = arith.constant 0 : index
        %get3A_202 = tpu.vector_load %arg8[%get3A, %get3A_201] {strides = array<i32>} : memref<128x128xf32, #tpu.memory_space<vmem>>, vector<1x16xf32>,
        %get3A_203 = vector.shape_cast %get3A_202 : vector<1x16xf32> to vector<16xf32>
        %mul3A_204 = arith.constant 0.0883883461 : f32
        %mul3A_205 = vector.broadcast %mul3A_204 : f32 to vector<16xf32>
        %mul3A_206 = arith.mulf %get3A_203, %mul3A_205 : vector<16xf32>
        %swap3A = arith.index_cast %scan3A_199 : i32 to index
        %swap3A_207 = arith.constant 0 : index
        %swap3A_208 = tpu.vector_load %arg8[%swap3A, %swap3A_207] {strides = array<i32>} : memref<128x128xf32, #tpu.memory_space<vmem>>, vector<1x16xf32>,
        %swap3A_209 = vector.shape_cast %swap3A_208 : vector<1x16xf32> to vector<16xf32>
        %swap3A_210 = vector.shape_cast %mul3A_206 : vector<16xf32> to vector<1x16xf32>
        tpu.vector_store %arg8[%swap3A, %swap3A_207], %swap3A_210 {strides = array<i32>} : memref<128x128xf32, #tpu.memory_space<vmem>>, vector<1x16xf32>,
        %get3A_211 = arith.index_cast %scan3A_199 : i32 to index
        %get3A_212 = arith.constant 16 : index
        %get3A_213 = tpu.vector_load %arg8[%get3A_211, %get3A_212] {strides = array<i32>} : memref<128x128xf32, #tpu.memory_space<vmem>>, vector<1x16xf32>,
        %get3A_214 = vector.shape_cast %get3A_213 : vector<1x16xf32> to vector<16xf32>
        %mul3A_215 = arith.constant 0.0883883461 : f32
        %mul3A_216 = vector.broadcast %mul3A_215 : f32 to vector<16xf32>
        %mul3A_217 = arith.mulf %get3A_214, %mul3A_216 : vector<16xf32>
        %swap3A_218 = arith.index_cast %scan3A_199 : i32 to index
        %swap3A_219 = arith.constant 16 : index
        %swap3A_220 = tpu.vector_load %arg8[%swap3A_218, %swap3A_219] {strides = array<i32>} : memref<128x128xf32, #tpu.memory_space<vmem>>, vector<1x16xf32>,
        %swap3A_221 = vector.shape_cast %swap3A_220 : vector<1x16xf32> to vector<16xf32>
        %swap3A_222 = vector.shape_cast %mul3A_217 : vector<16xf32> to vector<1x16xf32>
        tpu.vector_store %arg8[%swap3A_218, %swap3A_219], %swap3A_222 {strides = array<i32>} : memref<128x128xf32, #tpu.memory_space<vmem>>, vector<1x16xf32>,
        %get3A_223 = arith.index_cast %scan3A_199 : i32 to index
        %get3A_224 = arith.constant 32 : index
        %get3A_225 = tpu.vector_load %arg8[%get3A_223, %get3A_224] {strides = array<i32>} : memref<128x128xf32, #tpu.memory_space<vmem>>, vector<1x16xf32>,
        %get3A_226 = vector.shape_cast %get3A_225 : vector<1x16xf32> to vector<16xf32>
        %mul3A_227 = arith.constant 0.0883883461 : f32
        %mul3A_228 = vector.broadcast %mul3A_227 : f32 to vector<16xf32>
        %mul3A_229 = arith.mulf %get3A_226, %mul3A_228 : vector<16xf32>
        %swap3A_230 = arith.index_cast %scan3A_199 : i32 to index
        %swap3A_231 = arith.constant 32 : index
        %swap3A_232 = tpu.vector_load %arg8[%swap3A_230, %swap3A_231] {strides = array<i32>} : memref<128x128xf32, #tpu.memory_space<vmem>>, vector<1x16xf32>,
        %swap3A_233 = vector.shape_cast %swap3A_232 : vector<1x16xf32> to vector<16xf32>
        %swap3A_234 = vector.shape_cast %mul3A_229 : vector<16xf32> to vector<1x16xf32>
        tpu.vector_store %arg8[%swap3A_230, %swap3A_231], %swap3A_234 {strides = array<i32>} : memref<128x128xf32, #tpu.memory_space<vmem>>, vector<1x16xf32>,
        %get3A_235 = arith.index_cast %scan3A_199 : i32 to index
        %get3A_236 = arith.constant 48 : index
        %get3A_237 = tpu.vector_load %arg8[%get3A_235, %get3A_236] {strides = array<i32>} : memref<128x128xf32, #tpu.memory_space<vmem>>, vector<1x16xf32>,
        %get3A_238 = vector.shape_cast %get3A_237 : vector<1x16xf32> to vector<16xf32>
        %mul3A_239 = arith.constant 0.0883883461 : f32
        %mul3A_240 = vector.broadcast %mul3A_239 : f32 to vector<16xf32>
        %mul3A_241 = arith.mulf %get3A_238, %mul3A_240 : vector<16xf32>
        %swap3A_242 = arith.index_cast %scan3A_199 : i32 to index
        %swap3A_243 = arith.constant 48 : index
        %swap3A_244 = tpu.vector_load %arg8[%swap3A_242, %swap3A_243] {strides = array<i32>} : memref<128x128xf32, #tpu.memory_space<vmem>>, vector<1x16xf32>,
        %swap3A_245 = vector.shape_cast %swap3A_244 : vector<1x16xf32> to vector<16xf32>
        %swap3A_246 = vector.shape_cast %mul3A_241 : vector<16xf32> to vector<1x16xf32>
        tpu.vector_store %arg8[%swap3A_242, %swap3A_243], %swap3A_246 {strides = array<i32>} : memref<128x128xf32, #tpu.memory_space<vmem>>, vector<1x16xf32>,
        %get3A_247 = arith.index_cast %scan3A_199 : i32 to index
        %get3A_248 = arith.constant 64 : index
        %get3A_249 = tpu.vector_load %arg8[%get3A_247, %get3A_248] {strides = array<i32>} : memref<128x128xf32, #tpu.memory_space<vmem>>, vector<1x16xf32>,
        %get3A_250 = vector.shape_cast %get3A_249 : vector<1x16xf32> to vector<16xf32>
        %mul3A_251 = arith.constant 0.0883883461 : f32
        %mul3A_252 = vector.broadcast %mul3A_251 : f32 to vector<16xf32>
        %mul3A_253 = arith.mulf %get3A_250, %mul3A_252 : vector<16xf32>
        %swap3A_254 = arith.index_cast %scan3A_199 : i32 to index
        %swap3A_255 = arith.constant 64 : index
        %swap3A_256 = tpu.vector_load %arg8[%swap3A_254, %swap3A_255] {strides = array<i32>} : memref<128x128xf32, #tpu.memory_space<vmem>>, vector<1x16xf32>,
        %swap3A_257 = vector.shape_cast %swap3A_256 : vector<1x16xf32> to vector<16xf32>
        %swap3A_258 = vector.shape_cast %mul3A_253 : vector<16xf32> to vector<1x16xf32>
        tpu.vector_store %arg8[%swap3A_254, %swap3A_255], %swap3A_258 {strides = array<i32>} : memref<128x128xf32, #tpu.memory_space<vmem>>, vector<1x16xf32>,
        %get3A_259 = arith.index_cast %scan3A_199 : i32 to index
        %get3A_260 = arith.constant 80 : index
        %get3A_261 = tpu.vector_load %arg8[%get3A_259, %get3A_260] {strides = array<i32>} : memref<128x128xf32, #tpu.memory_space<vmem>>, vector<1x16xf32>,
        %get3A_262 = vector.shape_cast %get3A_261 : vector<1x16xf32> to vector<16xf32>
        %mul3A_263 = arith.constant 0.0883883461 : f32
        %mul3A_264 = vector.broadcast %mul3A_263 : f32 to vector<16xf32>
        %mul3A_265 = arith.mulf %get3A_262, %mul3A_264 : vector<16xf32>
        %swap3A_266 = arith.index_cast %scan3A_199 : i32 to index
        %swap3A_267 = arith.constant 80 : index
        %swap3A_268 = tpu.vector_load %arg8[%swap3A_266, %swap3A_267] {strides = array<i32>} : memref<128x128xf32, #tpu.memory_space<vmem>>, vector<1x16xf32>,
        %swap3A_269 = vector.shape_cast %swap3A_268 : vector<1x16xf32> to vector<16xf32>
        %swap3A_270 = vector.shape_cast %mul3A_265 : vector<16xf32> to vector<1x16xf32>
        tpu.vector_store %arg8[%swap3A_266, %swap3A_267], %swap3A_270 {strides = array<i32>} : memref<128x128xf32, #tpu.memory_space<vmem>>, vector<1x16xf32>,
        %get3A_271 = arith.index_cast %scan3A_199 : i32 to index
        %get3A_272 = arith.constant 96 : index
        %get3A_273 = tpu.vector_load %arg8[%get3A_271, %get3A_272] {strides = array<i32>} : memref<128x128xf32, #tpu.memory_space<vmem>>, vector<1x16xf32>,
        %get3A_274 = vector.shape_cast %get3A_273 : vector<1x16xf32> to vector<16xf32>
        %mul3A_275 = arith.constant 0.0883883461 : f32
        %mul3A_276 = vector.broadcast %mul3A_275 : f32 to vector<16xf32>
        %mul3A_277 = arith.mulf %get3A_274, %mul3A_276 : vector<16xf32>
        %swap3A_278 = arith.index_cast %scan3A_199 : i32 to index
        %swap3A_279 = arith.constant 96 : index
        %swap3A_280 = tpu.vector_load %arg8[%swap3A_278, %swap3A_279] {strides = array<i32>} : memref<128x128xf32, #tpu.memory_space<vmem>>, vector<1x16xf32>,
        %swap3A_281 = vector.shape_cast %swap3A_280 : vector<1x16xf32> to vector<16xf32>
        %swap3A_282 = vector.shape_cast %mul3A_277 : vector<16xf32> to vector<1x16xf32>
        tpu.vector_store %arg8[%swap3A_278, %swap3A_279], %swap3A_282 {strides = array<i32>} : memref<128x128xf32, #tpu.memory_space<vmem>>, vector<1x16xf32>,
        %get3A_283 = arith.index_cast %scan3A_199 : i32 to index
        %get3A_284 = arith.constant 112 : index
        %get3A_285 = tpu.vector_load %arg8[%get3A_283, %get3A_284] {strides = array<i32>} : memref<128x128xf32, #tpu.memory_space<vmem>>, vector<1x16xf32>,
        %get3A_286 = vector.shape_cast %get3A_285 : vector<1x16xf32> to vector<16xf32>
        %mul3A_287 = arith.constant 0.0883883461 : f32
        %mul3A_288 = vector.broadcast %mul3A_287 : f32 to vector<16xf32>
        %mul3A_289 = arith.mulf %get3A_286, %mul3A_288 : vector<16xf32>
        %swap3A_290 = arith.index_cast %scan3A_199 : i32 to index
        %swap3A_291 = arith.constant 112 : index
        %swap3A_292 = tpu.vector_load %arg8[%swap3A_290, %swap3A_291] {strides = array<i32>} : memref<128x128xf32, #tpu.memory_space<vmem>>, vector<1x16xf32>,
        %swap3A_293 = vector.shape_cast %swap3A_292 : vector<1x16xf32> to vector<16xf32>
        %swap3A_294 = vector.shape_cast %mul3A_289 : vector<16xf32> to vector<1x16xf32>
        tpu.vector_store %arg8[%swap3A_290, %swap3A_291], %swap3A_294 {strides = array<i32>} : memref<128x128xf32, #tpu.memory_space<vmem>>, vector<1x16xf32>,
        %scan3A_295 = arith.constant 0 : i32
        %scan3A_296 = arith.constant 1 : i32
        %scan3A_297 = arith.addi %scan3A_199, %scan3A_296 : i32
        %get3A_298 = arith.index_cast %scan3A_297 : i32 to index
        %get3A_299 = arith.constant 0 : index
        %get3A_300 = tpu.vector_load %arg8[%get3A_298, %get3A_299] {strides = array<i32>} : memref<128x128xf32, #tpu.memory_space<vmem>>, vector<1x16xf32>,
        %get3A_301 = vector.shape_cast %get3A_300 : vector<1x16xf32> to vector<16xf32>
        %mul3A_302 = arith.constant 0.0883883461 : f32
        %mul3A_303 = vector.broadcast %mul3A_302 : f32 to vector<16xf32>
        %mul3A_304 = arith.mulf %get3A_301, %mul3A_303 : vector<16xf32>
        %swap3A_305 = arith.index_cast %scan3A_297 : i32 to index
        %swap3A_306 = arith.constant 0 : index
        %swap3A_307 = tpu.vector_load %arg8[%swap3A_305, %swap3A_306] {strides = array<i32>} : memref<128x128xf32, #tpu.memory_space<vmem>>, vector<1x16xf32>,
        %swap3A_308 = vector.shape_cast %swap3A_307 : vector<1x16xf32> to vector<16xf32>
        %swap3A_309 = vector.shape_cast %mul3A_304 : vector<16xf32> to vector<1x16xf32>
        tpu.vector_store %arg8[%swap3A_305, %swap3A_306], %swap3A_309 {strides = array<i32>} : memref<128x128xf32, #tpu.memory_space<vmem>>, vector<1x16xf32>,
        %get3A_310 = arith.index_cast %scan3A_297 : i32 to index
        %get3A_311 = arith.constant 16 : index
        %get3A_312 = tpu.vector_load %arg8[%get3A_310, %get3A_311] {strides = array<i32>} : memref<128x128xf32, #tpu.memory_space<vmem>>, vector<1x16xf32>,
        %get3A_313 = vector.shape_cast %get3A_312 : vector<1x16xf32> to vector<16xf32>
        %mul3A_314 = arith.constant 0.0883883461 : f32
        %mul3A_315 = vector.broadcast %mul3A_314 : f32 to vector<16xf32>
        %mul3A_316 = arith.mulf %get3A_313, %mul3A_315 : vector<16xf32>
        %swap3A_317 = arith.index_cast %scan3A_297 : i32 to index
        %swap3A_318 = arith.constant 16 : index
        %swap3A_319 = tpu.vector_load %arg8[%swap3A_317, %swap3A_318] {strides = array<i32>} : memref<128x128xf32, #tpu.memory_space<vmem>>, vector<1x16xf32>,
        %swap3A_320 = vector.shape_cast %swap3A_319 : vector<1x16xf32> to vector<16xf32>
        %swap3A_321 = vector.shape_cast %mul3A_316 : vector<16xf32> to vector<1x16xf32>
        tpu.vector_store %arg8[%swap3A_317, %swap3A_318], %swap3A_321 {strides = array<i32>} : memref<128x128xf32, #tpu.memory_space<vmem>>, vector<1x16xf32>,
        %get3A_322 = arith.index_cast %scan3A_297 : i32 to index
        %get3A_323 = arith.constant 32 : index
        %get3A_324 = tpu.vector_load %arg8[%get3A_322, %get3A_323] {strides = array<i32>} : memref<128x128xf32, #tpu.memory_space<vmem>>, vector<1x16xf32>,
        %get3A_325 = vector.shape_cast %get3A_324 : vector<1x16xf32> to vector<16xf32>
        %mul3A_326 = arith.constant 0.0883883461 : f32
        %mul3A_327 = vector.broadcast %mul3A_326 : f32 to vector<16xf32>
        %mul3A_328 = arith.mulf %get3A_325, %mul3A_327 : vector<16xf32>
        %swap3A_329 = arith.index_cast %scan3A_297 : i32 to index
        %swap3A_330 = arith.constant 32 : index
        %swap3A_331 = tpu.vector_load %arg8[%swap3A_329, %swap3A_330] {strides = array<i32>} : memref<128x128xf32, #tpu.memory_space<vmem>>, vector<1x16xf32>,
        %swap3A_332 = vector.shape_cast %swap3A_331 : vector<1x16xf32> to vector<16xf32>
        %swap3A_333 = vector.shape_cast %mul3A_328 : vector<16xf32> to vector<1x16xf32>
        tpu.vector_store %arg8[%swap3A_329, %swap3A_330], %swap3A_333 {strides = array<i32>} : memref<128x128xf32, #tpu.memory_space<vmem>>, vector<1x16xf32>,
        %get3A_334 = arith.index_cast %scan3A_297 : i32 to index
        %get3A_335 = arith.constant 48 : index
        %get3A_336 = tpu.vector_load %arg8[%get3A_334, %get3A_335] {strides = array<i32>} : memref<128x128xf32, #tpu.memory_space<vmem>>, vector<1x16xf32>,
        %get3A_337 = vector.shape_cast %get3A_336 : vector<1x16xf32> to vector<16xf32>
        %mul3A_338 = arith.constant 0.0883883461 : f32
        %mul3A_339 = vector.broadcast %mul3A_338 : f32 to vector<16xf32>
        %mul3A_340 = arith.mulf %get3A_337, %mul3A_339 : vector<16xf32>
        %swap3A_341 = arith.index_cast %scan3A_297 : i32 to index
        %swap3A_342 = arith.constant 48 : index
        %swap3A_343 = tpu.vector_load %arg8[%swap3A_341, %swap3A_342] {strides = array<i32>} : memref<128x128xf32, #tpu.memory_space<vmem>>, vector<1x16xf32>,
        %swap3A_344 = vector.shape_cast %swap3A_343 : vector<1x16xf32> to vector<16xf32>
        %swap3A_345 = vector.shape_cast %mul3A_340 : vector<16xf32> to vector<1x16xf32>
        tpu.vector_store %arg8[%swap3A_341, %swap3A_342], %swap3A_345 {strides = array<i32>} : memref<128x128xf32, #tpu.memory_space<vmem>>, vector<1x16xf32>,
        %get3A_346 = arith.index_cast %scan3A_297 : i32 to index
        %get3A_347 = arith.constant 64 : index
        %get3A_348 = tpu.vector_load %arg8[%get3A_346, %get3A_347] {strides = array<i32>} : memref<128x128xf32, #tpu.memory_space<vmem>>, vector<1x16xf32>,
        %get3A_349 = vector.shape_cast %get3A_348 : vector<1x16xf32> to vector<16xf32>
        %mul3A_350 = arith.constant 0.0883883461 : f32
        %mul3A_351 = vector.broadcast %mul3A_350 : f32 to vector<16xf32>
        %mul3A_352 = arith.mulf %get3A_349, %mul3A_351 : vector<16xf32>
        %swap3A_353 = arith.index_cast %scan3A_297 : i32 to index
        %swap3A_354 = arith.constant 64 : index
        %swap3A_355 = tpu.vector_load %arg8[%swap3A_353, %swap3A_354] {strides = array<i32>} : memref<128x128xf32, #tpu.memory_space<vmem>>, vector<1x16xf32>,
        %swap3A_356 = vector.shape_cast %swap3A_355 : vector<1x16xf32> to vector<16xf32>
        %swap3A_357 = vector.shape_cast %mul3A_352 : vector<16xf32> to vector<1x16xf32>
        tpu.vector_store %arg8[%swap3A_353, %swap3A_354], %swap3A_357 {strides = array<i32>} : memref<128x128xf32, #tpu.memory_space<vmem>>, vector<1x16xf32>,
        %get3A_358 = arith.index_cast %scan3A_297 : i32 to index
        %get3A_359 = arith.constant 80 : index
        %get3A_360 = tpu.vector_load %arg8[%get3A_358, %get3A_359] {strides = array<i32>} : memref<128x128xf32, #tpu.memory_space<vmem>>, vector<1x16xf32>,
        %get3A_361 = vector.shape_cast %get3A_360 : vector<1x16xf32> to vector<16xf32>
        %mul3A_362 = arith.constant 0.0883883461 : f32
        %mul3A_363 = vector.broadcast %mul3A_362 : f32 to vector<16xf32>
        %mul3A_364 = arith.mulf %get3A_361, %mul3A_363 : vector<16xf32>
        %swap3A_365 = arith.index_cast %scan3A_297 : i32 to index
        %swap3A_366 = arith.constant 80 : index
        %swap3A_367 = tpu.vector_load %arg8[%swap3A_365, %swap3A_366] {strides = array<i32>} : memref<128x128xf32, #tpu.memory_space<vmem>>, vector<1x16xf32>,
        %swap3A_368 = vector.shape_cast %swap3A_367 : vector<1x16xf32> to vector<16xf32>
        %swap3A_369 = vector.shape_cast %mul3A_364 : vector<16xf32> to vector<1x16xf32>
        tpu.vector_store %arg8[%swap3A_365, %swap3A_366], %swap3A_369 {strides = array<i32>} : memref<128x128xf32, #tpu.memory_space<vmem>>, vector<1x16xf32>,
        %get3A_370 = arith.index_cast %scan3A_297 : i32 to index
        %get3A_371 = arith.constant 96 : index
        %get3A_372 = tpu.vector_load %arg8[%get3A_370, %get3A_371] {strides = array<i32>} : memref<128x128xf32, #tpu.memory_space<vmem>>, vector<1x16xf32>,
        %get3A_373 = vector.shape_cast %get3A_372 : vector<1x16xf32> to vector<16xf32>
        %mul3A_374 = arith.constant 0.0883883461 : f32
        %mul3A_375 = vector.broadcast %mul3A_374 : f32 to vector<16xf32>
        %mul3A_376 = arith.mulf %get3A_373, %mul3A_375 : vector<16xf32>
        %swap3A_377 = arith.index_cast %scan3A_297 : i32 to index
        %swap3A_378 = arith.constant 96 : index
        %swap3A_379 = tpu.vector_load %arg8[%swap3A_377, %swap3A_378] {strides = array<i32>} : memref<128x128xf32, #tpu.memory_space<vmem>>, vector<1x16xf32>,
        %swap3A_380 = vector.shape_cast %swap3A_379 : vector<1x16xf32> to vector<16xf32>
        %swap3A_381 = vector.shape_cast %mul3A_376 : vector<16xf32> to vector<1x16xf32>
        tpu.vector_store %arg8[%swap3A_377, %swap3A_378], %swap3A_381 {strides = array<i32>} : memref<128x128xf32, #tpu.memory_space<vmem>>, vector<1x16xf32>,
        %get3A_382 = arith.index_cast %scan3A_297 : i32 to index
        %get3A_383 = arith.constant 112 : index
        %get3A_384 = tpu.vector_load %arg8[%get3A_382, %get3A_383] {strides = array<i32>} : memref<128x128xf32, #tpu.memory_space<vmem>>, vector<1x16xf32>,
        %get3A_385 = vector.shape_cast %get3A_384 : vector<1x16xf32> to vector<16xf32>
        %mul3A_386 = arith.constant 0.0883883461 : f32
        %mul3A_387 = vector.broadcast %mul3A_386 : f32 to vector<16xf32>
        %mul3A_388 = arith.mulf %get3A_385, %mul3A_387 : vector<16xf32>
        %swap3A_389 = arith.index_cast %scan3A_297 : i32 to index
        %swap3A_390 = arith.constant 112 : index
        %swap3A_391 = tpu.vector_load %arg8[%swap3A_389, %swap3A_390] {strides = array<i32>} : memref<128x128xf32, #tpu.memory_space<vmem>>, vector<1x16xf32>,
        %swap3A_392 = vector.shape_cast %swap3A_391 : vector<1x16xf32> to vector<16xf32>
        %swap3A_393 = vector.shape_cast %mul3A_388 : vector<16xf32> to vector<1x16xf32>
        tpu.vector_store %arg8[%swap3A_389, %swap3A_390], %swap3A_393 {strides = array<i32>} : memref<128x128xf32, #tpu.memory_space<vmem>>, vector<1x16xf32>,
        %scan3A_394 = arith.constant 0 : i32
        %scan3A_395 = arith.constant 2 : i32
        %scan3A_396 = arith.addi %scan3A_199, %scan3A_395 : i32
        %get3A_397 = arith.index_cast %scan3A_396 : i32 to index
        %get3A_398 = arith.constant 0 : index
        %get3A_399 = tpu.vector_load %arg8[%get3A_397, %get3A_398] {strides = array<i32>} : memref<128x128xf32, #tpu.memory_space<vmem>>, vector<1x16xf32>,
        %get3A_400 = vector.shape_cast %get3A_399 : vector<1x16xf32> to vector<16xf32>
        %mul3A_401 = arith.constant 0.0883883461 : f32
        %mul3A_402 = vector.broadcast %mul3A_401 : f32 to vector<16xf32>
        %mul3A_403 = arith.mulf %get3A_400, %mul3A_402 : vector<16xf32>
        %swap3A_404 = arith.index_cast %scan3A_396 : i32 to index
        %swap3A_405 = arith.constant 0 : index
        %swap3A_406 = tpu.vector_load %arg8[%swap3A_404, %swap3A_405] {strides = array<i32>} : memref<128x128xf32, #tpu.memory_space<vmem>>, vector<1x16xf32>,
        %swap3A_407 = vector.shape_cast %swap3A_406 : vector<1x16xf32> to vector<16xf32>
        %swap3A_408 = vector.shape_cast %mul3A_403 : vector<16xf32> to vector<1x16xf32>
        tpu.vector_store %arg8[%swap3A_404, %swap3A_405], %swap3A_408 {strides = array<i32>} : memref<128x128xf32, #tpu.memory_space<vmem>>, vector<1x16xf32>,
        %get3A_409 = arith.index_cast %scan3A_396 : i32 to index
        %get3A_410 = arith.constant 16 : index
        %get3A_411 = tpu.vector_load %arg8[%get3A_409, %get3A_410] {strides = array<i32>} : memref<128x128xf32, #tpu.memory_space<vmem>>, vector<1x16xf32>,
        %get3A_412 = vector.shape_cast %get3A_411 : vector<1x16xf32> to vector<16xf32>
        %mul3A_413 = arith.constant 0.0883883461 : f32
        %mul3A_414 = vector.broadcast %mul3A_413 : f32 to vector<16xf32>
        %mul3A_415 = arith.mulf %get3A_412, %mul3A_414 : vector<16xf32>
        %swap3A_416 = arith.index_cast %scan3A_396 : i32 to index
        %swap3A_417 = arith.constant 16 : index
        %swap3A_418 = tpu.vector_load %arg8[%swap3A_416, %swap3A_417] {strides = array<i32>} : memref<128x128xf32, #tpu.memory_space<vmem>>, vector<1x16xf32>,
        %swap3A_419 = vector.shape_cast %swap3A_418 : vector<1x16xf32> to vector<16xf32>
        %swap3A_420 = vector.shape_cast %mul3A_415 : vector<16xf32> to vector<1x16xf32>
        tpu.vector_store %arg8[%swap3A_416, %swap3A_417], %swap3A_420 {strides = array<i32>} : memref<128x128xf32, #tpu.memory_space<vmem>>, vector<1x16xf32>,
        %get3A_421 = arith.index_cast %scan3A_396 : i32 to index
        %get3A_422 = arith.constant 32 : index
        %get3A_423 = tpu.vector_load %arg8[%get3A_421, %get3A_422] {strides = array<i32>} : memref<128x128xf32, #tpu.memory_space<vmem>>, vector<1x16xf32>,
        %get3A_424 = vector.shape_cast %get3A_423 : vector<1x16xf32> to vector<16xf32>
        %mul3A_425 = arith.constant 0.0883883461 : f32
        %mul3A_426 = vector.broadcast %mul3A_425 : f32 to vector<16xf32>
        %mul3A_427 = arith.mulf %get3A_424, %mul3A_426 : vector<16xf32>
        %swap3A_428 = arith.index_cast %scan3A_396 : i32 to index
        %swap3A_429 = arith.constant 32 : index
        %swap3A_430 = tpu.vector_load %arg8[%swap3A_428, %swap3A_429] {strides = array<i32>} : memref<128x128xf32, #tpu.memory_space<vmem>>, vector<1x16xf32>,
        %swap3A_431 = vector.shape_cast %swap3A_430 : vector<1x16xf32> to vector<16xf32>
        %swap3A_432 = vector.shape_cast %mul3A_427 : vector<16xf32> to vector<1x16xf32>
        tpu.vector_store %arg8[%swap3A_428, %swap3A_429], %swap3A_432 {strides = array<i32>} : memref<128x128xf32, #tpu.memory_space<vmem>>, vector<1x16xf32>,
        %get3A_433 = arith.index_cast %scan3A_396 : i32 to index
        %get3A_434 = arith.constant 48 : index
        %get3A_435 = tpu.vector_load %arg8[%get3A_433, %get3A_434] {strides = array<i32>} : memref<128x128xf32, #tpu.memory_space<vmem>>, vector<1x16xf32>,
        %get3A_436 = vector.shape_cast %get3A_435 : vector<1x16xf32> to vector<16xf32>
        %mul3A_437 = arith.constant 0.0883883461 : f32
        %mul3A_438 = vector.broadcast %mul3A_437 : f32 to vector<16xf32>
        %mul3A_439 = arith.mulf %get3A_436, %mul3A_438 : vector<16xf32>
        %swap3A_440 = arith.index_cast %scan3A_396 : i32 to index
        %swap3A_441 = arith.constant 48 : index
        %swap3A_442 = tpu.vector_load %arg8[%swap3A_440, %swap3A_441] {strides = array<i32>} : memref<128x128xf32, #tpu.memory_space<vmem>>, vector<1x16xf32>,
        %swap3A_443 = vector.shape_cast %swap3A_442 : vector<1x16xf32> to vector<16xf32>
        %swap3A_444 = vector.shape_cast %mul3A_439 : vector<16xf32> to vector<1x16xf32>
        tpu.vector_store %arg8[%swap3A_440, %swap3A_441], %swap3A_444 {strides = array<i32>} : memref<128x128xf32, #tpu.memory_space<vmem>>, vector<1x16xf32>,
        %get3A_445 = arith.index_cast %scan3A_396 : i32 to index
        %get3A_446 = arith.constant 64 : index
        %get3A_447 = tpu.vector_load %arg8[%get3A_445, %get3A_446] {strides = array<i32>} : memref<128x128xf32, #tpu.memory_space<vmem>>, vector<1x16xf32>,
        %get3A_448 = vector.shape_cast %get3A_447 : vector<1x16xf32> to vector<16xf32>
        %mul3A_449 = arith.constant 0.0883883461 : f32
        %mul3A_450 = vector.broadcast %mul3A_449 : f32 to vector<16xf32>
        %mul3A_451 = arith.mulf %get3A_448, %mul3A_450 : vector<16xf32>
        %swap3A_452 = arith.index_cast %scan3A_396 : i32 to index
        %swap3A_453 = arith.constant 64 : index
        %swap3A_454 = tpu.vector_load %arg8[%swap3A_452, %swap3A_453] {strides = array<i32>} : memref<128x128xf32, #tpu.memory_space<vmem>>, vector<1x16xf32>,
        %swap3A_455 = vector.shape_cast %swap3A_454 : vector<1x16xf32> to vector<16xf32>
        %swap3A_456 = vector.shape_cast %mul3A_451 : vector<16xf32> to vector<1x16xf32>
        tpu.vector_store %arg8[%swap3A_452, %swap3A_453], %swap3A_456 {strides = array<i32>} : memref<128x128xf32, #tpu.memory_space<vmem>>, vector<1x16xf32>,
        %get3A_457 = arith.index_cast %scan3A_396 : i32 to index
        %get3A_458 = arith.constant 80 : index
        %get3A_459 = tpu.vector_load %arg8[%get3A_457, %get3A_458] {strides = array<i32>} : memref<128x128xf32, #tpu.memory_space<vmem>>, vector<1x16xf32>,
        %get3A_460 = vector.shape_cast %get3A_459 : vector<1x16xf32> to vector<16xf32>
        %mul3A_461 = arith.constant 0.0883883461 : f32
        %mul3A_462 = vector.broadcast %mul3A_461 : f32 to vector<16xf32>
        %mul3A_463 = arith.mulf %get3A_460, %mul3A_462 : vector<16xf32>
        %swap3A_464 = arith.index_cast %scan3A_396 : i32 to index
        %swap3A_465 = arith.constant 80 : index
        %swap3A_466 = tpu.vector_load %arg8[%swap3A_464, %swap3A_465] {strides = array<i32>} : memref<128x128xf32, #tpu.memory_space<vmem>>, vector<1x16xf32>,
        %swap3A_467 = vector.shape_cast %swap3A_466 : vector<1x16xf32> to vector<16xf32>
        %swap3A_468 = vector.shape_cast %mul3A_463 : vector<16xf32> to vector<1x16xf32>
        tpu.vector_store %arg8[%swap3A_464, %swap3A_465], %swap3A_468 {strides = array<i32>} : memref<128x128xf32, #tpu.memory_space<vmem>>, vector<1x16xf32>,
        %get3A_469 = arith.index_cast %scan3A_396 : i32 to index
        %get3A_470 = arith.constant 96 : index
        %get3A_471 = tpu.vector_load %arg8[%get3A_469, %get3A_470] {strides = array<i32>} : memref<128x128xf32, #tpu.memory_space<vmem>>, vector<1x16xf32>,
        %get3A_472 = vector.shape_cast %get3A_471 : vector<1x16xf32> to vector<16xf32>
        %mul3A_473 = arith.constant 0.0883883461 : f32
        %mul3A_474 = vector.broadcast %mul3A_473 : f32 to vector<16xf32>
        %mul3A_475 = arith.mulf %get3A_472, %mul3A_474 : vector<16xf32>
        %swap3A_476 = arith.index_cast %scan3A_396 : i32 to index
        %swap3A_477 = arith.constant 96 : index
        %swap3A_478 = tpu.vector_load %arg8[%swap3A_476, %swap3A_477] {strides = array<i32>} : memref<128x128xf32, #tpu.memory_space<vmem>>, vector<1x16xf32>,
        %swap3A_479 = vector.shape_cast %swap3A_478 : vector<1x16xf32> to vector<16xf32>
        %swap3A_480 = vector.shape_cast %mul3A_475 : vector<16xf32> to vector<1x16xf32>
        tpu.vector_store %arg8[%swap3A_476, %swap3A_477], %swap3A_480 {strides = array<i32>} : memref<128x128xf32, #tpu.memory_space<vmem>>, vector<1x16xf32>,
        %get3A_481 = arith.index_cast %scan3A_396 : i32 to index
        %get3A_482 = arith.constant 112 : index
        %get3A_483 = tpu.vector_load %arg8[%get3A_481, %get3A_482] {strides = array<i32>} : memref<128x128xf32, #tpu.memory_space<vmem>>, vector<1x16xf32>,
        %get3A_484 = vector.shape_cast %get3A_483 : vector<1x16xf32> to vector<16xf32>
        %mul3A_485 = arith.constant 0.0883883461 : f32
        %mul3A_486 = vector.broadcast %mul3A_485 : f32 to vector<16xf32>
        %mul3A_487 = arith.mulf %get3A_484, %mul3A_486 : vector<16xf32>
        %swap3A_488 = arith.index_cast %scan3A_396 : i32 to index
        %swap3A_489 = arith.constant 112 : index
        %swap3A_490 = tpu.vector_load %arg8[%swap3A_488, %swap3A_489] {strides = array<i32>} : memref<128x128xf32, #tpu.memory_space<vmem>>, vector<1x16xf32>,
        %swap3A_491 = vector.shape_cast %swap3A_490 : vector<1x16xf32> to vector<16xf32>
        %swap3A_492 = vector.shape_cast %mul3A_487 : vector<16xf32> to vector<1x16xf32>
        tpu.vector_store %arg8[%swap3A_488, %swap3A_489], %swap3A_492 {strides = array<i32>} : memref<128x128xf32, #tpu.memory_space<vmem>>, vector<1x16xf32>,
        %scan3A_493 = arith.constant 0 : i32
        %scan3A_494 = arith.constant 3 : i32
        %scan3A_495 = arith.addi %scan3A_199, %scan3A_494 : i32
        %get3A_496 = arith.index_cast %scan3A_495 : i32 to index
        %get3A_497 = arith.constant 0 : index
        %get3A_498 = tpu.vector_load %arg8[%get3A_496, %get3A_497] {strides = array<i32>} : memref<128x128xf32, #tpu.memory_space<vmem>>, vector<1x16xf32>,
        %get3A_499 = vector.shape_cast %get3A_498 : vector<1x16xf32> to vector<16xf32>
        %mul3A_500 = arith.constant 0.0883883461 : f32
        %mul3A_501 = vector.broadcast %mul3A_500 : f32 to vector<16xf32>
        %mul3A_502 = arith.mulf %get3A_499, %mul3A_501 : vector<16xf32>
        %swap3A_503 = arith.index_cast %scan3A_495 : i32 to index
        %swap3A_504 = arith.constant 0 : index
        %swap3A_505 = tpu.vector_load %arg8[%swap3A_503, %swap3A_504] {strides = array<i32>} : memref<128x128xf32, #tpu.memory_space<vmem>>, vector<1x16xf32>,
        %swap3A_506 = vector.shape_cast %swap3A_505 : vector<1x16xf32> to vector<16xf32>
        %swap3A_507 = vector.shape_cast %mul3A_502 : vector<16xf32> to vector<1x16xf32>
        tpu.vector_store %arg8[%swap3A_503, %swap3A_504], %swap3A_507 {strides = array<i32>} : memref<128x128xf32, #tpu.memory_space<vmem>>, vector<1x16xf32>,
        %get3A_508 = arith.index_cast %scan3A_495 : i32 to index
        %get3A_509 = arith.constant 16 : index
        %get3A_510 = tpu.vector_load %arg8[%get3A_508, %get3A_509] {strides = array<i32>} : memref<128x128xf32, #tpu.memory_space<vmem>>, vector<1x16xf32>,
        %get3A_511 = vector.shape_cast %get3A_510 : vector<1x16xf32> to vector<16xf32>
        %mul3A_512 = arith.constant 0.0883883461 : f32
        %mul3A_513 = vector.broadcast %mul3A_512 : f32 to vector<16xf32>
        %mul3A_514 = arith.mulf %get3A_511, %mul3A_513 : vector<16xf32>
        %swap3A_515 = arith.index_cast %scan3A_495 : i32 to index
        %swap3A_516 = arith.constant 16 : index
        %swap3A_517 = tpu.vector_load %arg8[%swap3A_515, %swap3A_516] {strides = array<i32>} : memref<128x128xf32, #tpu.memory_space<vmem>>, vector<1x16xf32>,
        %swap3A_518 = vector.shape_cast %swap3A_517 : vector<1x16xf32> to vector<16xf32>
        %swap3A_519 = vector.shape_cast %mul3A_514 : vector<16xf32> to vector<1x16xf32>
        tpu.vector_store %arg8[%swap3A_515, %swap3A_516], %swap3A_519 {strides = array<i32>} : memref<128x128xf32, #tpu.memory_space<vmem>>, vector<1x16xf32>,
        %get3A_520 = arith.index_cast %scan3A_495 : i32 to index
        %get3A_521 = arith.constant 32 : index
        %get3A_522 = tpu.vector_load %arg8[%get3A_520, %get3A_521] {strides = array<i32>} : memref<128x128xf32, #tpu.memory_space<vmem>>, vector<1x16xf32>,
        %get3A_523 = vector.shape_cast %get3A_522 : vector<1x16xf32> to vector<16xf32>
        %mul3A_524 = arith.constant 0.0883883461 : f32
        %mul3A_525 = vector.broadcast %mul3A_524 : f32 to vector<16xf32>
        %mul3A_526 = arith.mulf %get3A_523, %mul3A_525 : vector<16xf32>
        %swap3A_527 = arith.index_cast %scan3A_495 : i32 to index
        %swap3A_528 = arith.constant 32 : index
        %swap3A_529 = tpu.vector_load %arg8[%swap3A_527, %swap3A_528] {strides = array<i32>} : memref<128x128xf32, #tpu.memory_space<vmem>>, vector<1x16xf32>,
        %swap3A_530 = vector.shape_cast %swap3A_529 : vector<1x16xf32> to vector<16xf32>
        %swap3A_531 = vector.shape_cast %mul3A_526 : vector<16xf32> to vector<1x16xf32>
        tpu.vector_store %arg8[%swap3A_527, %swap3A_528], %swap3A_531 {strides = array<i32>} : memref<128x128xf32, #tpu.memory_space<vmem>>, vector<1x16xf32>,
        %get3A_532 = arith.index_cast %scan3A_495 : i32 to index
        %get3A_533 = arith.constant 48 : index
        %get3A_534 = tpu.vector_load %arg8[%get3A_532, %get3A_533] {strides = array<i32>} : memref<128x128xf32, #tpu.memory_space<vmem>>, vector<1x16xf32>,
        %get3A_535 = vector.shape_cast %get3A_534 : vector<1x16xf32> to vector<16xf32>
        %mul3A_536 = arith.constant 0.0883883461 : f32
        %mul3A_537 = vector.broadcast %mul3A_536 : f32 to vector<16xf32>
        %mul3A_538 = arith.mulf %get3A_535, %mul3A_537 : vector<16xf32>
        %swap3A_539 = arith.index_cast %scan3A_495 : i32 to index
        %swap3A_540 = arith.constant 48 : index
        %swap3A_541 = tpu.vector_load %arg8[%swap3A_539, %swap3A_540] {strides = array<i32>} : memref<128x128xf32, #tpu.memory_space<vmem>>, vector<1x16xf32>,
        %swap3A_542 = vector.shape_cast %swap3A_541 : vector<1x16xf32> to vector<16xf32>
        %swap3A_543 = vector.shape_cast %mul3A_538 : vector<16xf32> to vector<1x16xf32>
        tpu.vector_store %arg8[%swap3A_539, %swap3A_540], %swap3A_543 {strides = array<i32>} : memref<128x128xf32, #tpu.memory_space<vmem>>, vector<1x16xf32>,
        %get3A_544 = arith.index_cast %scan3A_495 : i32 to index
        %get3A_545 = arith.constant 64 : index
        %get3A_546 = tpu.vector_load %arg8[%get3A_544, %get3A_545] {strides = array<i32>} : memref<128x128xf32, #tpu.memory_space<vmem>>, vector<1x16xf32>,
        %get3A_547 = vector.shape_cast %get3A_546 : vector<1x16xf32> to vector<16xf32>
        %mul3A_548 = arith.constant 0.0883883461 : f32
        %mul3A_549 = vector.broadcast %mul3A_548 : f32 to vector<16xf32>
        %mul3A_550 = arith.mulf %get3A_547, %mul3A_549 : vector<16xf32>
        %swap3A_551 = arith.index_cast %scan3A_495 : i32 to index
        %swap3A_552 = arith.constant 64 : index
        %swap3A_553 = tpu.vector_load %arg8[%swap3A_551, %swap3A_552] {strides = array<i32>} : memref<128x128xf32, #tpu.memory_space<vmem>>, vector<1x16xf32>,
        %swap3A_554 = vector.shape_cast %swap3A_553 : vector<1x16xf32> to vector<16xf32>
        %swap3A_555 = vector.shape_cast %mul3A_550 : vector<16xf32> to vector<1x16xf32>
        tpu.vector_store %arg8[%swap3A_551, %swap3A_552], %swap3A_555 {strides = array<i32>} : memref<128x128xf32, #tpu.memory_space<vmem>>, vector<1x16xf32>,
        %get3A_556 = arith.index_cast %scan3A_495 : i32 to index
        %get3A_557 = arith.constant 80 : index
        %get3A_558 = tpu.vector_load %arg8[%get3A_556, %get3A_557] {strides = array<i32>} : memref<128x128xf32, #tpu.memory_space<vmem>>, vector<1x16xf32>,
        %get3A_559 = vector.shape_cast %get3A_558 : vector<1x16xf32> to vector<16xf32>
        %mul3A_560 = arith.constant 0.0883883461 : f32
        %mul3A_561 = vector.broadcast %mul3A_560 : f32 to vector<16xf32>
        %mul3A_562 = arith.mulf %get3A_559, %mul3A_561 : vector<16xf32>
        %swap3A_563 = arith.index_cast %scan3A_495 : i32 to index
        %swap3A_564 = arith.constant 80 : index
        %swap3A_565 = tpu.vector_load %arg8[%swap3A_563, %swap3A_564] {strides = array<i32>} : memref<128x128xf32, #tpu.memory_space<vmem>>, vector<1x16xf32>,
        %swap3A_566 = vector.shape_cast %swap3A_565 : vector<1x16xf32> to vector<16xf32>
        %swap3A_567 = vector.shape_cast %mul3A_562 : vector<16xf32> to vector<1x16xf32>
        tpu.vector_store %arg8[%swap3A_563, %swap3A_564], %swap3A_567 {strides = array<i32>} : memref<128x128xf32, #tpu.memory_space<vmem>>, vector<1x16xf32>,
        %get3A_568 = arith.index_cast %scan3A_495 : i32 to index
        %get3A_569 = arith.constant 96 : index
        %get3A_570 = tpu.vector_load %arg8[%get3A_568, %get3A_569] {strides = array<i32>} : memref<128x128xf32, #tpu.memory_space<vmem>>, vector<1x16xf32>,
        %get3A_571 = vector.shape_cast %get3A_570 : vector<1x16xf32> to vector<16xf32>
        %mul3A_572 = arith.constant 0.0883883461 : f32
        %mul3A_573 = vector.broadcast %mul3A_572 : f32 to vector<16xf32>
        %mul3A_574 = arith.mulf %get3A_571, %mul3A_573 : vector<16xf32>
        %swap3A_575 = arith.index_cast %scan3A_495 : i32 to index
        %swap3A_576 = arith.constant 96 : index
        %swap3A_577 = tpu.vector_load %arg8[%swap3A_575, %swap3A_576] {strides = array<i32>} : memref<128x128xf32, #tpu.memory_space<vmem>>, vector<1x16xf32>,
        %swap3A_578 = vector.shape_cast %swap3A_577 : vector<1x16xf32> to vector<16xf32>
        %swap3A_579 = vector.shape_cast %mul3A_574 : vector<16xf32> to vector<1x16xf32>
        tpu.vector_store %arg8[%swap3A_575, %swap3A_576], %swap3A_579 {strides = array<i32>} : memref<128x128xf32, #tpu.memory_space<vmem>>, vector<1x16xf32>,
        %get3A_580 = arith.index_cast %scan3A_495 : i32 to index
        %get3A_581 = arith.constant 112 : index
        %get3A_582 = tpu.vector_load %arg8[%get3A_580, %get3A_581] {strides = array<i32>} : memref<128x128xf32, #tpu.memory_space<vmem>>, vector<1x16xf32>,
        %get3A_583 = vector.shape_cast %get3A_582 : vector<1x16xf32> to vector<16xf32>
        %mul3A_584 = arith.constant 0.0883883461 : f32
        %mul3A_585 = vector.broadcast %mul3A_584 : f32 to vector<16xf32>
        %mul3A_586 = arith.mulf %get3A_583, %mul3A_585 : vector<16xf32>
        %swap3A_587 = arith.index_cast %scan3A_495 : i32 to index
        %swap3A_588 = arith.constant 112 : index
        %swap3A_589 = tpu.vector_load %arg8[%swap3A_587, %swap3A_588] {strides = array<i32>} : memref<128x128xf32, #tpu.memory_space<vmem>>, vector<1x16xf32>,
        %swap3A_590 = vector.shape_cast %swap3A_589 : vector<1x16xf32> to vector<16xf32>
        %swap3A_591 = vector.shape_cast %mul3A_586 : vector<16xf32> to vector<1x16xf32>
        tpu.vector_store %arg8[%swap3A_587, %swap3A_588], %swap3A_591 {strides = array<i32>} : memref<128x128xf32, #tpu.memory_space<vmem>>, vector<1x16xf32>,
        %scan3A_592 = arith.constant 0 : i32
        scf.yield %scan3A_592 : i32
      }
      %scan3A_140 = arith.constant 128 : i32
      %mul3A_141 = arith.constant 128 : i32
      %mul3A_142 = arith.muli %add3A_127, %mul3A_141 : i32
      %add3A_143 = arith.addi %mul3A_2, %mul3A_142 : i32
      %dma_start3A_144 = arith.constant 0 : i32
      %dma_start3A_145 = tpu.memref_slice %arg4[%add3A_143, %dma_start3A_144] : memref<819200x128xf32, #tpu.memory_space<hbm>> -> memref<128x128xf32, #tpu.memory_space<hbm>>
      %dma_start3A_146 = arith.constant 0 : i32
      %dma_start3A_147 = tpu.memref_slice %arg4[%add3A_143, %dma_start3A_146] : memref<819200x128xf32, #tpu.memory_space<hbm>> -> memref<128x128xf32, #tpu.memory_space<hbm>>
      tpu.enqueue_dma source(%arg8 : memref<128x128xf32, #tpu.memory_space<vmem>>) target(%dma_start3A_147 : memref<128x128xf32, #tpu.memory_space<hbm>>) target_semaphore(%arg18 : memref<!tpu.dma_semaphore, #tpu.memory_space<semaphore_mem>>)
      %mul3A_148 = arith.constant 5 : i32
      %mul3A_149 = arith.muli %scan3A_74, %mul3A_148 : i32
      %add3A_150 = arith.constant 3 : i32
      %add3A_151 = arith.addi %mul3A_149, %add3A_150 : i32
      %dma_wait3A_152 = arith.constant 0 : i32
      %dma_wait3A_153 = tpu.memref_slice %arg5[%add3A_151, %dma_wait3A_152] : memref<200x128xi32, #tpu.memory_space<vmem>> -> memref<1x128xi32, #tpu.memory_space<vmem>>
      %dma_wait3A_154 = tpu.memref_squeeze %dma_wait3A_153 : memref<1x128xi32, #tpu.memory_space<vmem>> -> memref<128xi32, #tpu.memory_space<vmem>>
      %dma_wait3A_155 = arith.constant 0 : i32
      %dma_wait3A_156 = arith.constant 0 : i32
      %dma_wait3A_157 = tpu.memref_slice %arg3[%dma_wait3A_155, %dma_wait3A_156] : memref<100000x128xf32, #tpu.memory_space<hbm>> -> memref<100000x128xf32, #tpu.memory_space<hbm>>
      tpu.wait_indirect_dma semaphore(%arg14 : memref<!tpu.dma_semaphore, #tpu.memory_space<semaphore_mem>>) src(%dma_wait3A_157 : memref<100000x128xf32, #tpu.memory_space<hbm>>) dst(%arg9 : memref<128x128xf32, #tpu.memory_space<vmem>>)
      %scan3A_158 = arith.constant 0 : i32
      %scan3A_159 = arith.constant 0 : i32
      %scan3A_160 = arith.constant 128 : i32
      %scan3A_161 = arith.addi %scan3A_159, %scan3A_160 : i32
      %scan3A_162 = arith.constant 4 : i32
      %scan3A_163 = scf.for %scan3A_199 = %scan3A_159 to %scan3A_161 step %scan3A_162 iter_args(%scan3A_200 = %scan3A_158) -> (i32)  : i32 {
        %get3A = arith.index_cast %scan3A_199 : i32 to index
        %get3A_201 = arith.constant 0 : index
        %get3A_202 = tpu.vector_load %arg9[%get3A, %get3A_201] {strides = array<i32>} : memref<128x128xf32, #tpu.memory_space<vmem>>, vector<1x16xf32>,
        %get3A_203 = vector.shape_cast %get3A_202 : vector<1x16xf32> to vector<16xf32>
        %mul3A_204 = arith.constant 0.0883883461 : f32
        %mul3A_205 = vector.broadcast %mul3A_204 : f32 to vector<16xf32>
        %mul3A_206 = arith.mulf %get3A_203, %mul3A_205 : vector<16xf32>
        %swap3A = arith.index_cast %scan3A_199 : i32 to index
        %swap3A_207 = arith.constant 0 : index
        %swap3A_208 = tpu.vector_load %arg9[%swap3A, %swap3A_207] {strides = array<i32>} : memref<128x128xf32, #tpu.memory_space<vmem>>, vector<1x16xf32>,
        %swap3A_209 = vector.shape_cast %swap3A_208 : vector<1x16xf32> to vector<16xf32>
        %swap3A_210 = vector.shape_cast %mul3A_206 : vector<16xf32> to vector<1x16xf32>
        tpu.vector_store %arg9[%swap3A, %swap3A_207], %swap3A_210 {strides = array<i32>} : memref<128x128xf32, #tpu.memory_space<vmem>>, vector<1x16xf32>,
        %get3A_211 = arith.index_cast %scan3A_199 : i32 to index
        %get3A_212 = arith.constant 16 : index
        %get3A_213 = tpu.vector_load %arg9[%get3A_211, %get3A_212] {strides = array<i32>} : memref<128x128xf32, #tpu.memory_space<vmem>>, vector<1x16xf32>,
        %get3A_214 = vector.shape_cast %get3A_213 : vector<1x16xf32> to vector<16xf32>
        %mul3A_215 = arith.constant 0.0883883461 : f32
        %mul3A_216 = vector.broadcast %mul3A_215 : f32 to vector<16xf32>
        %mul3A_217 = arith.mulf %get3A_214, %mul3A_216 : vector<16xf32>
        %swap3A_218 = arith.index_cast %scan3A_199 : i32 to index
        %swap3A_219 = arith.constant 16 : index
        %swap3A_220 = tpu.vector_load %arg9[%swap3A_218, %swap3A_219] {strides = array<i32>} : memref<128x128xf32, #tpu.memory_space<vmem>>, vector<1x16xf32>,
        %swap3A_221 = vector.shape_cast %swap3A_220 : vector<1x16xf32> to vector<16xf32>
        %swap3A_222 = vector.shape_cast %mul3A_217 : vector<16xf32> to vector<1x16xf32>
        tpu.vector_store %arg9[%swap3A_218, %swap3A_219], %swap3A_222 {strides = array<i32>} : memref<128x128xf32, #tpu.memory_space<vmem>>, vector<1x16xf32>,
        %get3A_223 = arith.index_cast %scan3A_199 : i32 to index
        %get3A_224 = arith.constant 32 : index
        %get3A_225 = tpu.vector_load %arg9[%get3A_223, %get3A_224] {strides = array<i32>} : memref<128x128xf32, #tpu.memory_space<vmem>>, vector<1x16xf32>,
        %get3A_226 = vector.shape_cast %get3A_225 : vector<1x16xf32> to vector<16xf32>
        %mul3A_227 = arith.constant 0.0883883461 : f32
        %mul3A_228 = vector.broadcast %mul3A_227 : f32 to vector<16xf32>
        %mul3A_229 = arith.mulf %get3A_226, %mul3A_228 : vector<16xf32>
        %swap3A_230 = arith.index_cast %scan3A_199 : i32 to index
        %swap3A_231 = arith.constant 32 : index
        %swap3A_232 = tpu.vector_load %arg9[%swap3A_230, %swap3A_231] {strides = array<i32>} : memref<128x128xf32, #tpu.memory_space<vmem>>, vector<1x16xf32>,
        %swap3A_233 = vector.shape_cast %swap3A_232 : vector<1x16xf32> to vector<16xf32>
        %swap3A_234 = vector.shape_cast %mul3A_229 : vector<16xf32> to vector<1x16xf32>
        tpu.vector_store %arg9[%swap3A_230, %swap3A_231], %swap3A_234 {strides = array<i32>} : memref<128x128xf32, #tpu.memory_space<vmem>>, vector<1x16xf32>,
        %get3A_235 = arith.index_cast %scan3A_199 : i32 to index
        %get3A_236 = arith.constant 48 : index
        %get3A_237 = tpu.vector_load %arg9[%get3A_235, %get3A_236] {strides = array<i32>} : memref<128x128xf32, #tpu.memory_space<vmem>>, vector<1x16xf32>,
        %get3A_238 = vector.shape_cast %get3A_237 : vector<1x16xf32> to vector<16xf32>
        %mul3A_239 = arith.constant 0.0883883461 : f32
        %mul3A_240 = vector.broadcast %mul3A_239 : f32 to vector<16xf32>
        %mul3A_241 = arith.mulf %get3A_238, %mul3A_240 : vector<16xf32>
        %swap3A_242 = arith.index_cast %scan3A_199 : i32 to index
        %swap3A_243 = arith.constant 48 : index
        %swap3A_244 = tpu.vector_load %arg9[%swap3A_242, %swap3A_243] {strides = array<i32>} : memref<128x128xf32, #tpu.memory_space<vmem>>, vector<1x16xf32>,
        %swap3A_245 = vector.shape_cast %swap3A_244 : vector<1x16xf32> to vector<16xf32>
        %swap3A_246 = vector.shape_cast %mul3A_241 : vector<16xf32> to vector<1x16xf32>
        tpu.vector_store %arg9[%swap3A_242, %swap3A_243], %swap3A_246 {strides = array<i32>} : memref<128x128xf32, #tpu.memory_space<vmem>>, vector<1x16xf32>,
        %get3A_247 = arith.index_cast %scan3A_199 : i32 to index
        %get3A_248 = arith.constant 64 : index
        %get3A_249 = tpu.vector_load %arg9[%get3A_247, %get3A_248] {strides = array<i32>} : memref<128x128xf32, #tpu.memory_space<vmem>>, vector<1x16xf32>,
        %get3A_250 = vector.shape_cast %get3A_249 : vector<1x16xf32> to vector<16xf32>
        %mul3A_251 = arith.constant 0.0883883461 : f32
        %mul3A_252 = vector.broadcast %mul3A_251 : f32 to vector<16xf32>
        %mul3A_253 = arith.mulf %get3A_250, %mul3A_252 : vector<16xf32>
        %swap3A_254 = arith.index_cast %scan3A_199 : i32 to index
        %swap3A_255 = arith.constant 64 : index
        %swap3A_256 = tpu.vector_load %arg9[%swap3A_254, %swap3A_255] {strides = array<i32>} : memref<128x128xf32, #tpu.memory_space<vmem>>, vector<1x16xf32>,
        %swap3A_257 = vector.shape_cast %swap3A_256 : vector<1x16xf32> to vector<16xf32>
        %swap3A_258 = vector.shape_cast %mul3A_253 : vector<16xf32> to vector<1x16xf32>
        tpu.vector_store %arg9[%swap3A_254, %swap3A_255], %swap3A_258 {strides = array<i32>} : memref<128x128xf32, #tpu.memory_space<vmem>>, vector<1x16xf32>,
        %get3A_259 = arith.index_cast %scan3A_199 : i32 to index
        %get3A_260 = arith.constant 80 : index
        %get3A_261 = tpu.vector_load %arg9[%get3A_259, %get3A_260] {strides = array<i32>} : memref<128x128xf32, #tpu.memory_space<vmem>>, vector<1x16xf32>,
        %get3A_262 = vector.shape_cast %get3A_261 : vector<1x16xf32> to vector<16xf32>
        %mul3A_263 = arith.constant 0.0883883461 : f32
        %mul3A_264 = vector.broadcast %mul3A_263 : f32 to vector<16xf32>
        %mul3A_265 = arith.mulf %get3A_262, %mul3A_264 : vector<16xf32>
        %swap3A_266 = arith.index_cast %scan3A_199 : i32 to index
        %swap3A_267 = arith.constant 80 : index
        %swap3A_268 = tpu.vector_load %arg9[%swap3A_266, %swap3A_267] {strides = array<i32>} : memref<128x128xf32, #tpu.memory_space<vmem>>, vector<1x16xf32>,
        %swap3A_269 = vector.shape_cast %swap3A_268 : vector<1x16xf32> to vector<16xf32>
        %swap3A_270 = vector.shape_cast %mul3A_265 : vector<16xf32> to vector<1x16xf32>
        tpu.vector_store %arg9[%swap3A_266, %swap3A_267], %swap3A_270 {strides = array<i32>} : memref<128x128xf32, #tpu.memory_space<vmem>>, vector<1x16xf32>,
        %get3A_271 = arith.index_cast %scan3A_199 : i32 to index
        %get3A_272 = arith.constant 96 : index
        %get3A_273 = tpu.vector_load %arg9[%get3A_271, %get3A_272] {strides = array<i32>} : memref<128x128xf32, #tpu.memory_space<vmem>>, vector<1x16xf32>,
        %get3A_274 = vector.shape_cast %get3A_273 : vector<1x16xf32> to vector<16xf32>
        %mul3A_275 = arith.constant 0.0883883461 : f32
        %mul3A_276 = vector.broadcast %mul3A_275 : f32 to vector<16xf32>
        %mul3A_277 = arith.mulf %get3A_274, %mul3A_276 : vector<16xf32>
        %swap3A_278 = arith.index_cast %scan3A_199 : i32 to index
        %swap3A_279 = arith.constant 96 : index
        %swap3A_280 = tpu.vector_load %arg9[%swap3A_278, %swap3A_279] {strides = array<i32>} : memref<128x128xf32, #tpu.memory_space<vmem>>, vector<1x16xf32>,
        %swap3A_281 = vector.shape_cast %swap3A_280 : vector<1x16xf32> to vector<16xf32>
        %swap3A_282 = vector.shape_cast %mul3A_277 : vector<16xf32> to vector<1x16xf32>
        tpu.vector_store %arg9[%swap3A_278, %swap3A_279], %swap3A_282 {strides = array<i32>} : memref<128x128xf32, #tpu.memory_space<vmem>>, vector<1x16xf32>,
        %get3A_283 = arith.index_cast %scan3A_199 : i32 to index
        %get3A_284 = arith.constant 112 : index
        %get3A_285 = tpu.vector_load %arg9[%get3A_283, %get3A_284] {strides = array<i32>} : memref<128x128xf32, #tpu.memory_space<vmem>>, vector<1x16xf32>,
        %get3A_286 = vector.shape_cast %get3A_285 : vector<1x16xf32> to vector<16xf32>
        %mul3A_287 = arith.constant 0.0883883461 : f32
        %mul3A_288 = vector.broadcast %mul3A_287 : f32 to vector<16xf32>
        %mul3A_289 = arith.mulf %get3A_286, %mul3A_288 : vector<16xf32>
        %swap3A_290 = arith.index_cast %scan3A_199 : i32 to index
        %swap3A_291 = arith.constant 112 : index
        %swap3A_292 = tpu.vector_load %arg9[%swap3A_290, %swap3A_291] {strides = array<i32>} : memref<128x128xf32, #tpu.memory_space<vmem>>, vector<1x16xf32>,
        %swap3A_293 = vector.shape_cast %swap3A_292 : vector<1x16xf32> to vector<16xf32>
        %swap3A_294 = vector.shape_cast %mul3A_289 : vector<16xf32> to vector<1x16xf32>
        tpu.vector_store %arg9[%swap3A_290, %swap3A_291], %swap3A_294 {strides = array<i32>} : memref<128x128xf32, #tpu.memory_space<vmem>>, vector<1x16xf32>,
        %scan3A_295 = arith.constant 0 : i32
        %scan3A_296 = arith.constant 1 : i32
        %scan3A_297 = arith.addi %scan3A_199, %scan3A_296 : i32
        %get3A_298 = arith.index_cast %scan3A_297 : i32 to index
        %get3A_299 = arith.constant 0 : index
        %get3A_300 = tpu.vector_load %arg9[%get3A_298, %get3A_299] {strides = array<i32>} : memref<128x128xf32, #tpu.memory_space<vmem>>, vector<1x16xf32>,
        %get3A_301 = vector.shape_cast %get3A_300 : vector<1x16xf32> to vector<16xf32>
        %mul3A_302 = arith.constant 0.0883883461 : f32
        %mul3A_303 = vector.broadcast %mul3A_302 : f32 to vector<16xf32>
        %mul3A_304 = arith.mulf %get3A_301, %mul3A_303 : vector<16xf32>
        %swap3A_305 = arith.index_cast %scan3A_297 : i32 to index
        %swap3A_306 = arith.constant 0 : index
        %swap3A_307 = tpu.vector_load %arg9[%swap3A_305, %swap3A_306] {strides = array<i32>} : memref<128x128xf32, #tpu.memory_space<vmem>>, vector<1x16xf32>,
        %swap3A_308 = vector.shape_cast %swap3A_307 : vector<1x16xf32> to vector<16xf32>
        %swap3A_309 = vector.shape_cast %mul3A_304 : vector<16xf32> to vector<1x16xf32>
        tpu.vector_store %arg9[%swap3A_305, %swap3A_306], %swap3A_309 {strides = array<i32>} : memref<128x128xf32, #tpu.memory_space<vmem>>, vector<1x16xf32>,
        %get3A_310 = arith.index_cast %scan3A_297 : i32 to index
        %get3A_311 = arith.constant 16 : index
        %get3A_312 = tpu.vector_load %arg9[%get3A_310, %get3A_311] {strides = array<i32>} : memref<128x128xf32, #tpu.memory_space<vmem>>, vector<1x16xf32>,
        %get3A_313 = vector.shape_cast %get3A_312 : vector<1x16xf32> to vector<16xf32>
        %mul3A_314 = arith.constant 0.0883883461 : f32
        %mul3A_315 = vector.broadcast %mul3A_314 : f32 to vector<16xf32>
        %mul3A_316 = arith.mulf %get3A_313, %mul3A_315 : vector<16xf32>
        %swap3A_317 = arith.index_cast %scan3A_297 : i32 to index
        %swap3A_318 = arith.constant 16 : index
        %swap3A_319 = tpu.vector_load %arg9[%swap3A_317, %swap3A_318] {strides = array<i32>} : memref<128x128xf32, #tpu.memory_space<vmem>>, vector<1x16xf32>,
        %swap3A_320 = vector.shape_cast %swap3A_319 : vector<1x16xf32> to vector<16xf32>
        %swap3A_321 = vector.shape_cast %mul3A_316 : vector<16xf32> to vector<1x16xf32>
        tpu.vector_store %arg9[%swap3A_317, %swap3A_318], %swap3A_321 {strides = array<i32>} : memref<128x128xf32, #tpu.memory_space<vmem>>, vector<1x16xf32>,
        %get3A_322 = arith.index_cast %scan3A_297 : i32 to index
        %get3A_323 = arith.constant 32 : index
        %get3A_324 = tpu.vector_load %arg9[%get3A_322, %get3A_323] {strides = array<i32>} : memref<128x128xf32, #tpu.memory_space<vmem>>, vector<1x16xf32>,
        %get3A_325 = vector.shape_cast %get3A_324 : vector<1x16xf32> to vector<16xf32>
        %mul3A_326 = arith.constant 0.0883883461 : f32
        %mul3A_327 = vector.broadcast %mul3A_326 : f32 to vector<16xf32>
        %mul3A_328 = arith.mulf %get3A_325, %mul3A_327 : vector<16xf32>
        %swap3A_329 = arith.index_cast %scan3A_297 : i32 to index
        %swap3A_330 = arith.constant 32 : index
        %swap3A_331 = tpu.vector_load %arg9[%swap3A_329, %swap3A_330] {strides = array<i32>} : memref<128x128xf32, #tpu.memory_space<vmem>>, vector<1x16xf32>,
        %swap3A_332 = vector.shape_cast %swap3A_331 : vector<1x16xf32> to vector<16xf32>
        %swap3A_333 = vector.shape_cast %mul3A_328 : vector<16xf32> to vector<1x16xf32>
        tpu.vector_store %arg9[%swap3A_329, %swap3A_330], %swap3A_333 {strides = array<i32>} : memref<128x128xf32, #tpu.memory_space<vmem>>, vector<1x16xf32>,
        %get3A_334 = arith.index_cast %scan3A_297 : i32 to index
        %get3A_335 = arith.constant 48 : index
        %get3A_336 = tpu.vector_load %arg9[%get3A_334, %get3A_335] {strides = array<i32>} : memref<128x128xf32, #tpu.memory_space<vmem>>, vector<1x16xf32>,
        %get3A_337 = vector.shape_cast %get3A_336 : vector<1x16xf32> to vector<16xf32>
        %mul3A_338 = arith.constant 0.0883883461 : f32
        %mul3A_339 = vector.broadcast %mul3A_338 : f32 to vector<16xf32>
        %mul3A_340 = arith.mulf %get3A_337, %mul3A_339 : vector<16xf32>
        %swap3A_341 = arith.index_cast %scan3A_297 : i32 to index
        %swap3A_342 = arith.constant 48 : index
        %swap3A_343 = tpu.vector_load %arg9[%swap3A_341, %swap3A_342] {strides = array<i32>} : memref<128x128xf32, #tpu.memory_space<vmem>>, vector<1x16xf32>,
        %swap3A_344 = vector.shape_cast %swap3A_343 : vector<1x16xf32> to vector<16xf32>
        %swap3A_345 = vector.shape_cast %mul3A_340 : vector<16xf32> to vector<1x16xf32>
        tpu.vector_store %arg9[%swap3A_341, %swap3A_342], %swap3A_345 {strides = array<i32>} : memref<128x128xf32, #tpu.memory_space<vmem>>, vector<1x16xf32>,
        %get3A_346 = arith.index_cast %scan3A_297 : i32 to index
        %get3A_347 = arith.constant 64 : index
        %get3A_348 = tpu.vector_load %arg9[%get3A_346, %get3A_347] {strides = array<i32>} : memref<128x128xf32, #tpu.memory_space<vmem>>, vector<1x16xf32>,
        %get3A_349 = vector.shape_cast %get3A_348 : vector<1x16xf32> to vector<16xf32>
        %mul3A_350 = arith.constant 0.0883883461 : f32
        %mul3A_351 = vector.broadcast %mul3A_350 : f32 to vector<16xf32>
        %mul3A_352 = arith.mulf %get3A_349, %mul3A_351 : vector<16xf32>
        %swap3A_353 = arith.index_cast %scan3A_297 : i32 to index
        %swap3A_354 = arith.constant 64 : index
        %swap3A_355 = tpu.vector_load %arg9[%swap3A_353, %swap3A_354] {strides = array<i32>} : memref<128x128xf32, #tpu.memory_space<vmem>>, vector<1x16xf32>,
        %swap3A_356 = vector.shape_cast %swap3A_355 : vector<1x16xf32> to vector<16xf32>
        %swap3A_357 = vector.shape_cast %mul3A_352 : vector<16xf32> to vector<1x16xf32>
        tpu.vector_store %arg9[%swap3A_353, %swap3A_354], %swap3A_357 {strides = array<i32>} : memref<128x128xf32, #tpu.memory_space<vmem>>, vector<1x16xf32>,
        %get3A_358 = arith.index_cast %scan3A_297 : i32 to index
        %get3A_359 = arith.constant 80 : index
        %get3A_360 = tpu.vector_load %arg9[%get3A_358, %get3A_359] {strides = array<i32>} : memref<128x128xf32, #tpu.memory_space<vmem>>, vector<1x16xf32>,
        %get3A_361 = vector.shape_cast %get3A_360 : vector<1x16xf32> to vector<16xf32>
        %mul3A_362 = arith.constant 0.0883883461 : f32
        %mul3A_363 = vector.broadcast %mul3A_362 : f32 to vector<16xf32>
        %mul3A_364 = arith.mulf %get3A_361, %mul3A_363 : vector<16xf32>
        %swap3A_365 = arith.index_cast %scan3A_297 : i32 to index
        %swap3A_366 = arith.constant 80 : index
        %swap3A_367 = tpu.vector_load %arg9[%swap3A_365, %swap3A_366] {strides = array<i32>} : memref<128x128xf32, #tpu.memory_space<vmem>>, vector<1x16xf32>,
        %swap3A_368 = vector.shape_cast %swap3A_367 : vector<1x16xf32> to vector<16xf32>
        %swap3A_369 = vector.shape_cast %mul3A_364 : vector<16xf32> to vector<1x16xf32>
        tpu.vector_store %arg9[%swap3A_365, %swap3A_366], %swap3A_369 {strides = array<i32>} : memref<128x128xf32, #tpu.memory_space<vmem>>, vector<1x16xf32>,
        %get3A_370 = arith.index_cast %scan3A_297 : i32 to index
        %get3A_371 = arith.constant 96 : index
        %get3A_372 = tpu.vector_load %arg9[%get3A_370, %get3A_371] {strides = array<i32>} : memref<128x128xf32, #tpu.memory_space<vmem>>, vector<1x16xf32>,
        %get3A_373 = vector.shape_cast %get3A_372 : vector<1x16xf32> to vector<16xf32>
        %mul3A_374 = arith.constant 0.0883883461 : f32
        %mul3A_375 = vector.broadcast %mul3A_374 : f32 to vector<16xf32>
        %mul3A_376 = arith.mulf %get3A_373, %mul3A_375 : vector<16xf32>
        %swap3A_377 = arith.index_cast %scan3A_297 : i32 to index
        %swap3A_378 = arith.constant 96 : index
        %swap3A_379 = tpu.vector_load %arg9[%swap3A_377, %swap3A_378] {strides = array<i32>} : memref<128x128xf32, #tpu.memory_space<vmem>>, vector<1x16xf32>,
        %swap3A_380 = vector.shape_cast %swap3A_379 : vector<1x16xf32> to vector<16xf32>
        %swap3A_381 = vector.shape_cast %mul3A_376 : vector<16xf32> to vector<1x16xf32>
        tpu.vector_store %arg9[%swap3A_377, %swap3A_378], %swap3A_381 {strides = array<i32>} : memref<128x128xf32, #tpu.memory_space<vmem>>, vector<1x16xf32>,
        %get3A_382 = arith.index_cast %scan3A_297 : i32 to index
        %get3A_383 = arith.constant 112 : index
        %get3A_384 = tpu.vector_load %arg9[%get3A_382, %get3A_383] {strides = array<i32>} : memref<128x128xf32, #tpu.memory_space<vmem>>, vector<1x16xf32>,
        %get3A_385 = vector.shape_cast %get3A_384 : vector<1x16xf32> to vector<16xf32>
        %mul3A_386 = arith.constant 0.0883883461 : f32
        %mul3A_387 = vector.broadcast %mul3A_386 : f32 to vector<16xf32>
        %mul3A_388 = arith.mulf %get3A_385, %mul3A_387 : vector<16xf32>
        %swap3A_389 = arith.index_cast %scan3A_297 : i32 to index
        %swap3A_390 = arith.constant 112 : index
        %swap3A_391 = tpu.vector_load %arg9[%swap3A_389, %swap3A_390] {strides = array<i32>} : memref<128x128xf32, #tpu.memory_space<vmem>>, vector<1x16xf32>,
        %swap3A_392 = vector.shape_cast %swap3A_391 : vector<1x16xf32> to vector<16xf32>
        %swap3A_393 = vector.shape_cast %mul3A_388 : vector<16xf32> to vector<1x16xf32>
        tpu.vector_store %arg9[%swap3A_389, %swap3A_390], %swap3A_393 {strides = array<i32>} : memref<128x128xf32, #tpu.memory_space<vmem>>, vector<1x16xf32>,
        %scan3A_394 = arith.constant 0 : i32
        %scan3A_395 = arith.constant 2 : i32
        %scan3A_396 = arith.addi %scan3A_199, %scan3A_395 : i32
        %get3A_397 = arith.index_cast %scan3A_396 : i32 to index
        %get3A_398 = arith.constant 0 : index
        %get3A_399 = tpu.vector_load %arg9[%get3A_397, %get3A_398] {strides = array<i32>} : memref<128x128xf32, #tpu.memory_space<vmem>>, vector<1x16xf32>,
        %get3A_400 = vector.shape_cast %get3A_399 : vector<1x16xf32> to vector<16xf32>
        %mul3A_401 = arith.constant 0.0883883461 : f32
        %mul3A_402 = vector.broadcast %mul3A_401 : f32 to vector<16xf32>
        %mul3A_403 = arith.mulf %get3A_400, %mul3A_402 : vector<16xf32>
        %swap3A_404 = arith.index_cast %scan3A_396 : i32 to index
        %swap3A_405 = arith.constant 0 : index
        %swap3A_406 = tpu.vector_load %arg9[%swap3A_404, %swap3A_405] {strides = array<i32>} : memref<128x128xf32, #tpu.memory_space<vmem>>, vector<1x16xf32>,
        %swap3A_407 = vector.shape_cast %swap3A_406 : vector<1x16xf32> to vector<16xf32>
        %swap3A_408 = vector.shape_cast %mul3A_403 : vector<16xf32> to vector<1x16xf32>
        tpu.vector_store %arg9[%swap3A_404, %swap3A_405], %swap3A_408 {strides = array<i32>} : memref<128x128xf32, #tpu.memory_space<vmem>>, vector<1x16xf32>,
        %get3A_409 = arith.index_cast %scan3A_396 : i32 to index
        %get3A_410 = arith.constant 16 : index
        %get3A_411 = tpu.vector_load %arg9[%get3A_409, %get3A_410] {strides = array<i32>} : memref<128x128xf32, #tpu.memory_space<vmem>>, vector<1x16xf32>,
        %get3A_412 = vector.shape_cast %get3A_411 : vector<1x16xf32> to vector<16xf32>
        %mul3A_413 = arith.constant 0.0883883461 : f32
        %mul3A_414 = vector.broadcast %mul3A_413 : f32 to vector<16xf32>
        %mul3A_415 = arith.mulf %get3A_412, %mul3A_414 : vector<16xf32>
        %swap3A_416 = arith.index_cast %scan3A_396 : i32 to index
        %swap3A_417 = arith.constant 16 : index
        %swap3A_418 = tpu.vector_load %arg9[%swap3A_416, %swap3A_417] {strides = array<i32>} : memref<128x128xf32, #tpu.memory_space<vmem>>, vector<1x16xf32>,
        %swap3A_419 = vector.shape_cast %swap3A_418 : vector<1x16xf32> to vector<16xf32>
        %swap3A_420 = vector.shape_cast %mul3A_415 : vector<16xf32> to vector<1x16xf32>
        tpu.vector_store %arg9[%swap3A_416, %swap3A_417], %swap3A_420 {strides = array<i32>} : memref<128x128xf32, #tpu.memory_space<vmem>>, vector<1x16xf32>,
        %get3A_421 = arith.index_cast %scan3A_396 : i32 to index
        %get3A_422 = arith.constant 32 : index
        %get3A_423 = tpu.vector_load %arg9[%get3A_421, %get3A_422] {strides = array<i32>} : memref<128x128xf32, #tpu.memory_space<vmem>>, vector<1x16xf32>,
        %get3A_424 = vector.shape_cast %get3A_423 : vector<1x16xf32> to vector<16xf32>
        %mul3A_425 = arith.constant 0.0883883461 : f32
        %mul3A_426 = vector.broadcast %mul3A_425 : f32 to vector<16xf32>
        %mul3A_427 = arith.mulf %get3A_424, %mul3A_426 : vector<16xf32>
        %swap3A_428 = arith.index_cast %scan3A_396 : i32 to index
        %swap3A_429 = arith.constant 32 : index
        %swap3A_430 = tpu.vector_load %arg9[%swap3A_428, %swap3A_429] {strides = array<i32>} : memref<128x128xf32, #tpu.memory_space<vmem>>, vector<1x16xf32>,
        %swap3A_431 = vector.shape_cast %swap3A_430 : vector<1x16xf32> to vector<16xf32>
        %swap3A_432 = vector.shape_cast %mul3A_427 : vector<16xf32> to vector<1x16xf32>
        tpu.vector_store %arg9[%swap3A_428, %swap3A_429], %swap3A_432 {strides = array<i32>} : memref<128x128xf32, #tpu.memory_space<vmem>>, vector<1x16xf32>,
        %get3A_433 = arith.index_cast %scan3A_396 : i32 to index
        %get3A_434 = arith.constant 48 : index
        %get3A_435 = tpu.vector_load %arg9[%get3A_433, %get3A_434] {strides = array<i32>} : memref<128x128xf32, #tpu.memory_space<vmem>>, vector<1x16xf32>,
        %get3A_436 = vector.shape_cast %get3A_435 : vector<1x16xf32> to vector<16xf32>
        %mul3A_437 = arith.constant 0.0883883461 : f32
        %mul3A_438 = vector.broadcast %mul3A_437 : f32 to vector<16xf32>
        %mul3A_439 = arith.mulf %get3A_436, %mul3A_438 : vector<16xf32>
        %swap3A_440 = arith.index_cast %scan3A_396 : i32 to index
        %swap3A_441 = arith.constant 48 : index
        %swap3A_442 = tpu.vector_load %arg9[%swap3A_440, %swap3A_441] {strides = array<i32>} : memref<128x128xf32, #tpu.memory_space<vmem>>, vector<1x16xf32>,
        %swap3A_443 = vector.shape_cast %swap3A_442 : vector<1x16xf32> to vector<16xf32>
        %swap3A_444 = vector.shape_cast %mul3A_439 : vector<16xf32> to vector<1x16xf32>
        tpu.vector_store %arg9[%swap3A_440, %swap3A_441], %swap3A_444 {strides = array<i32>} : memref<128x128xf32, #tpu.memory_space<vmem>>, vector<1x16xf32>,
        %get3A_445 = arith.index_cast %scan3A_396 : i32 to index
        %get3A_446 = arith.constant 64 : index
        %get3A_447 = tpu.vector_load %arg9[%get3A_445, %get3A_446] {strides = array<i32>} : memref<128x128xf32, #tpu.memory_space<vmem>>, vector<1x16xf32>,
        %get3A_448 = vector.shape_cast %get3A_447 : vector<1x16xf32> to vector<16xf32>
        %mul3A_449 = arith.constant 0.0883883461 : f32
        %mul3A_450 = vector.broadcast %mul3A_449 : f32 to vector<16xf32>
        %mul3A_451 = arith.mulf %get3A_448, %mul3A_450 : vector<16xf32>
        %swap3A_452 = arith.index_cast %scan3A_396 : i32 to index
        %swap3A_453 = arith.constant 64 : index
        %swap3A_454 = tpu.vector_load %arg9[%swap3A_452, %swap3A_453] {strides = array<i32>} : memref<128x128xf32, #tpu.memory_space<vmem>>, vector<1x16xf32>,
        %swap3A_455 = vector.shape_cast %swap3A_454 : vector<1x16xf32> to vector<16xf32>
        %swap3A_456 = vector.shape_cast %mul3A_451 : vector<16xf32> to vector<1x16xf32>
        tpu.vector_store %arg9[%swap3A_452, %swap3A_453], %swap3A_456 {strides = array<i32>} : memref<128x128xf32, #tpu.memory_space<vmem>>, vector<1x16xf32>,
        %get3A_457 = arith.index_cast %scan3A_396 : i32 to index
        %get3A_458 = arith.constant 80 : index
        %get3A_459 = tpu.vector_load %arg9[%get3A_457, %get3A_458] {strides = array<i32>} : memref<128x128xf32, #tpu.memory_space<vmem>>, vector<1x16xf32>,
        %get3A_460 = vector.shape_cast %get3A_459 : vector<1x16xf32> to vector<16xf32>
        %mul3A_461 = arith.constant 0.0883883461 : f32
        %mul3A_462 = vector.broadcast %mul3A_461 : f32 to vector<16xf32>
        %mul3A_463 = arith.mulf %get3A_460, %mul3A_462 : vector<16xf32>
        %swap3A_464 = arith.index_cast %scan3A_396 : i32 to index
        %swap3A_465 = arith.constant 80 : index
        %swap3A_466 = tpu.vector_load %arg9[%swap3A_464, %swap3A_465] {strides = array<i32>} : memref<128x128xf32, #tpu.memory_space<vmem>>, vector<1x16xf32>,
        %swap3A_467 = vector.shape_cast %swap3A_466 : vector<1x16xf32> to vector<16xf32>
        %swap3A_468 = vector.shape_cast %mul3A_463 : vector<16xf32> to vector<1x16xf32>
        tpu.vector_store %arg9[%swap3A_464, %swap3A_465], %swap3A_468 {strides = array<i32>} : memref<128x128xf32, #tpu.memory_space<vmem>>, vector<1x16xf32>,
        %get3A_469 = arith.index_cast %scan3A_396 : i32 to index
        %get3A_470 = arith.constant 96 : index
        %get3A_471 = tpu.vector_load %arg9[%get3A_469, %get3A_470] {strides = array<i32>} : memref<128x128xf32, #tpu.memory_space<vmem>>, vector<1x16xf32>,
        %get3A_472 = vector.shape_cast %get3A_471 : vector<1x16xf32> to vector<16xf32>
        %mul3A_473 = arith.constant 0.0883883461 : f32
        %mul3A_474 = vector.broadcast %mul3A_473 : f32 to vector<16xf32>
        %mul3A_475 = arith.mulf %get3A_472, %mul3A_474 : vector<16xf32>
        %swap3A_476 = arith.index_cast %scan3A_396 : i32 to index
        %swap3A_477 = arith.constant 96 : index
        %swap3A_478 = tpu.vector_load %arg9[%swap3A_476, %swap3A_477] {strides = array<i32>} : memref<128x128xf32, #tpu.memory_space<vmem>>, vector<1x16xf32>,
        %swap3A_479 = vector.shape_cast %swap3A_478 : vector<1x16xf32> to vector<16xf32>
        %swap3A_480 = vector.shape_cast %mul3A_475 : vector<16xf32> to vector<1x16xf32>
        tpu.vector_store %arg9[%swap3A_476, %swap3A_477], %swap3A_480 {strides = array<i32>} : memref<128x128xf32, #tpu.memory_space<vmem>>, vector<1x16xf32>,
        %get3A_481 = arith.index_cast %scan3A_396 : i32 to index
        %get3A_482 = arith.constant 112 : index
        %get3A_483 = tpu.vector_load %arg9[%get3A_481, %get3A_482] {strides = array<i32>} : memref<128x128xf32, #tpu.memory_space<vmem>>, vector<1x16xf32>,
        %get3A_484 = vector.shape_cast %get3A_483 : vector<1x16xf32> to vector<16xf32>
        %mul3A_485 = arith.constant 0.0883883461 : f32
        %mul3A_486 = vector.broadcast %mul3A_485 : f32 to vector<16xf32>
        %mul3A_487 = arith.mulf %get3A_484, %mul3A_486 : vector<16xf32>
        %swap3A_488 = arith.index_cast %scan3A_396 : i32 to index
        %swap3A_489 = arith.constant 112 : index
        %swap3A_490 = tpu.vector_load %arg9[%swap3A_488, %swap3A_489] {strides = array<i32>} : memref<128x128xf32, #tpu.memory_space<vmem>>, vector<1x16xf32>,
        %swap3A_491 = vector.shape_cast %swap3A_490 : vector<1x16xf32> to vector<16xf32>
        %swap3A_492 = vector.shape_cast %mul3A_487 : vector<16xf32> to vector<1x16xf32>
        tpu.vector_store %arg9[%swap3A_488, %swap3A_489], %swap3A_492 {strides = array<i32>} : memref<128x128xf32, #tpu.memory_space<vmem>>, vector<1x16xf32>,
        %scan3A_493 = arith.constant 0 : i32
        %scan3A_494 = arith.constant 3 : i32
        %scan3A_495 = arith.addi %scan3A_199, %scan3A_494 : i32
        %get3A_496 = arith.index_cast %scan3A_495 : i32 to index
        %get3A_497 = arith.constant 0 : index
        %get3A_498 = tpu.vector_load %arg9[%get3A_496, %get3A_497] {strides = array<i32>} : memref<128x128xf32, #tpu.memory_space<vmem>>, vector<1x16xf32>,
        %get3A_499 = vector.shape_cast %get3A_498 : vector<1x16xf32> to vector<16xf32>
        %mul3A_500 = arith.constant 0.0883883461 : f32
        %mul3A_501 = vector.broadcast %mul3A_500 : f32 to vector<16xf32>
        %mul3A_502 = arith.mulf %get3A_499, %mul3A_501 : vector<16xf32>
        %swap3A_503 = arith.index_cast %scan3A_495 : i32 to index
        %swap3A_504 = arith.constant 0 : index
        %swap3A_505 = tpu.vector_load %arg9[%swap3A_503, %swap3A_504] {strides = array<i32>} : memref<128x128xf32, #tpu.memory_space<vmem>>, vector<1x16xf32>,
        %swap3A_506 = vector.shape_cast %swap3A_505 : vector<1x16xf32> to vector<16xf32>
        %swap3A_507 = vector.shape_cast %mul3A_502 : vector<16xf32> to vector<1x16xf32>
        tpu.vector_store %arg9[%swap3A_503, %swap3A_504], %swap3A_507 {strides = array<i32>} : memref<128x128xf32, #tpu.memory_space<vmem>>, vector<1x16xf32>,
        %get3A_508 = arith.index_cast %scan3A_495 : i32 to index
        %get3A_509 = arith.constant 16 : index
        %get3A_510 = tpu.vector_load %arg9[%get3A_508, %get3A_509] {strides = array<i32>} : memref<128x128xf32, #tpu.memory_space<vmem>>, vector<1x16xf32>,
        %get3A_511 = vector.shape_cast %get3A_510 : vector<1x16xf32> to vector<16xf32>
        %mul3A_512 = arith.constant 0.0883883461 : f32
        %mul3A_513 = vector.broadcast %mul3A_512 : f32 to vector<16xf32>
        %mul3A_514 = arith.mulf %get3A_511, %mul3A_513 : vector<16xf32>
        %swap3A_515 = arith.index_cast %scan3A_495 : i32 to index
        %swap3A_516 = arith.constant 16 : index
        %swap3A_517 = tpu.vector_load %arg9[%swap3A_515, %swap3A_516] {strides = array<i32>} : memref<128x128xf32, #tpu.memory_space<vmem>>, vector<1x16xf32>,
        %swap3A_518 = vector.shape_cast %swap3A_517 : vector<1x16xf32> to vector<16xf32>
        %swap3A_519 = vector.shape_cast %mul3A_514 : vector<16xf32> to vector<1x16xf32>
        tpu.vector_store %arg9[%swap3A_515, %swap3A_516], %swap3A_519 {strides = array<i32>} : memref<128x128xf32, #tpu.memory_space<vmem>>, vector<1x16xf32>,
        %get3A_520 = arith.index_cast %scan3A_495 : i32 to index
        %get3A_521 = arith.constant 32 : index
        %get3A_522 = tpu.vector_load %arg9[%get3A_520, %get3A_521] {strides = array<i32>} : memref<128x128xf32, #tpu.memory_space<vmem>>, vector<1x16xf32>,
        %get3A_523 = vector.shape_cast %get3A_522 : vector<1x16xf32> to vector<16xf32>
        %mul3A_524 = arith.constant 0.0883883461 : f32
        %mul3A_525 = vector.broadcast %mul3A_524 : f32 to vector<16xf32>
        %mul3A_526 = arith.mulf %get3A_523, %mul3A_525 : vector<16xf32>
        %swap3A_527 = arith.index_cast %scan3A_495 : i32 to index
        %swap3A_528 = arith.constant 32 : index
        %swap3A_529 = tpu.vector_load %arg9[%swap3A_527, %swap3A_528] {strides = array<i32>} : memref<128x128xf32, #tpu.memory_space<vmem>>, vector<1x16xf32>,
        %swap3A_530 = vector.shape_cast %swap3A_529 : vector<1x16xf32> to vector<16xf32>
        %swap3A_531 = vector.shape_cast %mul3A_526 : vector<16xf32> to vector<1x16xf32>
        tpu.vector_store %arg9[%swap3A_527, %swap3A_528], %swap3A_531 {strides = array<i32>} : memref<128x128xf32, #tpu.memory_space<vmem>>, vector<1x16xf32>,
        %get3A_532 = arith.index_cast %scan3A_495 : i32 to index
        %get3A_533 = arith.constant 48 : index
        %get3A_534 = tpu.vector_load %arg9[%get3A_532, %get3A_533] {strides = array<i32>} : memref<128x128xf32, #tpu.memory_space<vmem>>, vector<1x16xf32>,
        %get3A_535 = vector.shape_cast %get3A_534 : vector<1x16xf32> to vector<16xf32>
        %mul3A_536 = arith.constant 0.0883883461 : f32
        %mul3A_537 = vector.broadcast %mul3A_536 : f32 to vector<16xf32>
        %mul3A_538 = arith.mulf %get3A_535, %mul3A_537 : vector<16xf32>
        %swap3A_539 = arith.index_cast %scan3A_495 : i32 to index
        %swap3A_540 = arith.constant 48 : index
        %swap3A_541 = tpu.vector_load %arg9[%swap3A_539, %swap3A_540] {strides = array<i32>} : memref<128x128xf32, #tpu.memory_space<vmem>>, vector<1x16xf32>,
        %swap3A_542 = vector.shape_cast %swap3A_541 : vector<1x16xf32> to vector<16xf32>
        %swap3A_543 = vector.shape_cast %mul3A_538 : vector<16xf32> to vector<1x16xf32>
        tpu.vector_store %arg9[%swap3A_539, %swap3A_540], %swap3A_543 {strides = array<i32>} : memref<128x128xf32, #tpu.memory_space<vmem>>, vector<1x16xf32>,
        %get3A_544 = arith.index_cast %scan3A_495 : i32 to index
        %get3A_545 = arith.constant 64 : index
        %get3A_546 = tpu.vector_load %arg9[%get3A_544, %get3A_545] {strides = array<i32>} : memref<128x128xf32, #tpu.memory_space<vmem>>, vector<1x16xf32>,
        %get3A_547 = vector.shape_cast %get3A_546 : vector<1x16xf32> to vector<16xf32>
        %mul3A_548 = arith.constant 0.0883883461 : f32
        %mul3A_549 = vector.broadcast %mul3A_548 : f32 to vector<16xf32>
        %mul3A_550 = arith.mulf %get3A_547, %mul3A_549 : vector<16xf32>
        %swap3A_551 = arith.index_cast %scan3A_495 : i32 to index
        %swap3A_552 = arith.constant 64 : index
        %swap3A_553 = tpu.vector_load %arg9[%swap3A_551, %swap3A_552] {strides = array<i32>} : memref<128x128xf32, #tpu.memory_space<vmem>>, vector<1x16xf32>,
        %swap3A_554 = vector.shape_cast %swap3A_553 : vector<1x16xf32> to vector<16xf32>
        %swap3A_555 = vector.shape_cast %mul3A_550 : vector<16xf32> to vector<1x16xf32>
        tpu.vector_store %arg9[%swap3A_551, %swap3A_552], %swap3A_555 {strides = array<i32>} : memref<128x128xf32, #tpu.memory_space<vmem>>, vector<1x16xf32>,
        %get3A_556 = arith.index_cast %scan3A_495 : i32 to index
        %get3A_557 = arith.constant 80 : index
        %get3A_558 = tpu.vector_load %arg9[%get3A_556, %get3A_557] {strides = array<i32>} : memref<128x128xf32, #tpu.memory_space<vmem>>, vector<1x16xf32>,
        %get3A_559 = vector.shape_cast %get3A_558 : vector<1x16xf32> to vector<16xf32>
        %mul3A_560 = arith.constant 0.0883883461 : f32
        %mul3A_561 = vector.broadcast %mul3A_560 : f32 to vector<16xf32>
        %mul3A_562 = arith.mulf %get3A_559, %mul3A_561 : vector<16xf32>
        %swap3A_563 = arith.index_cast %scan3A_495 : i32 to index
        %swap3A_564 = arith.constant 80 : index
        %swap3A_565 = tpu.vector_load %arg9[%swap3A_563, %swap3A_564] {strides = array<i32>} : memref<128x128xf32, #tpu.memory_space<vmem>>, vector<1x16xf32>,
        %swap3A_566 = vector.shape_cast %swap3A_565 : vector<1x16xf32> to vector<16xf32>
        %swap3A_567 = vector.shape_cast %mul3A_562 : vector<16xf32> to vector<1x16xf32>
        tpu.vector_store %arg9[%swap3A_563, %swap3A_564], %swap3A_567 {strides = array<i32>} : memref<128x128xf32, #tpu.memory_space<vmem>>, vector<1x16xf32>,
        %get3A_568 = arith.index_cast %scan3A_495 : i32 to index
        %get3A_569 = arith.constant 96 : index
        %get3A_570 = tpu.vector_load %arg9[%get3A_568, %get3A_569] {strides = array<i32>} : memref<128x128xf32, #tpu.memory_space<vmem>>, vector<1x16xf32>,
        %get3A_571 = vector.shape_cast %get3A_570 : vector<1x16xf32> to vector<16xf32>
        %mul3A_572 = arith.constant 0.0883883461 : f32
        %mul3A_573 = vector.broadcast %mul3A_572 : f32 to vector<16xf32>
        %mul3A_574 = arith.mulf %get3A_571, %mul3A_573 : vector<16xf32>
        %swap3A_575 = arith.index_cast %scan3A_495 : i32 to index
        %swap3A_576 = arith.constant 96 : index
        %swap3A_577 = tpu.vector_load %arg9[%swap3A_575, %swap3A_576] {strides = array<i32>} : memref<128x128xf32, #tpu.memory_space<vmem>>, vector<1x16xf32>,
        %swap3A_578 = vector.shape_cast %swap3A_577 : vector<1x16xf32> to vector<16xf32>
        %swap3A_579 = vector.shape_cast %mul3A_574 : vector<16xf32> to vector<1x16xf32>
        tpu.vector_store %arg9[%swap3A_575, %swap3A_576], %swap3A_579 {strides = array<i32>} : memref<128x128xf32, #tpu.memory_space<vmem>>, vector<1x16xf32>,
        %get3A_580 = arith.index_cast %scan3A_495 : i32 to index
        %get3A_581 = arith.constant 112 : index
        %get3A_582 = tpu.vector_load %arg9[%get3A_580, %get3A_581] {strides = array<i32>} : memref<128x128xf32, #tpu.memory_space<vmem>>, vector<1x16xf32>,
        %get3A_583 = vector.shape_cast %get3A_582 : vector<1x16xf32> to vector<16xf32>
        %mul3A_584 = arith.constant 0.0883883461 : f32
        %mul3A_585 = vector.broadcast %mul3A_584 : f32 to vector<16xf32>
        %mul3A_586 = arith.mulf %get3A_583, %mul3A_585 : vector<16xf32>
        %swap3A_587 = arith.index_cast %scan3A_495 : i32 to index
        %swap3A_588 = arith.constant 112 : index
        %swap3A_589 = tpu.vector_load %arg9[%swap3A_587, %swap3A_588] {strides = array<i32>} : memref<128x128xf32, #tpu.memory_space<vmem>>, vector<1x16xf32>,
        %swap3A_590 = vector.shape_cast %swap3A_589 : vector<1x16xf32> to vector<16xf32>
        %swap3A_591 = vector.shape_cast %mul3A_586 : vector<16xf32> to vector<1x16xf32>
        tpu.vector_store %arg9[%swap3A_587, %swap3A_588], %swap3A_591 {strides = array<i32>} : memref<128x128xf32, #tpu.memory_space<vmem>>, vector<1x16xf32>,
        %scan3A_592 = arith.constant 0 : i32
        scf.yield %scan3A_592 : i32
      }
      %scan3A_164 = arith.constant 128 : i32
      %mul3A_165 = arith.constant 128 : i32
      %mul3A_166 = arith.muli %add3A_151, %mul3A_165 : i32
      %add3A_167 = arith.addi %mul3A_2, %mul3A_166 : i32
      %dma_start3A_168 = arith.constant 0 : i32
      %dma_start3A_169 = tpu.memref_slice %arg4[%add3A_167, %dma_start3A_168] : memref<819200x128xf32, #tpu.memory_space<hbm>> -> memref<128x128xf32, #tpu.memory_space<hbm>>
      %dma_start3A_170 = arith.constant 0 : i32
      %dma_start3A_171 = tpu.memref_slice %arg4[%add3A_167, %dma_start3A_170] : memref<819200x128xf32, #tpu.memory_space<hbm>> -> memref<128x128xf32, #tpu.memory_space<hbm>>
      tpu.enqueue_dma source(%arg9 : memref<128x128xf32, #tpu.memory_space<vmem>>) target(%dma_start3A_171 : memref<128x128xf32, #tpu.memory_space<hbm>>) target_semaphore(%arg19 : memref<!tpu.dma_semaphore, #tpu.memory_space<semaphore_mem>>)
      %mul3A_172 = arith.constant 5 : i32
      %mul3A_173 = arith.muli %scan3A_74, %mul3A_172 : i32
      %add3A_174 = arith.constant 4 : i32
      %add3A_175 = arith.addi %mul3A_173, %add3A_174 : i32
      %dma_wait3A_176 = arith.constant 0 : i32
      %dma_wait3A_177 = tpu.memref_slice %arg5[%add3A_175, %dma_wait3A_176] : memref<200x128xi32, #tpu.memory_space<vmem>> -> memref<1x128xi32, #tpu.memory_space<vmem>>
      %dma_wait3A_178 = tpu.memref_squeeze %dma_wait3A_177 : memref<1x128xi32, #tpu.memory_space<vmem>> -> memref<128xi32, #tpu.memory_space<vmem>>
      %dma_wait3A_179 = arith.constant 0 : i32
      %dma_wait3A_180 = arith.constant 0 : i32
      %dma_wait3A_181 = tpu.memref_slice %arg3[%dma_wait3A_179, %dma_wait3A_180] : memref<100000x128xf32, #tpu.memory_space<hbm>> -> memref<100000x128xf32, #tpu.memory_space<hbm>>
      tpu.wait_indirect_dma semaphore(%arg15 : memref<!tpu.dma_semaphore, #tpu.memory_space<semaphore_mem>>) src(%dma_wait3A_181 : memref<100000x128xf32, #tpu.memory_space<hbm>>) dst(%arg10 : memref<128x128xf32, #tpu.memory_space<vmem>>)
      %scan3A_182 = arith.constant 0 : i32
      %scan3A_183 = arith.constant 0 : i32
      %scan3A_184 = arith.constant 128 : i32
      %scan3A_185 = arith.addi %scan3A_183, %scan3A_184 : i32
      %scan3A_186 = arith.constant 4 : i32
      %scan3A_187 = scf.for %scan3A_199 = %scan3A_183 to %scan3A_185 step %scan3A_186 iter_args(%scan3A_200 = %scan3A_182) -> (i32)  : i32 {
        %get3A = arith.index_cast %scan3A_199 : i32 to index
        %get3A_201 = arith.constant 0 : index
        %get3A_202 = tpu.vector_load %arg10[%get3A, %get3A_201] {strides = array<i32>} : memref<128x128xf32, #tpu.memory_space<vmem>>, vector<1x16xf32>,
        %get3A_203 = vector.shape_cast %get3A_202 : vector<1x16xf32> to vector<16xf32>
        %mul3A_204 = arith.constant 0.0883883461 : f32
        %mul3A_205 = vector.broadcast %mul3A_204 : f32 to vector<16xf32>
        %mul3A_206 = arith.mulf %get3A_203, %mul3A_205 : vector<16xf32>
        %swap3A = arith.index_cast %scan3A_199 : i32 to index
        %swap3A_207 = arith.constant 0 : index
        %swap3A_208 = tpu.vector_load %arg10[%swap3A, %swap3A_207] {strides = array<i32>} : memref<128x128xf32, #tpu.memory_space<vmem>>, vector<1x16xf32>,
        %swap3A_209 = vector.shape_cast %swap3A_208 : vector<1x16xf32> to vector<16xf32>
        %swap3A_210 = vector.shape_cast %mul3A_206 : vector<16xf32> to vector<1x16xf32>
        tpu.vector_store %arg10[%swap3A, %swap3A_207], %swap3A_210 {strides = array<i32>} : memref<128x128xf32, #tpu.memory_space<vmem>>, vector<1x16xf32>,
        %get3A_211 = arith.index_cast %scan3A_199 : i32 to index
        %get3A_212 = arith.constant 16 : index
        %get3A_213 = tpu.vector_load %arg10[%get3A_211, %get3A_212] {strides = array<i32>} : memref<128x128xf32, #tpu.memory_space<vmem>>, vector<1x16xf32>,
        %get3A_214 = vector.shape_cast %get3A_213 : vector<1x16xf32> to vector<16xf32>
        %mul3A_215 = arith.constant 0.0883883461 : f32
        %mul3A_216 = vector.broadcast %mul3A_215 : f32 to vector<16xf32>
        %mul3A_217 = arith.mulf %get3A_214, %mul3A_216 : vector<16xf32>
        %swap3A_218 = arith.index_cast %scan3A_199 : i32 to index
        %swap3A_219 = arith.constant 16 : index
        %swap3A_220 = tpu.vector_load %arg10[%swap3A_218, %swap3A_219] {strides = array<i32>} : memref<128x128xf32, #tpu.memory_space<vmem>>, vector<1x16xf32>,
        %swap3A_221 = vector.shape_cast %swap3A_220 : vector<1x16xf32> to vector<16xf32>
        %swap3A_222 = vector.shape_cast %mul3A_217 : vector<16xf32> to vector<1x16xf32>
        tpu.vector_store %arg10[%swap3A_218, %swap3A_219], %swap3A_222 {strides = array<i32>} : memref<128x128xf32, #tpu.memory_space<vmem>>, vector<1x16xf32>,
        %get3A_223 = arith.index_cast %scan3A_199 : i32 to index
        %get3A_224 = arith.constant 32 : index
        %get3A_225 = tpu.vector_load %arg10[%get3A_223, %get3A_224] {strides = array<i32>} : memref<128x128xf32, #tpu.memory_space<vmem>>, vector<1x16xf32>,
        %get3A_226 = vector.shape_cast %get3A_225 : vector<1x16xf32> to vector<16xf32>
        %mul3A_227 = arith.constant 0.0883883461 : f32
        %mul3A_228 = vector.broadcast %mul3A_227 : f32 to vector<16xf32>
        %mul3A_229 = arith.mulf %get3A_226, %mul3A_228 : vector<16xf32>
        %swap3A_230 = arith.index_cast %scan3A_199 : i32 to index
        %swap3A_231 = arith.constant 32 : index
        %swap3A_232 = tpu.vector_load %arg10[%swap3A_230, %swap3A_231] {strides = array<i32>} : memref<128x128xf32, #tpu.memory_space<vmem>>, vector<1x16xf32>,
        %swap3A_233 = vector.shape_cast %swap3A_232 : vector<1x16xf32> to vector<16xf32>
        %swap3A_234 = vector.shape_cast %mul3A_229 : vector<16xf32> to vector<1x16xf32>
        tpu.vector_store %arg10[%swap3A_230, %swap3A_231], %swap3A_234 {strides = array<i32>} : memref<128x128xf32, #tpu.memory_space<vmem>>, vector<1x16xf32>,
        %get3A_235 = arith.index_cast %scan3A_199 : i32 to index
        %get3A_236 = arith.constant 48 : index
        %get3A_237 = tpu.vector_load %arg10[%get3A_235, %get3A_236] {strides = array<i32>} : memref<128x128xf32, #tpu.memory_space<vmem>>, vector<1x16xf32>,
        %get3A_238 = vector.shape_cast %get3A_237 : vector<1x16xf32> to vector<16xf32>
        %mul3A_239 = arith.constant 0.0883883461 : f32
        %mul3A_240 = vector.broadcast %mul3A_239 : f32 to vector<16xf32>
        %mul3A_241 = arith.mulf %get3A_238, %mul3A_240 : vector<16xf32>
        %swap3A_242 = arith.index_cast %scan3A_199 : i32 to index
        %swap3A_243 = arith.constant 48 : index
        %swap3A_244 = tpu.vector_load %arg10[%swap3A_242, %swap3A_243] {strides = array<i32>} : memref<128x128xf32, #tpu.memory_space<vmem>>, vector<1x16xf32>,
        %swap3A_245 = vector.shape_cast %swap3A_244 : vector<1x16xf32> to vector<16xf32>
        %swap3A_246 = vector.shape_cast %mul3A_241 : vector<16xf32> to vector<1x16xf32>
        tpu.vector_store %arg10[%swap3A_242, %swap3A_243], %swap3A_246 {strides = array<i32>} : memref<128x128xf32, #tpu.memory_space<vmem>>, vector<1x16xf32>,
        %get3A_247 = arith.index_cast %scan3A_199 : i32 to index
        %get3A_248 = arith.constant 64 : index
        %get3A_249 = tpu.vector_load %arg10[%get3A_247, %get3A_248] {strides = array<i32>} : memref<128x128xf32, #tpu.memory_space<vmem>>, vector<1x16xf32>,
        %get3A_250 = vector.shape_cast %get3A_249 : vector<1x16xf32> to vector<16xf32>
        %mul3A_251 = arith.constant 0.0883883461 : f32
        %mul3A_252 = vector.broadcast %mul3A_251 : f32 to vector<16xf32>
        %mul3A_253 = arith.mulf %get3A_250, %mul3A_252 : vector<16xf32>
        %swap3A_254 = arith.index_cast %scan3A_199 : i32 to index
        %swap3A_255 = arith.constant 64 : index
        %swap3A_256 = tpu.vector_load %arg10[%swap3A_254, %swap3A_255] {strides = array<i32>} : memref<128x128xf32, #tpu.memory_space<vmem>>, vector<1x16xf32>,
        %swap3A_257 = vector.shape_cast %swap3A_256 : vector<1x16xf32> to vector<16xf32>
        %swap3A_258 = vector.shape_cast %mul3A_253 : vector<16xf32> to vector<1x16xf32>
        tpu.vector_store %arg10[%swap3A_254, %swap3A_255], %swap3A_258 {strides = array<i32>} : memref<128x128xf32, #tpu.memory_space<vmem>>, vector<1x16xf32>,
        %get3A_259 = arith.index_cast %scan3A_199 : i32 to index
        %get3A_260 = arith.constant 80 : index
        %get3A_261 = tpu.vector_load %arg10[%get3A_259, %get3A_260] {strides = array<i32>} : memref<128x128xf32, #tpu.memory_space<vmem>>, vector<1x16xf32>,
        %get3A_262 = vector.shape_cast %get3A_261 : vector<1x16xf32> to vector<16xf32>
        %mul3A_263 = arith.constant 0.0883883461 : f32
        %mul3A_264 = vector.broadcast %mul3A_263 : f32 to vector<16xf32>
        %mul3A_265 = arith.mulf %get3A_262, %mul3A_264 : vector<16xf32>
        %swap3A_266 = arith.index_cast %scan3A_199 : i32 to index
        %swap3A_267 = arith.constant 80 : index
        %swap3A_268 = tpu.vector_load %arg10[%swap3A_266, %swap3A_267] {strides = array<i32>} : memref<128x128xf32, #tpu.memory_space<vmem>>, vector<1x16xf32>,
        %swap3A_269 = vector.shape_cast %swap3A_268 : vector<1x16xf32> to vector<16xf32>
        %swap3A_270 = vector.shape_cast %mul3A_265 : vector<16xf32> to vector<1x16xf32>
        tpu.vector_store %arg10[%swap3A_266, %swap3A_267], %swap3A_270 {strides = array<i32>} : memref<128x128xf32, #tpu.memory_space<vmem>>, vector<1x16xf32>,
        %get3A_271 = arith.index_cast %scan3A_199 : i32 to index
        %get3A_272 = arith.constant 96 : index
        %get3A_273 = tpu.vector_load %arg10[%get3A_271, %get3A_272] {strides = array<i32>} : memref<128x128xf32, #tpu.memory_space<vmem>>, vector<1x16xf32>,
        %get3A_274 = vector.shape_cast %get3A_273 : vector<1x16xf32> to vector<16xf32>
        %mul3A_275 = arith.constant 0.0883883461 : f32
        %mul3A_276 = vector.broadcast %mul3A_275 : f32 to vector<16xf32>
        %mul3A_277 = arith.mulf %get3A_274, %mul3A_276 : vector<16xf32>
        %swap3A_278 = arith.index_cast %scan3A_199 : i32 to index
        %swap3A_279 = arith.constant 96 : index
        %swap3A_280 = tpu.vector_load %arg10[%swap3A_278, %swap3A_279] {strides = array<i32>} : memref<128x128xf32, #tpu.memory_space<vmem>>, vector<1x16xf32>,
        %swap3A_281 = vector.shape_cast %swap3A_280 : vector<1x16xf32> to vector<16xf32>
        %swap3A_282 = vector.shape_cast %mul3A_277 : vector<16xf32> to vector<1x16xf32>
        tpu.vector_store %arg10[%swap3A_278, %swap3A_279], %swap3A_282 {strides = array<i32>} : memref<128x128xf32, #tpu.memory_space<vmem>>, vector<1x16xf32>,
        %get3A_283 = arith.index_cast %scan3A_199 : i32 to index
        %get3A_284 = arith.constant 112 : index
        %get3A_285 = tpu.vector_load %arg10[%get3A_283, %get3A_284] {strides = array<i32>} : memref<128x128xf32, #tpu.memory_space<vmem>>, vector<1x16xf32>,
        %get3A_286 = vector.shape_cast %get3A_285 : vector<1x16xf32> to vector<16xf32>
        %mul3A_287 = arith.constant 0.0883883461 : f32
        %mul3A_288 = vector.broadcast %mul3A_287 : f32 to vector<16xf32>
        %mul3A_289 = arith.mulf %get3A_286, %mul3A_288 : vector<16xf32>
        %swap3A_290 = arith.index_cast %scan3A_199 : i32 to index
        %swap3A_291 = arith.constant 112 : index
        %swap3A_292 = tpu.vector_load %arg10[%swap3A_290, %swap3A_291] {strides = array<i32>} : memref<128x128xf32, #tpu.memory_space<vmem>>, vector<1x16xf32>,
        %swap3A_293 = vector.shape_cast %swap3A_292 : vector<1x16xf32> to vector<16xf32>
        %swap3A_294 = vector.shape_cast %mul3A_289 : vector<16xf32> to vector<1x16xf32>
        tpu.vector_store %arg10[%swap3A_290, %swap3A_291], %swap3A_294 {strides = array<i32>} : memref<128x128xf32, #tpu.memory_space<vmem>>, vector<1x16xf32>,
        %scan3A_295 = arith.constant 0 : i32
        %scan3A_296 = arith.constant 1 : i32
        %scan3A_297 = arith.addi %scan3A_199, %scan3A_296 : i32
        %get3A_298 = arith.index_cast %scan3A_297 : i32 to index
        %get3A_299 = arith.constant 0 : index
        %get3A_300 = tpu.vector_load %arg10[%get3A_298, %get3A_299] {strides = array<i32>} : memref<128x128xf32, #tpu.memory_space<vmem>>, vector<1x16xf32>,
        %get3A_301 = vector.shape_cast %get3A_300 : vector<1x16xf32> to vector<16xf32>
        %mul3A_302 = arith.constant 0.0883883461 : f32
        %mul3A_303 = vector.broadcast %mul3A_302 : f32 to vector<16xf32>
        %mul3A_304 = arith.mulf %get3A_301, %mul3A_303 : vector<16xf32>
        %swap3A_305 = arith.index_cast %scan3A_297 : i32 to index
        %swap3A_306 = arith.constant 0 : index
        %swap3A_307 = tpu.vector_load %arg10[%swap3A_305, %swap3A_306] {strides = array<i32>} : memref<128x128xf32, #tpu.memory_space<vmem>>, vector<1x16xf32>,
        %swap3A_308 = vector.shape_cast %swap3A_307 : vector<1x16xf32> to vector<16xf32>
        %swap3A_309 = vector.shape_cast %mul3A_304 : vector<16xf32> to vector<1x16xf32>
        tpu.vector_store %arg10[%swap3A_305, %swap3A_306], %swap3A_309 {strides = array<i32>} : memref<128x128xf32, #tpu.memory_space<vmem>>, vector<1x16xf32>,
        %get3A_310 = arith.index_cast %scan3A_297 : i32 to index
        %get3A_311 = arith.constant 16 : index
        %get3A_312 = tpu.vector_load %arg10[%get3A_310, %get3A_311] {strides = array<i32>} : memref<128x128xf32, #tpu.memory_space<vmem>>, vector<1x16xf32>,
        %get3A_313 = vector.shape_cast %get3A_312 : vector<1x16xf32> to vector<16xf32>
        %mul3A_314 = arith.constant 0.0883883461 : f32
        %mul3A_315 = vector.broadcast %mul3A_314 : f32 to vector<16xf32>
        %mul3A_316 = arith.mulf %get3A_313, %mul3A_315 : vector<16xf32>
        %swap3A_317 = arith.index_cast %scan3A_297 : i32 to index
        %swap3A_318 = arith.constant 16 : index
        %swap3A_319 = tpu.vector_load %arg10[%swap3A_317, %swap3A_318] {strides = array<i32>} : memref<128x128xf32, #tpu.memory_space<vmem>>, vector<1x16xf32>,
        %swap3A_320 = vector.shape_cast %swap3A_319 : vector<1x16xf32> to vector<16xf32>
        %swap3A_321 = vector.shape_cast %mul3A_316 : vector<16xf32> to vector<1x16xf32>
        tpu.vector_store %arg10[%swap3A_317, %swap3A_318], %swap3A_321 {strides = array<i32>} : memref<128x128xf32, #tpu.memory_space<vmem>>, vector<1x16xf32>,
        %get3A_322 = arith.index_cast %scan3A_297 : i32 to index
        %get3A_323 = arith.constant 32 : index
        %get3A_324 = tpu.vector_load %arg10[%get3A_322, %get3A_323] {strides = array<i32>} : memref<128x128xf32, #tpu.memory_space<vmem>>, vector<1x16xf32>,
        %get3A_325 = vector.shape_cast %get3A_324 : vector<1x16xf32> to vector<16xf32>
        %mul3A_326 = arith.constant 0.0883883461 : f32
        %mul3A_327 = vector.broadcast %mul3A_326 : f32 to vector<16xf32>
        %mul3A_328 = arith.mulf %get3A_325, %mul3A_327 : vector<16xf32>
        %swap3A_329 = arith.index_cast %scan3A_297 : i32 to index
        %swap3A_330 = arith.constant 32 : index
        %swap3A_331 = tpu.vector_load %arg10[%swap3A_329, %swap3A_330] {strides = array<i32>} : memref<128x128xf32, #tpu.memory_space<vmem>>, vector<1x16xf32>,
        %swap3A_332 = vector.shape_cast %swap3A_331 : vector<1x16xf32> to vector<16xf32>
        %swap3A_333 = vector.shape_cast %mul3A_328 : vector<16xf32> to vector<1x16xf32>
        tpu.vector_store %arg10[%swap3A_329, %swap3A_330], %swap3A_333 {strides = array<i32>} : memref<128x128xf32, #tpu.memory_space<vmem>>, vector<1x16xf32>,
        %get3A_334 = arith.index_cast %scan3A_297 : i32 to index
        %get3A_335 = arith.constant 48 : index
        %get3A_336 = tpu.vector_load %arg10[%get3A_334, %get3A_335] {strides = array<i32>} : memref<128x128xf32, #tpu.memory_space<vmem>>, vector<1x16xf32>,
        %get3A_337 = vector.shape_cast %get3A_336 : vector<1x16xf32> to vector<16xf32>
        %mul3A_338 = arith.constant 0.0883883461 : f32
        %mul3A_339 = vector.broadcast %mul3A_338 : f32 to vector<16xf32>
        %mul3A_340 = arith.mulf %get3A_337, %mul3A_339 : vector<16xf32>
        %swap3A_341 = arith.index_cast %scan3A_297 : i32 to index
        %swap3A_342 = arith.constant 48 : index
        %swap3A_343 = tpu.vector_load %arg10[%swap3A_341, %swap3A_342] {strides = array<i32>} : memref<128x128xf32, #tpu.memory_space<vmem>>, vector<1x16xf32>,
        %swap3A_344 = vector.shape_cast %swap3A_343 : vector<1x16xf32> to vector<16xf32>
        %swap3A_345 = vector.shape_cast %mul3A_340 : vector<16xf32> to vector<1x16xf32>
        tpu.vector_store %arg10[%swap3A_341, %swap3A_342], %swap3A_345 {strides = array<i32>} : memref<128x128xf32, #tpu.memory_space<vmem>>, vector<1x16xf32>,
        %get3A_346 = arith.index_cast %scan3A_297 : i32 to index
        %get3A_347 = arith.constant 64 : index
        %get3A_348 = tpu.vector_load %arg10[%get3A_346, %get3A_347] {strides = array<i32>} : memref<128x128xf32, #tpu.memory_space<vmem>>, vector<1x16xf32>,
        %get3A_349 = vector.shape_cast %get3A_348 : vector<1x16xf32> to vector<16xf32>
        %mul3A_350 = arith.constant 0.0883883461 : f32
        %mul3A_351 = vector.broadcast %mul3A_350 : f32 to vector<16xf32>
        %mul3A_352 = arith.mulf %get3A_349, %mul3A_351 : vector<16xf32>
        %swap3A_353 = arith.index_cast %scan3A_297 : i32 to index
        %swap3A_354 = arith.constant 64 : index
        %swap3A_355 = tpu.vector_load %arg10[%swap3A_353, %swap3A_354] {strides = array<i32>} : memref<128x128xf32, #tpu.memory_space<vmem>>, vector<1x16xf32>,
        %swap3A_356 = vector.shape_cast %swap3A_355 : vector<1x16xf32> to vector<16xf32>
        %swap3A_357 = vector.shape_cast %mul3A_352 : vector<16xf32> to vector<1x16xf32>
        tpu.vector_store %arg10[%swap3A_353, %swap3A_354], %swap3A_357 {strides = array<i32>} : memref<128x128xf32, #tpu.memory_space<vmem>>, vector<1x16xf32>,
        %get3A_358 = arith.index_cast %scan3A_297 : i32 to index
        %get3A_359 = arith.constant 80 : index
        %get3A_360 = tpu.vector_load %arg10[%get3A_358, %get3A_359] {strides = array<i32>} : memref<128x128xf32, #tpu.memory_space<vmem>>, vector<1x16xf32>,
        %get3A_361 = vector.shape_cast %get3A_360 : vector<1x16xf32> to vector<16xf32>
        %mul3A_362 = arith.constant 0.0883883461 : f32
        %mul3A_363 = vector.broadcast %mul3A_362 : f32 to vector<16xf32>
        %mul3A_364 = arith.mulf %get3A_361, %mul3A_363 : vector<16xf32>
        %swap3A_365 = arith.index_cast %scan3A_297 : i32 to index
        %swap3A_366 = arith.constant 80 : index
        %swap3A_367 = tpu.vector_load %arg10[%swap3A_365, %swap3A_366] {strides = array<i32>} : memref<128x128xf32, #tpu.memory_space<vmem>>, vector<1x16xf32>,
        %swap3A_368 = vector.shape_cast %swap3A_367 : vector<1x16xf32> to vector<16xf32>
        %swap3A_369 = vector.shape_cast %mul3A_364 : vector<16xf32> to vector<1x16xf32>
        tpu.vector_store %arg10[%swap3A_365, %swap3A_366], %swap3A_369 {strides = array<i32>} : memref<128x128xf32, #tpu.memory_space<vmem>>, vector<1x16xf32>,
        %get3A_370 = arith.index_cast %scan3A_297 : i32 to index
        %get3A_371 = arith.constant 96 : index
        %get3A_372 = tpu.vector_load %arg10[%get3A_370, %get3A_371] {strides = array<i32>} : memref<128x128xf32, #tpu.memory_space<vmem>>, vector<1x16xf32>,
        %get3A_373 = vector.shape_cast %get3A_372 : vector<1x16xf32> to vector<16xf32>
        %mul3A_374 = arith.constant 0.0883883461 : f32
        %mul3A_375 = vector.broadcast %mul3A_374 : f32 to vector<16xf32>
        %mul3A_376 = arith.mulf %get3A_373, %mul3A_375 : vector<16xf32>
        %swap3A_377 = arith.index_cast %scan3A_297 : i32 to index
        %swap3A_378 = arith.constant 96 : index
        %swap3A_379 = tpu.vector_load %arg10[%swap3A_377, %swap3A_378] {strides = array<i32>} : memref<128x128xf32, #tpu.memory_space<vmem>>, vector<1x16xf32>,
        %swap3A_380 = vector.shape_cast %swap3A_379 : vector<1x16xf32> to vector<16xf32>
        %swap3A_381 = vector.shape_cast %mul3A_376 : vector<16xf32> to vector<1x16xf32>
        tpu.vector_store %arg10[%swap3A_377, %swap3A_378], %swap3A_381 {strides = array<i32>} : memref<128x128xf32, #tpu.memory_space<vmem>>, vector<1x16xf32>,
        %get3A_382 = arith.index_cast %scan3A_297 : i32 to index
        %get3A_383 = arith.constant 112 : index
        %get3A_384 = tpu.vector_load %arg10[%get3A_382, %get3A_383] {strides = array<i32>} : memref<128x128xf32, #tpu.memory_space<vmem>>, vector<1x16xf32>,
        %get3A_385 = vector.shape_cast %get3A_384 : vector<1x16xf32> to vector<16xf32>
        %mul3A_386 = arith.constant 0.0883883461 : f32
        %mul3A_387 = vector.broadcast %mul3A_386 : f32 to vector<16xf32>
        %mul3A_388 = arith.mulf %get3A_385, %mul3A_387 : vector<16xf32>
        %swap3A_389 = arith.index_cast %scan3A_297 : i32 to index
        %swap3A_390 = arith.constant 112 : index
        %swap3A_391 = tpu.vector_load %arg10[%swap3A_389, %swap3A_390] {strides = array<i32>} : memref<128x128xf32, #tpu.memory_space<vmem>>, vector<1x16xf32>,
        %swap3A_392 = vector.shape_cast %swap3A_391 : vector<1x16xf32> to vector<16xf32>
        %swap3A_393 = vector.shape_cast %mul3A_388 : vector<16xf32> to vector<1x16xf32>
        tpu.vector_store %arg10[%swap3A_389, %swap3A_390], %swap3A_393 {strides = array<i32>} : memref<128x128xf32, #tpu.memory_space<vmem>>, vector<1x16xf32>,
        %scan3A_394 = arith.constant 0 : i32
        %scan3A_395 = arith.constant 2 : i32
        %scan3A_396 = arith.addi %scan3A_199, %scan3A_395 : i32
        %get3A_397 = arith.index_cast %scan3A_396 : i32 to index
        %get3A_398 = arith.constant 0 : index
        %get3A_399 = tpu.vector_load %arg10[%get3A_397, %get3A_398] {strides = array<i32>} : memref<128x128xf32, #tpu.memory_space<vmem>>, vector<1x16xf32>,
        %get3A_400 = vector.shape_cast %get3A_399 : vector<1x16xf32> to vector<16xf32>
        %mul3A_401 = arith.constant 0.0883883461 : f32
        %mul3A_402 = vector.broadcast %mul3A_401 : f32 to vector<16xf32>
        %mul3A_403 = arith.mulf %get3A_400, %mul3A_402 : vector<16xf32>
        %swap3A_404 = arith.index_cast %scan3A_396 : i32 to index
        %swap3A_405 = arith.constant 0 : index
        %swap3A_406 = tpu.vector_load %arg10[%swap3A_404, %swap3A_405] {strides = array<i32>} : memref<128x128xf32, #tpu.memory_space<vmem>>, vector<1x16xf32>,
        %swap3A_407 = vector.shape_cast %swap3A_406 : vector<1x16xf32> to vector<16xf32>
        %swap3A_408 = vector.shape_cast %mul3A_403 : vector<16xf32> to vector<1x16xf32>
        tpu.vector_store %arg10[%swap3A_404, %swap3A_405], %swap3A_408 {strides = array<i32>} : memref<128x128xf32, #tpu.memory_space<vmem>>, vector<1x16xf32>,
        %get3A_409 = arith.index_cast %scan3A_396 : i32 to index
        %get3A_410 = arith.constant 16 : index
        %get3A_411 = tpu.vector_load %arg10[%get3A_409, %get3A_410] {strides = array<i32>} : memref<128x128xf32, #tpu.memory_space<vmem>>, vector<1x16xf32>,
        %get3A_412 = vector.shape_cast %get3A_411 : vector<1x16xf32> to vector<16xf32>
        %mul3A_413 = arith.constant 0.0883883461 : f32
        %mul3A_414 = vector.broadcast %mul3A_413 : f32 to vector<16xf32>
        %mul3A_415 = arith.mulf %get3A_412, %mul3A_414 : vector<16xf32>
        %swap3A_416 = arith.index_cast %scan3A_396 : i32 to index
        %swap3A_417 = arith.constant 16 : index
        %swap3A_418 = tpu.vector_load %arg10[%swap3A_416, %swap3A_417] {strides = array<i32>} : memref<128x128xf32, #tpu.memory_space<vmem>>, vector<1x16xf32>,
        %swap3A_419 = vector.shape_cast %swap3A_418 : vector<1x16xf32> to vector<16xf32>
        %swap3A_420 = vector.shape_cast %mul3A_415 : vector<16xf32> to vector<1x16xf32>
        tpu.vector_store %arg10[%swap3A_416, %swap3A_417], %swap3A_420 {strides = array<i32>} : memref<128x128xf32, #tpu.memory_space<vmem>>, vector<1x16xf32>,
        %get3A_421 = arith.index_cast %scan3A_396 : i32 to index
        %get3A_422 = arith.constant 32 : index
        %get3A_423 = tpu.vector_load %arg10[%get3A_421, %get3A_422] {strides = array<i32>} : memref<128x128xf32, #tpu.memory_space<vmem>>, vector<1x16xf32>,
        %get3A_424 = vector.shape_cast %get3A_423 : vector<1x16xf32> to vector<16xf32>
        %mul3A_425 = arith.constant 0.0883883461 : f32
        %mul3A_426 = vector.broadcast %mul3A_425 : f32 to vector<16xf32>
        %mul3A_427 = arith.mulf %get3A_424, %mul3A_426 : vector<16xf32>
        %swap3A_428 = arith.index_cast %scan3A_396 : i32 to index
        %swap3A_429 = arith.constant 32 : index
        %swap3A_430 = tpu.vector_load %arg10[%swap3A_428, %swap3A_429] {strides = array<i32>} : memref<128x128xf32, #tpu.memory_space<vmem>>, vector<1x16xf32>,
        %swap3A_431 = vector.shape_cast %swap3A_430 : vector<1x16xf32> to vector<16xf32>
        %swap3A_432 = vector.shape_cast %mul3A_427 : vector<16xf32> to vector<1x16xf32>
        tpu.vector_store %arg10[%swap3A_428, %swap3A_429], %swap3A_432 {strides = array<i32>} : memref<128x128xf32, #tpu.memory_space<vmem>>, vector<1x16xf32>,
        %get3A_433 = arith.index_cast %scan3A_396 : i32 to index
        %get3A_434 = arith.constant 48 : index
        %get3A_435 = tpu.vector_load %arg10[%get3A_433, %get3A_434] {strides = array<i32>} : memref<128x128xf32, #tpu.memory_space<vmem>>, vector<1x16xf32>,
        %get3A_436 = vector.shape_cast %get3A_435 : vector<1x16xf32> to vector<16xf32>
        %mul3A_437 = arith.constant 0.0883883461 : f32
        %mul3A_438 = vector.broadcast %mul3A_437 : f32 to vector<16xf32>
        %mul3A_439 = arith.mulf %get3A_436, %mul3A_438 : vector<16xf32>
        %swap3A_440 = arith.index_cast %scan3A_396 : i32 to index
        %swap3A_441 = arith.constant 48 : index
        %swap3A_442 = tpu.vector_load %arg10[%swap3A_440, %swap3A_441] {strides = array<i32>} : memref<128x128xf32, #tpu.memory_space<vmem>>, vector<1x16xf32>,
        %swap3A_443 = vector.shape_cast %swap3A_442 : vector<1x16xf32> to vector<16xf32>
        %swap3A_444 = vector.shape_cast %mul3A_439 : vector<16xf32> to vector<1x16xf32>
        tpu.vector_store %arg10[%swap3A_440, %swap3A_441], %swap3A_444 {strides = array<i32>} : memref<128x128xf32, #tpu.memory_space<vmem>>, vector<1x16xf32>,
        %get3A_445 = arith.index_cast %scan3A_396 : i32 to index
        %get3A_446 = arith.constant 64 : index
        %get3A_447 = tpu.vector_load %arg10[%get3A_445, %get3A_446] {strides = array<i32>} : memref<128x128xf32, #tpu.memory_space<vmem>>, vector<1x16xf32>,
        %get3A_448 = vector.shape_cast %get3A_447 : vector<1x16xf32> to vector<16xf32>
        %mul3A_449 = arith.constant 0.0883883461 : f32
        %mul3A_450 = vector.broadcast %mul3A_449 : f32 to vector<16xf32>
        %mul3A_451 = arith.mulf %get3A_448, %mul3A_450 : vector<16xf32>
        %swap3A_452 = arith.index_cast %scan3A_396 : i32 to index
        %swap3A_453 = arith.constant 64 : index
        %swap3A_454 = tpu.vector_load %arg10[%swap3A_452, %swap3A_453] {strides = array<i32>} : memref<128x128xf32, #tpu.memory_space<vmem>>, vector<1x16xf32>,
        %swap3A_455 = vector.shape_cast %swap3A_454 : vector<1x16xf32> to vector<16xf32>
        %swap3A_456 = vector.shape_cast %mul3A_451 : vector<16xf32> to vector<1x16xf32>
        tpu.vector_store %arg10[%swap3A_452, %swap3A_453], %swap3A_456 {strides = array<i32>} : memref<128x128xf32, #tpu.memory_space<vmem>>, vector<1x16xf32>,
        %get3A_457 = arith.index_cast %scan3A_396 : i32 to index
        %get3A_458 = arith.constant 80 : index
        %get3A_459 = tpu.vector_load %arg10[%get3A_457, %get3A_458] {strides = array<i32>} : memref<128x128xf32, #tpu.memory_space<vmem>>, vector<1x16xf32>,
        %get3A_460 = vector.shape_cast %get3A_459 : vector<1x16xf32> to vector<16xf32>
        %mul3A_461 = arith.constant 0.0883883461 : f32
        %mul3A_462 = vector.broadcast %mul3A_461 : f32 to vector<16xf32>
        %mul3A_463 = arith.mulf %get3A_460, %mul3A_462 : vector<16xf32>
        %swap3A_464 = arith.index_cast %scan3A_396 : i32 to index
        %swap3A_465 = arith.constant 80 : index
        %swap3A_466 = tpu.vector_load %arg10[%swap3A_464, %swap3A_465] {strides = array<i32>} : memref<128x128xf32, #tpu.memory_space<vmem>>, vector<1x16xf32>,
        %swap3A_467 = vector.shape_cast %swap3A_466 : vector<1x16xf32> to vector<16xf32>
        %swap3A_468 = vector.shape_cast %mul3A_463 : vector<16xf32> to vector<1x16xf32>
        tpu.vector_store %arg10[%swap3A_464, %swap3A_465], %swap3A_468 {strides = array<i32>} : memref<128x128xf32, #tpu.memory_space<vmem>>, vector<1x16xf32>,
        %get3A_469 = arith.index_cast %scan3A_396 : i32 to index
        %get3A_470 = arith.constant 96 : index
        %get3A_471 = tpu.vector_load %arg10[%get3A_469, %get3A_470] {strides = array<i32>} : memref<128x128xf32, #tpu.memory_space<vmem>>, vector<1x16xf32>,
        %get3A_472 = vector.shape_cast %get3A_471 : vector<1x16xf32> to vector<16xf32>
        %mul3A_473 = arith.constant 0.0883883461 : f32
        %mul3A_474 = vector.broadcast %mul3A_473 : f32 to vector<16xf32>
        %mul3A_475 = arith.mulf %get3A_472, %mul3A_474 : vector<16xf32>
        %swap3A_476 = arith.index_cast %scan3A_396 : i32 to index
        %swap3A_477 = arith.constant 96 : index
        %swap3A_478 = tpu.vector_load %arg10[%swap3A_476, %swap3A_477] {strides = array<i32>} : memref<128x128xf32, #tpu.memory_space<vmem>>, vector<1x16xf32>,
        %swap3A_479 = vector.shape_cast %swap3A_478 : vector<1x16xf32> to vector<16xf32>
        %swap3A_480 = vector.shape_cast %mul3A_475 : vector<16xf32> to vector<1x16xf32>
        tpu.vector_store %arg10[%swap3A_476, %swap3A_477], %swap3A_480 {strides = array<i32>} : memref<128x128xf32, #tpu.memory_space<vmem>>, vector<1x16xf32>,
        %get3A_481 = arith.index_cast %scan3A_396 : i32 to index
        %get3A_482 = arith.constant 112 : index
        %get3A_483 = tpu.vector_load %arg10[%get3A_481, %get3A_482] {strides = array<i32>} : memref<128x128xf32, #tpu.memory_space<vmem>>, vector<1x16xf32>,
        %get3A_484 = vector.shape_cast %get3A_483 : vector<1x16xf32> to vector<16xf32>
        %mul3A_485 = arith.constant 0.0883883461 : f32
        %mul3A_486 = vector.broadcast %mul3A_485 : f32 to vector<16xf32>
        %mul3A_487 = arith.mulf %get3A_484, %mul3A_486 : vector<16xf32>
        %swap3A_488 = arith.index_cast %scan3A_396 : i32 to index
        %swap3A_489 = arith.constant 112 : index
        %swap3A_490 = tpu.vector_load %arg10[%swap3A_488, %swap3A_489] {strides = array<i32>} : memref<128x128xf32, #tpu.memory_space<vmem>>, vector<1x16xf32>,
        %swap3A_491 = vector.shape_cast %swap3A_490 : vector<1x16xf32> to vector<16xf32>
        %swap3A_492 = vector.shape_cast %mul3A_487 : vector<16xf32> to vector<1x16xf32>
        tpu.vector_store %arg10[%swap3A_488, %swap3A_489], %swap3A_492 {strides = array<i32>} : memref<128x128xf32, #tpu.memory_space<vmem>>, vector<1x16xf32>,
        %scan3A_493 = arith.constant 0 : i32
        %scan3A_494 = arith.constant 3 : i32
        %scan3A_495 = arith.addi %scan3A_199, %scan3A_494 : i32
        %get3A_496 = arith.index_cast %scan3A_495 : i32 to index
        %get3A_497 = arith.constant 0 : index
        %get3A_498 = tpu.vector_load %arg10[%get3A_496, %get3A_497] {strides = array<i32>} : memref<128x128xf32, #tpu.memory_space<vmem>>, vector<1x16xf32>,
        %get3A_499 = vector.shape_cast %get3A_498 : vector<1x16xf32> to vector<16xf32>
        %mul3A_500 = arith.constant 0.0883883461 : f32
        %mul3A_501 = vector.broadcast %mul3A_500 : f32 to vector<16xf32>
        %mul3A_502 = arith.mulf %get3A_499, %mul3A_501 : vector<16xf32>
        %swap3A_503 = arith.index_cast %scan3A_495 : i32 to index
        %swap3A_504 = arith.constant 0 : index
        %swap3A_505 = tpu.vector_load %arg10[%swap3A_503, %swap3A_504] {strides = array<i32>} : memref<128x128xf32, #tpu.memory_space<vmem>>, vector<1x16xf32>,
        %swap3A_506 = vector.shape_cast %swap3A_505 : vector<1x16xf32> to vector<16xf32>
        %swap3A_507 = vector.shape_cast %mul3A_502 : vector<16xf32> to vector<1x16xf32>
        tpu.vector_store %arg10[%swap3A_503, %swap3A_504], %swap3A_507 {strides = array<i32>} : memref<128x128xf32, #tpu.memory_space<vmem>>, vector<1x16xf32>,
        %get3A_508 = arith.index_cast %scan3A_495 : i32 to index
        %get3A_509 = arith.constant 16 : index
        %get3A_510 = tpu.vector_load %arg10[%get3A_508, %get3A_509] {strides = array<i32>} : memref<128x128xf32, #tpu.memory_space<vmem>>, vector<1x16xf32>,
        %get3A_511 = vector.shape_cast %get3A_510 : vector<1x16xf32> to vector<16xf32>
        %mul3A_512 = arith.constant 0.0883883461 : f32
        %mul3A_513 = vector.broadcast %mul3A_512 : f32 to vector<16xf32>
        %mul3A_514 = arith.mulf %get3A_511, %mul3A_513 : vector<16xf32>
        %swap3A_515 = arith.index_cast %scan3A_495 : i32 to index
        %swap3A_516 = arith.constant 16 : index
        %swap3A_517 = tpu.vector_load %arg10[%swap3A_515, %swap3A_516] {strides = array<i32>} : memref<128x128xf32, #tpu.memory_space<vmem>>, vector<1x16xf32>,
        %swap3A_518 = vector.shape_cast %swap3A_517 : vector<1x16xf32> to vector<16xf32>
        %swap3A_519 = vector.shape_cast %mul3A_514 : vector<16xf32> to vector<1x16xf32>
        tpu.vector_store %arg10[%swap3A_515, %swap3A_516], %swap3A_519 {strides = array<i32>} : memref<128x128xf32, #tpu.memory_space<vmem>>, vector<1x16xf32>,
        %get3A_520 = arith.index_cast %scan3A_495 : i32 to index
        %get3A_521 = arith.constant 32 : index
        %get3A_522 = tpu.vector_load %arg10[%get3A_520, %get3A_521] {strides = array<i32>} : memref<128x128xf32, #tpu.memory_space<vmem>>, vector<1x16xf32>,
        %get3A_523 = vector.shape_cast %get3A_522 : vector<1x16xf32> to vector<16xf32>
        %mul3A_524 = arith.constant 0.0883883461 : f32
        %mul3A_525 = vector.broadcast %mul3A_524 : f32 to vector<16xf32>
        %mul3A_526 = arith.mulf %get3A_523, %mul3A_525 : vector<16xf32>
        %swap3A_527 = arith.index_cast %scan3A_495 : i32 to index
        %swap3A_528 = arith.constant 32 : index
        %swap3A_529 = tpu.vector_load %arg10[%swap3A_527, %swap3A_528] {strides = array<i32>} : memref<128x128xf32, #tpu.memory_space<vmem>>, vector<1x16xf32>,
        %swap3A_530 = vector.shape_cast %swap3A_529 : vector<1x16xf32> to vector<16xf32>
        %swap3A_531 = vector.shape_cast %mul3A_526 : vector<16xf32> to vector<1x16xf32>
        tpu.vector_store %arg10[%swap3A_527, %swap3A_528], %swap3A_531 {strides = array<i32>} : memref<128x128xf32, #tpu.memory_space<vmem>>, vector<1x16xf32>,
        %get3A_532 = arith.index_cast %scan3A_495 : i32 to index
        %get3A_533 = arith.constant 48 : index
        %get3A_534 = tpu.vector_load %arg10[%get3A_532, %get3A_533] {strides = array<i32>} : memref<128x128xf32, #tpu.memory_space<vmem>>, vector<1x16xf32>,
        %get3A_535 = vector.shape_cast %get3A_534 : vector<1x16xf32> to vector<16xf32>
        %mul3A_536 = arith.constant 0.0883883461 : f32
        %mul3A_537 = vector.broadcast %mul3A_536 : f32 to vector<16xf32>
        %mul3A_538 = arith.mulf %get3A_535, %mul3A_537 : vector<16xf32>
        %swap3A_539 = arith.index_cast %scan3A_495 : i32 to index
        %swap3A_540 = arith.constant 48 : index
        %swap3A_541 = tpu.vector_load %arg10[%swap3A_539, %swap3A_540] {strides = array<i32>} : memref<128x128xf32, #tpu.memory_space<vmem>>, vector<1x16xf32>,
        %swap3A_542 = vector.shape_cast %swap3A_541 : vector<1x16xf32> to vector<16xf32>
        %swap3A_543 = vector.shape_cast %mul3A_538 : vector<16xf32> to vector<1x16xf32>
        tpu.vector_store %arg10[%swap3A_539, %swap3A_540], %swap3A_543 {strides = array<i32>} : memref<128x128xf32, #tpu.memory_space<vmem>>, vector<1x16xf32>,
        %get3A_544 = arith.index_cast %scan3A_495 : i32 to index
        %get3A_545 = arith.constant 64 : index
        %get3A_546 = tpu.vector_load %arg10[%get3A_544, %get3A_545] {strides = array<i32>} : memref<128x128xf32, #tpu.memory_space<vmem>>, vector<1x16xf32>,
        %get3A_547 = vector.shape_cast %get3A_546 : vector<1x16xf32> to vector<16xf32>
        %mul3A_548 = arith.constant 0.0883883461 : f32
        %mul3A_549 = vector.broadcast %mul3A_548 : f32 to vector<16xf32>
        %mul3A_550 = arith.mulf %get3A_547, %mul3A_549 : vector<16xf32>
        %swap3A_551 = arith.index_cast %scan3A_495 : i32 to index
        %swap3A_552 = arith.constant 64 : index
        %swap3A_553 = tpu.vector_load %arg10[%swap3A_551, %swap3A_552] {strides = array<i32>} : memref<128x128xf32, #tpu.memory_space<vmem>>, vector<1x16xf32>,
        %swap3A_554 = vector.shape_cast %swap3A_553 : vector<1x16xf32> to vector<16xf32>
        %swap3A_555 = vector.shape_cast %mul3A_550 : vector<16xf32> to vector<1x16xf32>
        tpu.vector_store %arg10[%swap3A_551, %swap3A_552], %swap3A_555 {strides = array<i32>} : memref<128x128xf32, #tpu.memory_space<vmem>>, vector<1x16xf32>,
        %get3A_556 = arith.index_cast %scan3A_495 : i32 to index
        %get3A_557 = arith.constant 80 : index
        %get3A_558 = tpu.vector_load %arg10[%get3A_556, %get3A_557] {strides = array<i32>} : memref<128x128xf32, #tpu.memory_space<vmem>>, vector<1x16xf32>,
        %get3A_559 = vector.shape_cast %get3A_558 : vector<1x16xf32> to vector<16xf32>
        %mul3A_560 = arith.constant 0.0883883461 : f32
        %mul3A_561 = vector.broadcast %mul3A_560 : f32 to vector<16xf32>
        %mul3A_562 = arith.mulf %get3A_559, %mul3A_561 : vector<16xf32>
        %swap3A_563 = arith.index_cast %scan3A_495 : i32 to index
        %swap3A_564 = arith.constant 80 : index
        %swap3A_565 = tpu.vector_load %arg10[%swap3A_563, %swap3A_564] {strides = array<i32>} : memref<128x128xf32, #tpu.memory_space<vmem>>, vector<1x16xf32>,
        %swap3A_566 = vector.shape_cast %swap3A_565 : vector<1x16xf32> to vector<16xf32>
        %swap3A_567 = vector.shape_cast %mul3A_562 : vector<16xf32> to vector<1x16xf32>
        tpu.vector_store %arg10[%swap3A_563, %swap3A_564], %swap3A_567 {strides = array<i32>} : memref<128x128xf32, #tpu.memory_space<vmem>>, vector<1x16xf32>,
        %get3A_568 = arith.index_cast %scan3A_495 : i32 to index
        %get3A_569 = arith.constant 96 : index
        %get3A_570 = tpu.vector_load %arg10[%get3A_568, %get3A_569] {strides = array<i32>} : memref<128x128xf32, #tpu.memory_space<vmem>>, vector<1x16xf32>,
        %get3A_571 = vector.shape_cast %get3A_570 : vector<1x16xf32> to vector<16xf32>
        %mul3A_572 = arith.constant 0.0883883461 : f32
        %mul3A_573 = vector.broadcast %mul3A_572 : f32 to vector<16xf32>
        %mul3A_574 = arith.mulf %get3A_571, %mul3A_573 : vector<16xf32>
        %swap3A_575 = arith.index_cast %scan3A_495 : i32 to index
        %swap3A_576 = arith.constant 96 : index
        %swap3A_577 = tpu.vector_load %arg10[%swap3A_575, %swap3A_576] {strides = array<i32>} : memref<128x128xf32, #tpu.memory_space<vmem>>, vector<1x16xf32>,
        %swap3A_578 = vector.shape_cast %swap3A_577 : vector<1x16xf32> to vector<16xf32>
        %swap3A_579 = vector.shape_cast %mul3A_574 : vector<16xf32> to vector<1x16xf32>
        tpu.vector_store %arg10[%swap3A_575, %swap3A_576], %swap3A_579 {strides = array<i32>} : memref<128x128xf32, #tpu.memory_space<vmem>>, vector<1x16xf32>,
        %get3A_580 = arith.index_cast %scan3A_495 : i32 to index
        %get3A_581 = arith.constant 112 : index
        %get3A_582 = tpu.vector_load %arg10[%get3A_580, %get3A_581] {strides = array<i32>} : memref<128x128xf32, #tpu.memory_space<vmem>>, vector<1x16xf32>,
        %get3A_583 = vector.shape_cast %get3A_582 : vector<1x16xf32> to vector<16xf32>
        %mul3A_584 = arith.constant 0.0883883461 : f32
        %mul3A_585 = vector.broadcast %mul3A_584 : f32 to vector<16xf32>
        %mul3A_586 = arith.mulf %get3A_583, %mul3A_585 : vector<16xf32>
        %swap3A_587 = arith.index_cast %scan3A_495 : i32 to index
        %swap3A_588 = arith.constant 112 : index
        %swap3A_589 = tpu.vector_load %arg10[%swap3A_587, %swap3A_588] {strides = array<i32>} : memref<128x128xf32, #tpu.memory_space<vmem>>, vector<1x16xf32>,
        %swap3A_590 = vector.shape_cast %swap3A_589 : vector<1x16xf32> to vector<16xf32>
        %swap3A_591 = vector.shape_cast %mul3A_586 : vector<16xf32> to vector<1x16xf32>
        tpu.vector_store %arg10[%swap3A_587, %swap3A_588], %swap3A_591 {strides = array<i32>} : memref<128x128xf32, #tpu.memory_space<vmem>>, vector<1x16xf32>,
        %scan3A_592 = arith.constant 0 : i32
        scf.yield %scan3A_592 : i32
      }
      %scan3A_188 = arith.constant 128 : i32
      %mul3A_189 = arith.constant 128 : i32
      %mul3A_190 = arith.muli %add3A_175, %mul3A_189 : i32
      %add3A_191 = arith.addi %mul3A_2, %mul3A_190 : i32
      %dma_start3A_192 = arith.constant 0 : i32
      %dma_start3A_193 = tpu.memref_slice %arg4[%add3A_191, %dma_start3A_192] : memref<819200x128xf32, #tpu.memory_space<hbm>> -> memref<128x128xf32, #tpu.memory_space<hbm>>
      %dma_start3A_194 = arith.constant 0 : i32
      %dma_start3A_195 = tpu.memref_slice %arg4[%add3A_191, %dma_start3A_194] : memref<819200x128xf32, #tpu.memory_space<hbm>> -> memref<128x128xf32, #tpu.memory_space<hbm>>
      tpu.enqueue_dma source(%arg10 : memref<128x128xf32, #tpu.memory_space<vmem>>) target(%dma_start3A_195 : memref<128x128xf32, #tpu.memory_space<hbm>>) target_semaphore(%arg20 : memref<!tpu.dma_semaphore, #tpu.memory_space<semaphore_mem>>)
      %lt3A = arith.constant 39 : i32
      %lt3A_196 = arith.cmpi slt, %scan3A_74, %lt3A : i32
      %convert_element_type3A = arith.extui %lt3A_196 : i1 to i32
      %cond3A = arith.constant 0 : i32
      %cond3A_197 = arith.cmpi ne, %convert_element_type3A, %cond3A : i32
      scf.if %cond3A_197 {
        %mul3A_199 = arith.constant 5 : i32
        %mul3A_200 = arith.muli %scan3A_74, %mul3A_199 : i32
        %add3A_201 = arith.constant 0 : i32
        %add3A_202 = arith.addi %mul3A_200, %add3A_201 : i32
        %mul3A_203 = arith.constant 128 : i32
        %mul3A_204 = arith.muli %add3A_202, %mul3A_203 : i32
        %add3A_205 = arith.addi %mul3A_2, %mul3A_204 : i32
        %dma_wait3A_206 = arith.constant 0 : i32
        %dma_wait3A_207 = tpu.memref_slice %arg4[%add3A_205, %dma_wait3A_206] : memref<819200x128xf32, #tpu.memory_space<hbm>> -> memref<128x128xf32, #tpu.memory_space<hbm>>
        %dma_wait3A_208 = arith.constant 0 : i32
        %dma_wait3A_209 = tpu.memref_slice %arg4[%add3A_205, %dma_wait3A_208] : memref<819200x128xf32, #tpu.memory_space<hbm>> -> memref<128x128xf32, #tpu.memory_space<hbm>>
        tpu.wait_dma2 semaphore(%arg16 : memref<!tpu.dma_semaphore, #tpu.memory_space<semaphore_mem>>) src(%arg6 : memref<128x128xf32, #tpu.memory_space<vmem>>) dst(%dma_wait3A_209 : memref<128x128xf32, #tpu.memory_space<hbm>>)
        %add3A_210 = arith.constant 5 : i32
        %add3A_211 = arith.addi %add3A_202, %add3A_210 : i32
        %dma_start3A_212 = arith.constant 0 : i32
        %dma_start3A_213 = tpu.memref_slice %arg5[%add3A_211, %dma_start3A_212] : memref<200x128xi32, #tpu.memory_space<vmem>> -> memref<1x128xi32, #tpu.memory_space<vmem>>
        %dma_start3A_214 = tpu.memref_squeeze %dma_start3A_213 : memref<1x128xi32, #tpu.memory_space<vmem>> -> memref<128xi32, #tpu.memory_space<vmem>>
        %dma_start3A_215 = arith.constant 0 : i32
        %dma_start3A_216 = arith.constant 0 : i32
        %dma_start3A_217 = tpu.memref_slice %arg3[%dma_start3A_215, %dma_start3A_216] : memref<100000x128xf32, #tpu.memory_space<hbm>> -> memref<100000x128xf32, #tpu.memory_space<hbm>>
        tpu.enqueue_indirect_dma source(%dma_start3A_217 : memref<100000x128xf32, #tpu.memory_space<hbm>>) target(%arg6 : memref<128x128xf32, #tpu.memory_space<vmem>>) offsets(%dma_start3A_214 : memref<128xi32, #tpu.memory_space<vmem>>) semaphore(%arg11 : memref<!tpu.dma_semaphore, #tpu.memory_space<semaphore_mem>>)
        %mul3A_218 = arith.constant 5 : i32
        %mul3A_219 = arith.muli %scan3A_74, %mul3A_218 : i32
        %add3A_220 = arith.constant 1 : i32
        %add3A_221 = arith.addi %mul3A_219, %add3A_220 : i32
        %mul3A_222 = arith.constant 128 : i32
        %mul3A_223 = arith.muli %add3A_221, %mul3A_222 : i32
        %add3A_224 = arith.addi %mul3A_2, %mul3A_223 : i32
        %dma_wait3A_225 = arith.constant 0 : i32
        %dma_wait3A_226 = tpu.memref_slice %arg4[%add3A_224, %dma_wait3A_225] : memref<819200x128xf32, #tpu.memory_space<hbm>> -> memref<128x128xf32, #tpu.memory_space<hbm>>
        %dma_wait3A_227 = arith.constant 0 : i32
        %dma_wait3A_228 = tpu.memref_slice %arg4[%add3A_224, %dma_wait3A_227] : memref<819200x128xf32, #tpu.memory_space<hbm>> -> memref<128x128xf32, #tpu.memory_space<hbm>>
        tpu.wait_dma2 semaphore(%arg17 : memref<!tpu.dma_semaphore, #tpu.memory_space<semaphore_mem>>) src(%arg7 : memref<128x128xf32, #tpu.memory_space<vmem>>) dst(%dma_wait3A_228 : memref<128x128xf32, #tpu.memory_space<hbm>>)
        %add3A_229 = arith.constant 5 : i32
        %add3A_230 = arith.addi %add3A_221, %add3A_229 : i32
        %dma_start3A_231 = arith.constant 0 : i32
        %dma_start3A_232 = tpu.memref_slice %arg5[%add3A_230, %dma_start3A_231] : memref<200x128xi32, #tpu.memory_space<vmem>> -> memref<1x128xi32, #tpu.memory_space<vmem>>
        %dma_start3A_233 = tpu.memref_squeeze %dma_start3A_232 : memref<1x128xi32, #tpu.memory_space<vmem>> -> memref<128xi32, #tpu.memory_space<vmem>>
        %dma_start3A_234 = arith.constant 0 : i32
        %dma_start3A_235 = arith.constant 0 : i32
        %dma_start3A_236 = tpu.memref_slice %arg3[%dma_start3A_234, %dma_start3A_235] : memref<100000x128xf32, #tpu.memory_space<hbm>> -> memref<100000x128xf32, #tpu.memory_space<hbm>>
        tpu.enqueue_indirect_dma source(%dma_start3A_236 : memref<100000x128xf32, #tpu.memory_space<hbm>>) target(%arg7 : memref<128x128xf32, #tpu.memory_space<vmem>>) offsets(%dma_start3A_233 : memref<128xi32, #tpu.memory_space<vmem>>) semaphore(%arg12 : memref<!tpu.dma_semaphore, #tpu.memory_space<semaphore_mem>>)
        %mul3A_237 = arith.constant 5 : i32
        %mul3A_238 = arith.muli %scan3A_74, %mul3A_237 : i32
        %add3A_239 = arith.constant 2 : i32
        %add3A_240 = arith.addi %mul3A_238, %add3A_239 : i32
        %mul3A_241 = arith.constant 128 : i32
        %mul3A_242 = arith.muli %add3A_240, %mul3A_241 : i32
        %add3A_243 = arith.addi %mul3A_2, %mul3A_242 : i32
        %dma_wait3A_244 = arith.constant 0 : i32
        %dma_wait3A_245 = tpu.memref_slice %arg4[%add3A_243, %dma_wait3A_244] : memref<819200x128xf32, #tpu.memory_space<hbm>> -> memref<128x128xf32, #tpu.memory_space<hbm>>
        %dma_wait3A_246 = arith.constant 0 : i32
        %dma_wait3A_247 = tpu.memref_slice %arg4[%add3A_243, %dma_wait3A_246] : memref<819200x128xf32, #tpu.memory_space<hbm>> -> memref<128x128xf32, #tpu.memory_space<hbm>>
        tpu.wait_dma2 semaphore(%arg18 : memref<!tpu.dma_semaphore, #tpu.memory_space<semaphore_mem>>) src(%arg8 : memref<128x128xf32, #tpu.memory_space<vmem>>) dst(%dma_wait3A_247 : memref<128x128xf32, #tpu.memory_space<hbm>>)
        %add3A_248 = arith.constant 5 : i32
        %add3A_249 = arith.addi %add3A_240, %add3A_248 : i32
        %dma_start3A_250 = arith.constant 0 : i32
        %dma_start3A_251 = tpu.memref_slice %arg5[%add3A_249, %dma_start3A_250] : memref<200x128xi32, #tpu.memory_space<vmem>> -> memref<1x128xi32, #tpu.memory_space<vmem>>
        %dma_start3A_252 = tpu.memref_squeeze %dma_start3A_251 : memref<1x128xi32, #tpu.memory_space<vmem>> -> memref<128xi32, #tpu.memory_space<vmem>>
        %dma_start3A_253 = arith.constant 0 : i32
        %dma_start3A_254 = arith.constant 0 : i32
        %dma_start3A_255 = tpu.memref_slice %arg3[%dma_start3A_253, %dma_start3A_254] : memref<100000x128xf32, #tpu.memory_space<hbm>> -> memref<100000x128xf32, #tpu.memory_space<hbm>>
        tpu.enqueue_indirect_dma source(%dma_start3A_255 : memref<100000x128xf32, #tpu.memory_space<hbm>>) target(%arg8 : memref<128x128xf32, #tpu.memory_space<vmem>>) offsets(%dma_start3A_252 : memref<128xi32, #tpu.memory_space<vmem>>) semaphore(%arg13 : memref<!tpu.dma_semaphore, #tpu.memory_space<semaphore_mem>>)
        %mul3A_256 = arith.constant 5 : i32
        %mul3A_257 = arith.muli %scan3A_74, %mul3A_256 : i32
        %add3A_258 = arith.constant 3 : i32
        %add3A_259 = arith.addi %mul3A_257, %add3A_258 : i32
        %mul3A_260 = arith.constant 128 : i32
        %mul3A_261 = arith.muli %add3A_259, %mul3A_260 : i32
        %add3A_262 = arith.addi %mul3A_2, %mul3A_261 : i32
        %dma_wait3A_263 = arith.constant 0 : i32
        %dma_wait3A_264 = tpu.memref_slice %arg4[%add3A_262, %dma_wait3A_263] : memref<819200x128xf32, #tpu.memory_space<hbm>> -> memref<128x128xf32, #tpu.memory_space<hbm>>
        %dma_wait3A_265 = arith.constant 0 : i32
        %dma_wait3A_266 = tpu.memref_slice %arg4[%add3A_262, %dma_wait3A_265] : memref<819200x128xf32, #tpu.memory_space<hbm>> -> memref<128x128xf32, #tpu.memory_space<hbm>>
        tpu.wait_dma2 semaphore(%arg19 : memref<!tpu.dma_semaphore, #tpu.memory_space<semaphore_mem>>) src(%arg9 : memref<128x128xf32, #tpu.memory_space<vmem>>) dst(%dma_wait3A_266 : memref<128x128xf32, #tpu.memory_space<hbm>>)
        %add3A_267 = arith.constant 5 : i32
        %add3A_268 = arith.addi %add3A_259, %add3A_267 : i32
        %dma_start3A_269 = arith.constant 0 : i32
        %dma_start3A_270 = tpu.memref_slice %arg5[%add3A_268, %dma_start3A_269] : memref<200x128xi32, #tpu.memory_space<vmem>> -> memref<1x128xi32, #tpu.memory_space<vmem>>
        %dma_start3A_271 = tpu.memref_squeeze %dma_start3A_270 : memref<1x128xi32, #tpu.memory_space<vmem>> -> memref<128xi32, #tpu.memory_space<vmem>>
        %dma_start3A_272 = arith.constant 0 : i32
        %dma_start3A_273 = arith.constant 0 : i32
        %dma_start3A_274 = tpu.memref_slice %arg3[%dma_start3A_272, %dma_start3A_273] : memref<100000x128xf32, #tpu.memory_space<hbm>> -> memref<100000x128xf32, #tpu.memory_space<hbm>>
        tpu.enqueue_indirect_dma source(%dma_start3A_274 : memref<100000x128xf32, #tpu.memory_space<hbm>>) target(%arg9 : memref<128x128xf32, #tpu.memory_space<vmem>>) offsets(%dma_start3A_271 : memref<128xi32, #tpu.memory_space<vmem>>) semaphore(%arg14 : memref<!tpu.dma_semaphore, #tpu.memory_space<semaphore_mem>>)
        %mul3A_275 = arith.constant 5 : i32
        %mul3A_276 = arith.muli %scan3A_74, %mul3A_275 : i32
        %add3A_277 = arith.constant 4 : i32
        %add3A_278 = arith.addi %mul3A_276, %add3A_277 : i32
        %mul3A_279 = arith.constant 128 : i32
        %mul3A_280 = arith.muli %add3A_278, %mul3A_279 : i32
        %add3A_281 = arith.addi %mul3A_2, %mul3A_280 : i32
        %dma_wait3A_282 = arith.constant 0 : i32
        %dma_wait3A_283 = tpu.memref_slice %arg4[%add3A_281, %dma_wait3A_282] : memref<819200x128xf32, #tpu.memory_space<hbm>> -> memref<128x128xf32, #tpu.memory_space<hbm>>
        %dma_wait3A_284 = arith.constant 0 : i32
        %dma_wait3A_285 = tpu.memref_slice %arg4[%add3A_281, %dma_wait3A_284] : memref<819200x128xf32, #tpu.memory_space<hbm>> -> memref<128x128xf32, #tpu.memory_space<hbm>>
        tpu.wait_dma2 semaphore(%arg20 : memref<!tpu.dma_semaphore, #tpu.memory_space<semaphore_mem>>) src(%arg10 : memref<128x128xf32, #tpu.memory_space<vmem>>) dst(%dma_wait3A_285 : memref<128x128xf32, #tpu.memory_space<hbm>>)
        %add3A_286 = arith.constant 5 : i32
        %add3A_287 = arith.addi %add3A_278, %add3A_286 : i32
        %dma_start3A_288 = arith.constant 0 : i32
        %dma_start3A_289 = tpu.memref_slice %arg5[%add3A_287, %dma_start3A_288] : memref<200x128xi32, #tpu.memory_space<vmem>> -> memref<1x128xi32, #tpu.memory_space<vmem>>
        %dma_start3A_290 = tpu.memref_squeeze %dma_start3A_289 : memref<1x128xi32, #tpu.memory_space<vmem>> -> memref<128xi32, #tpu.memory_space<vmem>>
        %dma_start3A_291 = arith.constant 0 : i32
        %dma_start3A_292 = arith.constant 0 : i32
        %dma_start3A_293 = tpu.memref_slice %arg3[%dma_start3A_291, %dma_start3A_292] : memref<100000x128xf32, #tpu.memory_space<hbm>> -> memref<100000x128xf32, #tpu.memory_space<hbm>>
        tpu.enqueue_indirect_dma source(%dma_start3A_293 : memref<100000x128xf32, #tpu.memory_space<hbm>>) target(%arg10 : memref<128x128xf32, #tpu.memory_space<vmem>>) offsets(%dma_start3A_290 : memref<128xi32, #tpu.memory_space<vmem>>) semaphore(%arg15 : memref<!tpu.dma_semaphore, #tpu.memory_space<semaphore_mem>>)
      } else {
      }
      %scan3A_198 = arith.constant 0 : i32
      scf.yield %scan3A_198 : i32
    }
    %scan3A_44 = arith.constant 40 : i32
    %add3A_45 = arith.constant 24960 : i32
    %add3A_46 = arith.addi %mul3A_2, %add3A_45 : i32
    %dma_wait3A = arith.constant 0 : i32
    %dma_wait3A_47 = tpu.memref_slice %arg4[%add3A_46, %dma_wait3A] : memref<819200x128xf32, #tpu.memory_space<hbm>> -> memref<128x128xf32, #tpu.memory_space<hbm>>
    %dma_wait3A_48 = arith.constant 0 : i32
    %dma_wait3A_49 = tpu.memref_slice %arg4[%add3A_46, %dma_wait3A_48] : memref<819200x128xf32, #tpu.memory_space<hbm>> -> memref<128x128xf32, #tpu.memory_space<hbm>>
    tpu.wait_dma2 semaphore(%arg16 : memref<!tpu.dma_semaphore, #tpu.memory_space<semaphore_mem>>) src(%arg6 : memref<128x128xf32, #tpu.memory_space<vmem>>) dst(%dma_wait3A_49 : memref<128x128xf32, #tpu.memory_space<hbm>>)
    %add3A_50 = arith.constant 25088 : i32
    %add3A_51 = arith.addi %mul3A_2, %add3A_50 : i32
    %dma_wait3A_52 = arith.constant 0 : i32
    %dma_wait3A_53 = tpu.memref_slice %arg4[%add3A_51, %dma_wait3A_52] : memref<819200x128xf32, #tpu.memory_space<hbm>> -> memref<128x128xf32, #tpu.memory_space<hbm>>
    %dma_wait3A_54 = arith.constant 0 : i32
    %dma_wait3A_55 = tpu.memref_slice %arg4[%add3A_51, %dma_wait3A_54] : memref<819200x128xf32, #tpu.memory_space<hbm>> -> memref<128x128xf32, #tpu.memory_space<hbm>>
    tpu.wait_dma2 semaphore(%arg17 : memref<!tpu.dma_semaphore, #tpu.memory_space<semaphore_mem>>) src(%arg7 : memref<128x128xf32, #tpu.memory_space<vmem>>) dst(%dma_wait3A_55 : memref<128x128xf32, #tpu.memory_space<hbm>>)
    %add3A_56 = arith.constant 25216 : i32
    %add3A_57 = arith.addi %mul3A_2, %add3A_56 : i32
    %dma_wait3A_58 = arith.constant 0 : i32
    %dma_wait3A_59 = tpu.memref_slice %arg4[%add3A_57, %dma_wait3A_58] : memref<819200x128xf32, #tpu.memory_space<hbm>> -> memref<128x128xf32, #tpu.memory_space<hbm>>
    %dma_wait3A_60 = arith.constant 0 : i32
    %dma_wait3A_61 = tpu.memref_slice %arg4[%add3A_57, %dma_wait3A_60] : memref<819200x128xf32, #tpu.memory_space<hbm>> -> memref<128x128xf32, #tpu.memory_space<hbm>>
    tpu.wait_dma2 semaphore(%arg18 : memref<!tpu.dma_semaphore, #tpu.memory_space<semaphore_mem>>) src(%arg8 : memref<128x128xf32, #tpu.memory_space<vmem>>) dst(%dma_wait3A_61 : memref<128x128xf32, #tpu.memory_space<hbm>>)
    %add3A_62 = arith.constant 25344 : i32
    %add3A_63 = arith.addi %mul3A_2, %add3A_62 : i32
    %dma_wait3A_64 = arith.constant 0 : i32
    %dma_wait3A_65 = tpu.memref_slice %arg4[%add3A_63, %dma_wait3A_64] : memref<819200x128xf32, #tpu.memory_space<hbm>> -> memref<128x128xf32, #tpu.memory_space<hbm>>
    %dma_wait3A_66 = arith.constant 0 : i32
    %dma_wait3A_67 = tpu.memref_slice %arg4[%add3A_63, %dma_wait3A_66] : memref<819200x128xf32, #tpu.memory_space<hbm>> -> memref<128x128xf32, #tpu.memory_space<hbm>>
    tpu.wait_dma2 semaphore(%arg19 : memref<!tpu.dma_semaphore, #tpu.memory_space<semaphore_mem>>) src(%arg9 : memref<128x128xf32, #tpu.memory_space<vmem>>) dst(%dma_wait3A_67 : memref<128x128xf32, #tpu.memory_space<hbm>>)
    %add3A_68 = arith.constant 25472 : i32
    %add3A_69 = arith.addi %mul3A_2, %add3A_68 : i32
    %dma_wait3A_70 = arith.constant 0 : i32
    %dma_wait3A_71 = tpu.memref_slice %arg4[%add3A_69, %dma_wait3A_70] : memref<819200x128xf32, #tpu.memory_space<hbm>> -> memref<128x128xf32, #tpu.memory_space<hbm>>
    %dma_wait3A_72 = arith.constant 0 : i32
    %dma_wait3A_73 = tpu.memref_slice %arg4[%add3A_69, %dma_wait3A_72] : memref<819200x128xf32, #tpu.memory_space<hbm>> -> memref<128x128xf32, #tpu.memory_space<hbm>>
    tpu.wait_dma2 semaphore(%arg20 : memref<!tpu.dma_semaphore, #tpu.memory_space<semaphore_mem>>) src(%arg10 : memref<128x128xf32, #tpu.memory_space<vmem>>) dst(%dma_wait3A_73 : memref<128x128xf32, #tpu.memory_space<hbm>>)
    %barrier3A = arith.constant 0 : index
    tpu.barrier barrier_id(%barrier3A)
    return
  }
}

</mosaic_0001>

<sc_bundles>
// kernel: kernel.3.cloned.1.call-start
scs
__scs_entry_jumppad:
0x0: {  	(pc) =	sbr.rel $0x88, $3  }
0x1: {  	(tag) =	ssettag $0x0;
	lr =	simm.s32 $0x1  }
0x2: {  	[smem:$0x3F9F] =	sst lr;
	_ =	strace $0xD0000000  }
0x3: {  	_ = 	snop  }
0x4: {  	_ = 	snop  }
0x5: {  	_ = 	snop  }
0x6: {  	_ = 	snop  }
0x7: {  	_ = 	snop  }
__scs_overlays_trampoline_lowered:
0x8: {  	[smem:$0x3FAE] =	sst s0  }
0x9: {  	[smem:$0x3FAF] =	sst s1  }
0xa: {  	[smem:$0x3FB0] =	sst s2  }
0xb: {  	[smem:$0x3FB1] =	sst s3  }
0xc: {  	[smem:$0x3FB2] =	sst s4  }
0xd: {  	[smem:$0x3FB3] =	sst s5  }
0xe: {  	[smem:$0x3FB4] =	sst s6  }
0xf: {  	[smem:$0x3FB5] =	sst s7  }
0x10: {  	[smem:$0x3FB6] =	sst s8  }
0x11: {  	[smem:$0x3FB7] =	sst s9;
	s0 =	simm.s32 @!p0 $0x0  }
0x12: {  	s1 =	sld [smem:$0x3F9D];
	s0 =	simm.s32 @p0 $0x1  }
0x13: {  	[smem:$0x3FB8] =	sst s0;
	s0 =	simm.s32 @!p1 $0x0  }
0x14: {  	s2 =	sld [smem:$0x3F9C];
	s0 =	simm.s32 @p1 $0x1  }
0x15: {  	[smem:$0x3FB9] =	sst s0;
	s0 =	simm.s32 @!p2 $0x0  }
0x16: {  	s3 =	sld [smem:$0x3FDB];
	s0 =	simm.s32 @p2 $0x1  }
0x17: {  	s4 =	simm.s32 $0x1BF5;
	[smem:$0x3FBB] =	sst s0  }
0x18: {  	s0 =	sld [smem:$0x3F9E];
	_ =	swait.ge [sflag:s4], $0x0  }
0x19: {  	s7 =	sld [smem:$0x3F9F]  }
0x1a: {  	s8 =	sadd.s32 $0xFFFFE003, lr  }
0x1b: {  	s9 =	sadd.s32 $0xFFFFFEF7, lr;
	s5 =	simm.s32 $0xFFFFFFFF;
	p2 =	slt.u32 s8, $0xFFFFF086  }
0x1c: {  	p1 =	slt.u32 s9, $0xF7A;
	s5 =	simm.s32 @!p2 $0x0  }
0x1d: {  	s5 =	simm.s32 @p1 $0x1;
	p0 =	seq.s32 s7, s2  }
0x1e: {  	s7 =	smul.u32 @!p0 $0xF7A, s2;
	p2 =	seq.s32 @!p0 s5, $0x0  }
0x1f: {  	s9 =	smul.u32 $0xF7A, s1;
	s8 =	simm.s32 @!p0 $0x1BF5;
	p2 =	por !p2, p0  }
0x20: {  	[sflag:s8] =	ssyncset.s32 @!p0 $0xFFFFF086;
	s6 =	sadd.s32 @!p0 s3, s7;
	s7 =	simm.s32 @!p0 $0x108  }
0x21: {  	s3 =	sadd.s32 s3, s9;
	s6 =	sadd.s32 @!p0 $0x88, s6;
	s7 =	simm.s32 @p2 $0x1082  }
0x22: {  	[simem:s7], [sflag:s8] =	dma.local @!p0 [hbm:s6], $0xF7A  }
0x23: {  	s9 =	sor.u32 $0xD0000000, s2;
	s6 =	simm.s32 $0x108;
	_ =	swait.ge @!p0 [sflag:s8], $0x0  }
0x24: {  	s3 =	sadd.s32 $0x88, s3;
	s6 =	simm.s32 @!p1 $0x1082;
	[sflag:s4] =	ssyncset.s32 $0xFFFFF086  }
0x25: {  	[simem:s6], [sflag:s4] =	dma.local [hbm:s3], $0xF7A  }
0x26: {  	[smem:$0x3F9F] =	sst s1;
	(tag) =	ssettag s2;
	_ =	strace s9  }
0x27: {  	s1 =	sld [smem:$0x3FAF]  }
0x28: {  	s2 =	sld [smem:$0x3FB0]  }
0x29: {  	s4 =	sld [smem:$0x3FB2]  }
0x2a: {  	p0 =	seq.s32 s5, $0x0;
	s5 =	sld [smem:$0x3FB3]  }
0x2b: {  	s6 =	sld [smem:$0x3FB4]  }
0x2c: {  	s7 =	sld [smem:$0x3FB5]  }
0x2d: {  	s3 =	simm.s32 $0x108;
	s8 =	sld [smem:$0x3FB6]  }
0x2e: {  	s3 =	simm.s32 @!p0 $0x1082;
	s9 =	sld [smem:$0x3FB7]  }
0x2f: {  	lr =	sadd.s32 s0, s3;
	s0 =	sld [smem:$0x3FAE]  }
0x30: {  	s3 =	sld [smem:$0x3FB1]  }
0x31: {  	[smem:$0x3FBA] =	sst s10  }
0x32: {  	s10 =	sld [smem:$0x3FB8];
	_ =	sdelay $0x3  }
0x33: {  	p0 =	seq.s32 s10, $0x1;
	s10 =	sld [smem:$0x3FBA];
	_ =	sdelay $0x3  }
0x34: {  	[smem:$0x3FBA] =	sst s10  }
0x35: {  	s10 =	sld [smem:$0x3FB9];
	_ =	sdelay $0x3  }
0x36: {  	p1 =	seq.s32 s10, $0x1;
	s10 =	sld [smem:$0x3FBA];
	_ =	sdelay $0x3  }
0x37: {  	[smem:$0x3FBA] =	sst s10  }
0x38: {  	s10 =	sld [smem:$0x3FBB]  }
0x39: {  	_ = 	snop;
	(pc) =	sbr.ind lr, $3  }
0x3a: {  	_ = 	snop  }
0x3b: {  	_ = 	snop  }
0x3c: {  	p2 =	seq.s32 s10, $0x1;
	s10 =	sld [smem:$0x3FBA]  }
0x3d: {  	_ =	shalt  }
0x3e: {  	_ =	shalt  }
0x3f: {  	_ =	shalt  }
0x40: {  	_ =	shalt  }
0x41: {  	_ =	shalt  }
0x42: {  	_ =	shalt  }
0x43: {  	_ =	shalt  }
0x44: {  	_ =	shalt  }
0x45: {  	_ =	shalt  }
0x46: {  	_ =	shalt  }
0x47: {  	_ =	shalt  }
0x48: {  	_ =	shalt  }
0x49: {  	_ =	shalt  }
0x4a: {  	_ =	shalt  }
0x4b: {  	_ =	shalt  }
0x4c: {  	_ =	shalt  }
0x4d: {  	_ =	shalt  }
0x4e: {  	_ =	shalt  }
0x4f: {  	_ =	shalt  }
0x50: {  	_ =	shalt  }
0x51: {  	_ =	shalt  }
0x52: {  	_ =	shalt  }
0x53: {  	_ =	shalt  }
0x54: {  	_ =	shalt  }
0x55: {  	_ =	shalt  }
0x56: {  	_ =	shalt  }
0x57: {  	_ =	shalt  }
0x58: {  	_ =	shalt  }
0x59: {  	_ =	shalt  }
0x5a: {  	_ =	shalt  }
0x5b: {  	_ =	shalt  }
0x5c: {  	_ =	shalt  }
0x5d: {  	_ =	shalt  }
0x5e: {  	_ =	shalt  }
0x5f: {  	_ =	shalt  }
0x60: {  	_ =	shalt  }
0x61: {  	_ =	shalt  }
0x62: {  	_ =	shalt  }
0x63: {  	_ =	shalt  }
0x64: {  	_ =	shalt  }
0x65: {  	_ =	shalt  }
0x66: {  	_ =	shalt  }
0x67: {  	_ =	shalt  }
0x68: {  	_ =	shalt  }
0x69: {  	_ =	shalt  }
0x6a: {  	_ =	shalt  }
0x6b: {  	_ =	shalt  }
0x6c: {  	_ =	shalt  }
0x6d: {  	_ =	shalt  }
0x6e: {  	_ =	shalt  }
0x6f: {  	_ =	shalt  }
0x70: {  	_ =	shalt  }
0x71: {  	_ =	shalt  }
0x72: {  	_ =	shalt  }
0x73: {  	_ =	shalt  }
0x74: {  	_ =	shalt  }
0x75: {  	_ =	shalt  }
0x76: {  	_ =	shalt  }
0x77: {  	_ =	shalt  }
0x78: {  	_ =	shalt  }
0x79: {  	_ =	shalt  }
0x7a: {  	_ =	shalt  }
0x7b: {  	_ =	shalt  }
0x7c: {  	_ =	shalt  }
0x7d: {  	_ =	shalt  }
0x7e: {  	_ =	shalt  }
0x7f: {  	_ =	shalt  }
0x80: {  	_ =	shalt  }
0x81: {  	_ =	shalt  }
0x82: {  	_ =	shalt  }
0x83: {  	_ =	shalt  }
0x84: {  	_ =	shalt  }
0x85: {  	_ =	shalt  }
0x86: {  	_ =	shalt  }
0x87: {  	_ =	shalt  }
.Lfunc_end0:
.L_simem_size_0:
called_computation_lowered:
.L_overlay_start_0:
0x88: {  	s2 =	sld [smem:$0x3FD9]  }
0x89: {  	s3 =	sld [smem:$0x3FFE];
	_ =	sdelay $0x1  }
0x8a: {  	s1 =	srdreg.scid  }
0x8b: {  	s0 =	sand.u32 $0x1, s1  }
0x8c: {  	s17 =	sshll.u32 s0, $0xA;
	s2 =	sadd.s32 s3, s2  }
0x8d: {  	s2 =	sadd.s32 s2, s17  }
0x8e: {  	[smem:$0x3FC6] =	sst s2  }
0x8f: {  	_ = 	snop  }
0x90: {  	s2 =	sld [smem:$0x3FC8]  }
0x91: {  	s18 =	sld [smem:$0x3FD0];
	(tm) =	ssettm $0x1  }
0x92: {  	s4 =	sld [smem:$0x3FFB];
	_ =	sdelay $0x3  }
0x93: {  	_ =	strace s4  }
0x94: {  	s4 =	sld [smem:$0x3FFC];
	_ =	sdelay $0x3  }
0x95: {  	_ =	strace s4  }
0x96: {  	s4 =	sld [smem:$0x3FFD];
	_ =	sdelay $0x3  }
0x97: {  	_ =	strace s4  }
0x98: {  	_ =	strace $0x8FFFFFFF  }
0x99: {  	s19 =	sld [smem:$0x3FDB];
	_ =	sdelay $0x1  }
0x9a: {  	s5 =	simm.s32 $_scs_section_size  }
0x9b: {  	s6 =	simm.s32 $_size__tile_overlayer_lowered;
	s7 =	simm.s32 $_tile_overlayer_lowered  }
0x9c: {  	s22 =	simm.s32 $0x1BFF;
	s21 =	sshll.u32 s7, $0x1;
	s4 =	sadd.s32 s5, s19  }
0x9d: {  	s8 =	simm.s32 $0x0;
	s20 =	sshll.u32 s6, $0x1;
	s6 =	sadd.s32 s21, s4  }
0x9e: {  	[timem:s8], [sflag:s22] =	dma.local [hbm:s6], s20  }
0x9f: {  	_ =	swait.ge [sflag:s22], s20  }
0xa0: {  	s5 =	ssub.s32 $0x0, s20;
	[sflag:s22] =	ssyncset.done $0x0  }
0xa1: {  	[sflag:s22] =	ssyncadd.s32 s5;
	_ =	sdelay $0x1  }
0xa2: {  	s23 =	simm.s32 $0x1B8B  }
0xa3: {  	_ =	swait.ge [sflag:s23], $0x1  }
0xa4: {  	[sflag:s23] =	ssyncset.done $0x0  }
0xa5: {  	s25 =	simm.s32 $0x1B8E;
	s24 =	sld [smem:$0x3FFE];
	[sflag:s23] =	ssyncadd.s32 $0xFFFFFFFF  }
0xa6: {  	s26 =	simm.s32 $execute0_lowered;
	[smem:$0x3FD2] =	sst s25  }
0xa7: {  	s6 =	sshll.u32 s26, $0x1;
	_ =	strace $0x80000046;
	[dreg:$0x1] =	wrdreg $0xFFFFFFFF  }
0xa8: {  	s28 =	simm.s32 $_size_execute0_lowered;
	s4 =	sadd.s32 s4, s6;
	[dreg:$0x0] =	wrdreg $0x0  }
0xa9: {  	s6 =	sshll.u32 s28, $0x1;
	[dreg:$0x2] =	wrdreg s4  }
0xaa: {  	[dreg:$0x3] =	wrdreg s6  }
0xab: {  	[dreg:$0x4] =	wrdreg $0xC0  }
0xac: {  	_ =	task [dreg:s8], $0x5FFFF  }
0xad: {  	[dreg:$0x1] =	wrdreg $0xFFFFFFFF  }
0xae: {  	[dreg:$0x0] =	wrdreg $0x60  }
0xaf: {  	[dreg:$0x2] =	wrdreg s24  }
0xb0: {  	[dreg:$0x3] =	wrdreg s2  }
0xb1: {  	[dreg:$0x4] =	wrdreg s18  }
0xb2: {  	[dreg:$0x5] =	wrdreg $0x9  }
0xb3: {  	_ =	task.clear_ibuf [dreg:s8], $0x6FFFF;
	_ =	strace $0x90000046  }
0xb4: {  	s29 =	simm.s32 $0x9;
	_ =	strace $0x80000048  }
0xb5: {  	_ =	swait.ge [sflag:s29], $0x1  }
0xb6: {  	[sflag:s29] =	ssyncadd.s32 $0xFFFFFFFF  }
0xb7: {  	_ =	strace $0x90000048  }
0xb8: {  	_ =	sfence  }
0xb9: {  	s30 =	sld [smem:$0x0];
	_ =	sdelay $0x2  }
0xba: {  	s31 =	sshll.u32 s1, $0xD;
	s1 =	sshrl.u32 s1, $0x2  }
0xbb: {  	s3 =	sand.u32 $0x4000, s31;
	s1 =	sadd.s32 s1, s30  }
0xbc: {  	s0 =	sor.u32 s3, s0;
	s1 =	sshll.u32 s1, $0x11  }
0xbd: {  	s0 =	sor.u32 s1, s0  }
0xbe: {  	s0 =	sadd.s32 $0x8F2B, s0  }
0xbf: {  	[sflag:s0] =	ssyncadd.remote.s32 $0x1  }
0xc0: {  	_ =	sfence.sel $0xFFFF  }
0xc1: {  	[dreg:$0x0] =	wrdreg $0xFFFFFFFF;
	(pc) =	sbr.abs _section_cstart, $3  }
0xc2: {  	[dreg:$0x1] =	wrdreg $0xFFFFFFFF  }
0xc3: {  	_ =	task.clear_ibuf [dreg:s8], $0x2FFFF;
	_ =	strace $0x9FFFFFFF  }
0xc4: {  	(tm) =	ssettm $0x7FFFFFFF  }
0xc5: {  	_ =	shalt  }
tec
execute0_lowered:
.L_overlay_start_1:
0x0: {  	(tag) =	ssettag $0x1  }
0x1: {  	s0 =	rddreg [dreg:$0x0]  }
0x2: {  	s2 =	rddreg [dreg:$0x1];
	s1 =	srdreg.scid  }
0x3: {  	s4 =	stileid.u32;
	s3 =	rddreg [dreg:$0x2]  }
0x4: {  	s12 =	simm.s32 $0xB;
	s13 =	simm.s32 $0x80;
	s14 =	simm.s32 $0x6400  }
0x5: {  	s15 =	simm.s32 $0xA400;
	s17 =	simm.s32 $0xE400;
	s19 =	simm.s32 $0x12400  }
0x6: {  	s21 =	simm.s32 $0x16400;
	s22 =	simm.s32 $0x1;
	s23 =	simm.s32 $0x2  }
0x7: {  	s24 =	simm.s32 $0x3;
	s25 =	simm.s32 $0x4;
	s28 =	simm.s32 $0x6  }
0x8: {  	s29 =	simm.s32 $0x7;
	s1 =	sand.u32 $0x1, s1;
	s4 =	sshll.u32 s4, $0x1  }
0x9: {  	s30 =	simm.s32 $0x8;
	s31 =	simm.s32 $0x9;
	s5 =	sor.u32 s1, s4  }
0xa: {  	s4 =	simm.s32 $0x0;
	s1 =	ssub.s32 $0x2, s1;
	s6 =	smul.u32 $0xC80, s5  }
0xb: {  	[smem:$0x7FF] =	sst s4;
	s7 =	sshrl.u32 s1, $0x1;
	s5 =	smul.u32 $0x6400, s5  }
.Ltmp0:
0xc: {  	_ =	strace $0x80000047;
	s1 =	ssub.s32 s1, s7;
	(pc) =	sbr.rel .LBB2_1-.Ltmp0, $4  }
0xd: {  	s0 =	sadd.s32 s6, s0;
	s7 =	sor.u32 $0x80, s5;
	s8 =	sor.u32 $0x100, s5  }
0xe: {  	s9 =	sor.u32 $0x180, s5;
	s10 =	sor.u32 $0x200, s5;
	s26 =	smax.u32 s1, $0x1  }
0xf: {  	s1 =	simm.s32 $0xA;
	s0 =	sadd.s32 $0x400, s0;
	[dreg:$0x5] =	wrdreg s26  }
0x10: {  	s26 =	simm.s32 $0x5;
	[dreg:$0x4] =	wrdreg s0;
	s0 =	simm.s32 $0x0  }
.LBB2_14:
0x11: {  	_ =	swait.ge [sflag:s29], $0x4000  }
0x12: {  	[sflag:s29] =	ssyncset.done $0x0  }
0x13: {  	[sflag:s29] =	ssyncadd.s32 $0xFFFFC000  }
0x14: {  	_ =	swait.ge [sflag:s30], $0x4000  }
0x15: {  	[sflag:s30] =	ssyncset.done $0x0  }
0x16: {  	[sflag:s30] =	ssyncadd.s32 $0xFFFFC000  }
0x17: {  	_ =	swait.ge [sflag:s31], $0x4000  }
0x18: {  	[sflag:s31] =	ssyncset.done $0x0  }
0x19: {  	[sflag:s31] =	ssyncadd.s32 $0xFFFFC000  }
0x1a: {  	_ =	swait.ge [sflag:s1], $0x4000  }
0x1b: {  	s0 =	sadd.s32 $0x1, s0;
	s6 =	rddreg [dreg:$0x5]  }
0x1c: {  	p0 =	sne.s32 s0, s6  }
.Ltmp1:
0x1d: {  	_ = 	snop;
	(pc) =	sbr.rel @!p0 .LBB2_15-.Ltmp1, $3  }
0x1e: {  	[sflag:s1] =	ssyncset.done $0x0  }
0x1f: {  	[sflag:s1] =	ssyncadd.s32 $0xFFFFC000  }
0x20: {  	[bflag:$0x0] =	sbarrier.arrive $0xFFFF;
	_ =	sdelay $0x1  }
.LBB2_1:
0x21: {  	s6 =	rddreg [dreg:$0x4]  }
0x22: {  	[tilespmem:s4], [sflag:$0xB] =	stream.linear.gather [hbm4b:s6+s4], $0x6400, $0x38;
	[tilespmem:$0x1A400] =	vst v63  }
0x23: {  	_ =	swait.ge [sflag:s12], $0x6400  }
0x24: {  	[sflag:s12] =	ssyncset.done $0x0  }
0x25: {  	[sflag:s12] =	ssyncadd.s32 $0xFFFF9C00  }
0x26: {  	[tilespmem:s14], [sflag:$0x1] =	stream.indirect.gather [hbm4b:s2+s13], $0x80, s4, s13, $0xb8;
	[tilespmem:$0x1A400] =	vst v63  }
0x27: {  	_ = 	snop  }
0x28: {  	[tilespmem:s15], [sflag:$0x2] =	stream.indirect.gather [hbm4b:s2+s13], $0x80, s13, s13, $0xb8;
	[tilespmem:$0x1A400] =	vst v63  }
0x29: {  	s16 =	simm.s32 $0x100  }
0x2a: {  	[tilespmem:s17], [sflag:$0x3] =	stream.indirect.gather [hbm4b:s2+s13], $0x80, s16, s13, $0xb8;
	[tilespmem:$0x1A400] =	vst v63  }
0x2b: {  	s18 =	simm.s32 $0x180  }
0x2c: {  	[tilespmem:s19], [sflag:$0x4] =	stream.indirect.gather [hbm4b:s2+s13], $0x80, s18, s13, $0xb8;
	[tilespmem:$0x1A400] =	vst v63  }
0x2d: {  	s20 =	simm.s32 $0x200;
	s16 =	simm.s32 $0x0  }
0x2e: {  	[tilespmem:s21], [sflag:$0x5] =	stream.indirect.gather [hbm4b:s2+s13], $0x80, s20, s13, $0xb8;
	[tilespmem:$0x1A400] =	vst v63  }
.LBB2_2:
0x2f: {  	_ =	swait.ge [sflag:s22], $0x4000  }
0x30: {  	[sflag:s22] =	ssyncset.done $0x0  }
0x31: {  	s20 =	simm.s32 $0x6500;
	[sflag:s22] =	ssyncadd.s32 $0xFFFFC000  }
0x32: {  	v0 =	vld [tilespmem:s20+$0xFFFFFF00]  }
0x33: {  	v1 =	vld [tilespmem:s20+$0xFFFFFF10]  }
0x34: {  	v2 =	vld [tilespmem:s20+$0xFFFFFF20]  }
0x35: {  	v3 =	vld [tilespmem:s20+$0xFFFFFF30]  }
0x36: {  	v4 =	vld [tilespmem:s20+$0xFFFFFF40]  }
0x37: {  	v5 =	vld [tilespmem:s20+$0xFFFFFF50];
	v0 =	vmul.f32 $8.838834610e-02, v0  }
0x38: {  	v6 =	vld [tilespmem:s20+$0xFFFFFF60];
	v1 =	vmul.f32 $8.838834610e-02, v1  }
0x39: {  	[tilespmem:s20+$0xFFFFFF00] =	vst v0;
	v0 =	vmul.f32 $8.838834610e-02, v2;
	v2 =	vld [tilespmem:s20+$0xFFFFFF70]  }
0x3a: {  	[tilespmem:s20+$0xFFFFFF10] =	vst v1;
	v1 =	vmul.f32 $8.838834610e-02, v3;
	v3 =	vld [tilespmem:s20+$0xFFFFFF80]  }
0x3b: {  	[tilespmem:s20+$0xFFFFFF20] =	vst v0;
	v0 =	vmul.f32 $8.838834610e-02, v4;
	v4 =	vld [tilespmem:s20+$0xFFFFFF90]  }
0x3c: {  	[tilespmem:s20+$0xFFFFFF30] =	vst v1;
	v1 =	vmul.f32 $8.838834610e-02, v5;
	v5 =	vld [tilespmem:s20+$0xFFFFFFA0]  }
0x3d: {  	[tilespmem:s20+$0xFFFFFF40] =	vst v0;
	v0 =	vmul.f32 $8.838834610e-02, v6;
	v6 =	vld [tilespmem:s20+$0xFFFFFFB0]  }
0x3e: {  	[tilespmem:s20+$0xFFFFFF50] =	vst v1;
	v1 =	vmul.f32 $8.838834610e-02, v2;
	v2 =	vld [tilespmem:s20+$0xFFFFFFC0]  }
0x3f: {  	[tilespmem:s20+$0xFFFFFF60] =	vst v0;
	v0 =	vmul.f32 $8.838834610e-02, v3;
	v3 =	vld [tilespmem:s20+$0xFFFFFFD0]  }
0x40: {  	[tilespmem:s20+$0xFFFFFF70] =	vst v1;
	v1 =	vmul.f32 $8.838834610e-02, v4;
	v4 =	vld [tilespmem:s20+$0xFFFFFFE0]  }
0x41: {  	[tilespmem:s20+$0xFFFFFF80] =	vst v0;
	v0 =	vmul.f32 $8.838834610e-02, v5;
	v5 =	vld [tilespmem:s20+$0x0]  }
0x42: {  	[tilespmem:s20+$0xFFFFFF90] =	vst v1;
	v1 =	vmul.f32 $8.838834610e-02, v6;
	v6 =	vld [tilespmem:s20+$0x10]  }
0x43: {  	[tilespmem:s20+$0xFFFFFFA0] =	vst v0;
	v0 =	vmul.f32 $8.838834610e-02, v2;
	v2 =	vld [tilespmem:s20+$0x20]  }
0x44: {  	[tilespmem:s20+$0xFFFFFFB0] =	vst v1;
	v1 =	vmul.f32 $8.838834610e-02, v3;
	v3 =	vld [tilespmem:s20+$0x30]  }
0x45: {  	[tilespmem:s20+$0xFFFFFFC0] =	vst v0;
	v0 =	vmul.f32 $8.838834610e-02, v4;
	v4 =	vld [tilespmem:s20+$0x40]  }
0x46: {  	[tilespmem:s20+$0xFFFFFFD0] =	vst v1;
	v1 =	vmul.f32 $8.838834610e-02, v5;
	v5 =	vld [tilespmem:s20+$0x50]  }
0x47: {  	[tilespmem:s20+$0xFFFFFFE0] =	vst v0;
	v0 =	vmul.f32 $8.838834610e-02, v6;
	v6 =	vld [tilespmem:s20+$0x60]  }
0x48: {  	[tilespmem:s20+$0x0] =	vst v1;
	v1 =	vmul.f32 $8.838834610e-02, v2;
	v2 =	vld [tilespmem:s20+$0x70]  }
0x49: {  	[tilespmem:s20+$0x10] =	vst v0;
	v0 =	vmul.f32 $8.838834610e-02, v3;
	v3 =	vld [tilespmem:s20+$0x80]  }
0x4a: {  	[tilespmem:s20+$0x20] =	vst v1;
	v1 =	vmul.f32 $8.838834610e-02, v4;
	v4 =	vld [tilespmem:s20+$0x90]  }
0x4b: {  	[tilespmem:s20+$0x30] =	vst v0;
	v0 =	vmul.f32 $8.838834610e-02, v5;
	v5 =	vld [tilespmem:s20+$0xA0]  }
0x4c: {  	[tilespmem:s20+$0x40] =	vst v1;
	v1 =	vmul.f32 $8.838834610e-02, v6;
	v6 =	vld [tilespmem:s20+$0xB0]  }
0x4d: {  	[tilespmem:s20+$0x50] =	vst v0;
	v2 =	vmul.f32 $8.838834610e-02, v2;
	v0 =	vld [tilespmem:s20+$0xC0]  }
0x4e: {  	[tilespmem:s20+$0x60] =	vst v1;
	v7 =	vmul.f32 $8.838834610e-02, v3;
	v1 =	vld [tilespmem:s20+$0xD0]  }
0x4f: {  	v3 =	vld [tilespmem:s20+$0xE0];
	[tilespmem:s20+$0x70] =	vst v2;
	v8 =	vmul.f32 $8.838834610e-02, v4  }
0x50: {  	v2 =	vld [tilespmem:s20+$0xF0];
	[tilespmem:s20+$0x80] =	vst v7;
	v5 =	vmul.f32 $8.838834610e-02, v5  }
0x51: {  	s18 =	simm.s32 $0x0;
	s6 =	simm.s32 $0x6700;
	v4 =	vld [tilespmem:s20+$0xFFFFFFF0];
	[tilespmem:s20+$0x90] =	vst v8;
	v6 =	vmul.f32 $8.838834610e-02, v6  }
.LBB2_3:
0x52: {  	v7 =	vld [tilespmem:s6+$0xFFFFFF00];
	[tilespmem:s20+$0xA0] =	vst v5;
	v0 =	vmul.f32 $8.838834610e-02, v0  }
0x53: {  	v5 =	vld [tilespmem:s6+$0xFFFFFF10];
	[tilespmem:s20+$0xB0] =	vst v6;
	v1 =	vmul.f32 $8.838834610e-02, v1  }
0x54: {  	v6 =	vld [tilespmem:s6+$0xFFFFFF20];
	[tilespmem:s20+$0xC0] =	vst v0;
	v0 =	vmul.f32 $8.838834610e-02, v3  }
0x55: {  	v3 =	vld [tilespmem:s6+$0xFFFFFF30];
	[tilespmem:s20+$0xD0] =	vst v1;
	v1 =	vmul.f32 $8.838834610e-02, v2  }
0x56: {  	v2 =	vld [tilespmem:s6+$0xFFFFFF40];
	v4 =	vmul.f32 $8.838834610e-02, v4;
	[tilespmem:s20+$0xE0] =	vst v0  }
0x57: {  	v0 =	vmul.f32 $8.838834610e-02, v7;
	v7 =	vld [tilespmem:s6+$0xFFFFFF50];
	[tilespmem:s20+$0xF0] =	vst v1  }
0x58: {  	v1 =	vmul.f32 $8.838834610e-02, v5;
	v5 =	vld [tilespmem:s6+$0xFFFFFF60];
	[tilespmem:s20+$0xFFFFFFF0] =	vst v4;
	s20 =	smov.u32 s6  }
0x59: {  	[tilespmem:s6+$0xFFFFFF00] =	vst v0;
	v0 =	vmul.f32 $8.838834610e-02, v6;
	v4 =	vld [tilespmem:s6+$0xFFFFFF70]  }
0x5a: {  	[tilespmem:s6+$0xFFFFFF10] =	vst v1;
	v1 =	vmul.f32 $8.838834610e-02, v3;
	v3 =	vld [tilespmem:s6+$0xFFFFFF80]  }
0x5b: {  	[tilespmem:s6+$0xFFFFFF20] =	vst v0;
	v0 =	vmul.f32 $8.838834610e-02, v2;
	v2 =	vld [tilespmem:s6+$0xFFFFFF90]  }
0x5c: {  	[tilespmem:s6+$0xFFFFFF30] =	vst v1;
	v1 =	vmul.f32 $8.838834610e-02, v7;
	v6 =	vld [tilespmem:s6+$0xFFFFFFA0]  }
0x5d: {  	[tilespmem:s6+$0xFFFFFF40] =	vst v0;
	v0 =	vmul.f32 $8.838834610e-02, v5;
	v5 =	vld [tilespmem:s6+$0xFFFFFFB0]  }
0x5e: {  	[tilespmem:s6+$0xFFFFFF50] =	vst v1;
	v1 =	vmul.f32 $8.838834610e-02, v4;
	v4 =	vld [tilespmem:s6+$0xFFFFFFC0]  }
0x5f: {  	[tilespmem:s6+$0xFFFFFF60] =	vst v0;
	v0 =	vmul.f32 $8.838834610e-02, v3;
	v3 =	vld [tilespmem:s6+$0xFFFFFFD0]  }
0x60: {  	[tilespmem:s6+$0xFFFFFF70] =	vst v1;
	v1 =	vmul.f32 $8.838834610e-02, v2;
	v2 =	vld [tilespmem:s6+$0xFFFFFFE0]  }
0x61: {  	[tilespmem:s6+$0xFFFFFF80] =	vst v0;
	v0 =	vmul.f32 $8.838834610e-02, v6;
	v6 =	vld [tilespmem:s6+$0x0]  }
0x62: {  	[tilespmem:s6+$0xFFFFFF90] =	vst v1;
	v1 =	vmul.f32 $8.838834610e-02, v5;
	v5 =	vld [tilespmem:s6+$0x10]  }
0x63: {  	[tilespmem:s6+$0xFFFFFFA0] =	vst v0;
	v0 =	vmul.f32 $8.838834610e-02, v4;
	v4 =	vld [tilespmem:s6+$0x20]  }
0x64: {  	[tilespmem:s6+$0xFFFFFFB0] =	vst v1;
	v1 =	vmul.f32 $8.838834610e-02, v3;
	v3 =	vld [tilespmem:s6+$0x30]  }
0x65: {  	[tilespmem:s6+$0xFFFFFFC0] =	vst v0;
	v0 =	vmul.f32 $8.838834610e-02, v2;
	v2 =	vld [tilespmem:s6+$0x40]  }
0x66: {  	[tilespmem:s6+$0xFFFFFFD0] =	vst v1;
	v1 =	vmul.f32 $8.838834610e-02, v6;
	v6 =	vld [tilespmem:s6+$0x50]  }
0x67: {  	[tilespmem:s6+$0xFFFFFFE0] =	vst v0;
	v0 =	vmul.f32 $8.838834610e-02, v5;
	v5 =	vld [tilespmem:s6+$0x60]  }
0x68: {  	[tilespmem:s6+$0x0] =	vst v1;
	v1 =	vmul.f32 $8.838834610e-02, v4;
	v4 =	vld [tilespmem:s6+$0x70]  }
0x69: {  	[tilespmem:s6+$0x10] =	vst v0;
	v0 =	vmul.f32 $8.838834610e-02, v3;
	v3 =	vld [tilespmem:s6+$0x80]  }
0x6a: {  	[tilespmem:s6+$0x20] =	vst v1;
	v1 =	vmul.f32 $8.838834610e-02, v2;
	v2 =	vld [tilespmem:s6+$0x90]  }
0x6b: {  	s18 =	sadd.s32 $0x4, s18;
	[tilespmem:s6+$0x30] =	vst v0;
	v0 =	vmul.f32 $8.838834610e-02, v6;
	v6 =	vld [tilespmem:s6+$0xA0]  }
0x6c: {  	p0 =	slt.u32 s18, $0x7C;
	[tilespmem:s6+$0x40] =	vst v1;
	v1 =	vmul.f32 $8.838834610e-02, v5;
	v7 =	vld [tilespmem:s6+$0xB0]  }
.Ltmp2:
0x6d: {  	[tilespmem:s6+$0x50] =	vst v0;
	v4 =	vmul.f32 $8.838834610e-02, v4;
	v0 =	vld [tilespmem:s6+$0xC0];
	(pc) =	sbr.rel @p0 .LBB2_3-.Ltmp2, $4  }
0x6e: {  	[tilespmem:s6+$0x60] =	vst v1;
	v5 =	vmul.f32 $8.838834610e-02, v3;
	v1 =	vld [tilespmem:s6+$0xD0]  }
0x6f: {  	[tilespmem:s6+$0x70] =	vst v4;
	v8 =	vmul.f32 $8.838834610e-02, v2;
	v3 =	vld [tilespmem:s6+$0xE0]  }
0x70: {  	[tilespmem:s6+$0x80] =	vst v5;
	v5 =	vmul.f32 $8.838834610e-02, v6;
	v2 =	vld [tilespmem:s6+$0xF0]  }
0x71: {  	s6 =	sadd.s32 $0x200, s6;
	v4 =	vld [tilespmem:s20+$0xFFFFFFF0];
	[tilespmem:s20+$0x90] =	vst v8;
	v6 =	vmul.f32 $8.838834610e-02, v7  }
0x72: {  	[tilespmem:s20+$0xA0] =	vst v5;
	v0 =	vmul.f32 $8.838834610e-02, v0  }
0x73: {  	[tilespmem:s20+$0xB0] =	vst v6;
	v1 =	vmul.f32 $8.838834610e-02, v1  }
0x74: {  	s18 =	smul.u32 $0x280, s16;
	[tilespmem:s20+$0xC0] =	vst v0;
	v0 =	vmul.f32 $8.838834610e-02, v3  }
0x75: {  	[tilespmem:s20+$0xD0] =	vst v1;
	v1 =	vmul.f32 $8.838834610e-02, v2  }
0x76: {  	s6 =	sadd.s32 s5, s18;
	v2 =	vmul.f32 $8.838834610e-02, v4;
	[tilespmem:s20+$0xE0] =	vst v0  }
0x77: {  	s6 =	sshll.u32 s6, $0x4;
	[tilespmem:s20+$0xF0] =	vst v1  }
0x78: {  	s6 =	sadd.s32 s3, s6;
	[tilespmem:s20+$0xFFFFFFF0] =	vst v2  }
0x79: {  	[hbm4b:s6+s4] =	stream.linear.scatter [tilespmem:s14], [sflag:$0x6], $0x4000, $0x38;
	[tilespmem:$0x1A400] =	vst v63  }
0x7a: {  	_ =	swait.ge [sflag:s23], $0x4000  }
0x7b: {  	[sflag:s23] =	ssyncset.done $0x0  }
0x7c: {  	s20 =	simm.s32 $0xA500;
	[sflag:s23] =	ssyncadd.s32 $0xFFFFC000  }
0x7d: {  	v0 =	vld [tilespmem:s20+$0xFFFFFF00]  }
0x7e: {  	v1 =	vld [tilespmem:s20+$0xFFFFFF10]  }
0x7f: {  	v2 =	vld [tilespmem:s20+$0xFFFFFF20]  }
0x80: {  	v3 =	vld [tilespmem:s20+$0xFFFFFF30]  }
0x81: {  	v4 =	vld [tilespmem:s20+$0xFFFFFF40]  }
0x82: {  	v5 =	vld [tilespmem:s20+$0xFFFFFF50];
	v0 =	vmul.f32 $8.838834610e-02, v0  }
0x83: {  	v6 =	vld [tilespmem:s20+$0xFFFFFF60];
	v1 =	vmul.f32 $8.838834610e-02, v1  }
0x84: {  	[tilespmem:s20+$0xFFFFFF00] =	vst v0;
	v0 =	vmul.f32 $8.838834610e-02, v2;
	v2 =	vld [tilespmem:s20+$0xFFFFFF70]  }
0x85: {  	[tilespmem:s20+$0xFFFFFF10] =	vst v1;
	v1 =	vmul.f32 $8.838834610e-02, v3;
	v3 =	vld [tilespmem:s20+$0xFFFFFF80]  }
0x86: {  	[tilespmem:s20+$0xFFFFFF20] =	vst v0;
	v0 =	vmul.f32 $8.838834610e-02, v4;
	v4 =	vld [tilespmem:s20+$0xFFFFFF90]  }
0x87: {  	[tilespmem:s20+$0xFFFFFF30] =	vst v1;
	v1 =	vmul.f32 $8.838834610e-02, v5;
	v5 =	vld [tilespmem:s20+$0xFFFFFFA0]  }
0x88: {  	[tilespmem:s20+$0xFFFFFF40] =	vst v0;
	v0 =	vmul.f32 $8.838834610e-02, v6;
	v6 =	vld [tilespmem:s20+$0xFFFFFFB0]  }
0x89: {  	[tilespmem:s20+$0xFFFFFF50] =	vst v1;
	v1 =	vmul.f32 $8.838834610e-02, v2;
	v2 =	vld [tilespmem:s20+$0xFFFFFFC0]  }
0x8a: {  	[tilespmem:s20+$0xFFFFFF60] =	vst v0;
	v0 =	vmul.f32 $8.838834610e-02, v3;
	v3 =	vld [tilespmem:s20+$0xFFFFFFD0]  }
0x8b: {  	[tilespmem:s20+$0xFFFFFF70] =	vst v1;
	v1 =	vmul.f32 $8.838834610e-02, v4;
	v4 =	vld [tilespmem:s20+$0xFFFFFFE0]  }
0x8c: {  	[tilespmem:s20+$0xFFFFFF80] =	vst v0;
	v0 =	vmul.f32 $8.838834610e-02, v5;
	v5 =	vld [tilespmem:s20+$0x0]  }
0x8d: {  	[tilespmem:s20+$0xFFFFFF90] =	vst v1;
	v1 =	vmul.f32 $8.838834610e-02, v6;
	v6 =	vld [tilespmem:s20+$0x10]  }
0x8e: {  	[tilespmem:s20+$0xFFFFFFA0] =	vst v0;
	v0 =	vmul.f32 $8.838834610e-02, v2;
	v2 =	vld [tilespmem:s20+$0x20]  }
0x8f: {  	[tilespmem:s20+$0xFFFFFFB0] =	vst v1;
	v1 =	vmul.f32 $8.838834610e-02, v3;
	v3 =	vld [tilespmem:s20+$0x30]  }
0x90: {  	[tilespmem:s20+$0xFFFFFFC0] =	vst v0;
	v0 =	vmul.f32 $8.838834610e-02, v4;
	v4 =	vld [tilespmem:s20+$0x40]  }
0x91: {  	[tilespmem:s20+$0xFFFFFFD0] =	vst v1;
	v1 =	vmul.f32 $8.838834610e-02, v5;
	v5 =	vld [tilespmem:s20+$0x50]  }
0x92: {  	[tilespmem:s20+$0xFFFFFFE0] =	vst v0;
	v0 =	vmul.f32 $8.838834610e-02, v6;
	v6 =	vld [tilespmem:s20+$0x60]  }
0x93: {  	[tilespmem:s20+$0x0] =	vst v1;
	v1 =	vmul.f32 $8.838834610e-02, v2;
	v2 =	vld [tilespmem:s20+$0x70]  }
0x94: {  	[tilespmem:s20+$0x10] =	vst v0;
	v0 =	vmul.f32 $8.838834610e-02, v3;
	v3 =	vld [tilespmem:s20+$0x80]  }
0x95: {  	[tilespmem:s20+$0x20] =	vst v1;
	v1 =	vmul.f32 $8.838834610e-02, v4;
	v4 =	vld [tilespmem:s20+$0x90]  }
0x96: {  	[tilespmem:s20+$0x30] =	vst v0;
	v0 =	vmul.f32 $8.838834610e-02, v5;
	v5 =	vld [tilespmem:s20+$0xA0]  }
0x97: {  	[tilespmem:s20+$0x40] =	vst v1;
	v1 =	vmul.f32 $8.838834610e-02, v6;
	v6 =	vld [tilespmem:s20+$0xB0]  }
0x98: {  	[tilespmem:s20+$0x50] =	vst v0;
	v2 =	vmul.f32 $8.838834610e-02, v2;
	v0 =	vld [tilespmem:s20+$0xC0]  }
0x99: {  	[tilespmem:s20+$0x60] =	vst v1;
	v3 =	vmul.f32 $8.838834610e-02, v3;
	v1 =	vld [tilespmem:s20+$0xD0]  }
0x9a: {  	[tilespmem:s20+$0x70] =	vst v2;
	v7 =	vmul.f32 $8.838834610e-02, v4;
	v2 =	vld [tilespmem:s20+$0xE0]  }
0x9b: {  	[tilespmem:s20+$0x80] =	vst v3;
	v3 =	vld [tilespmem:s20+$0xF0];
	v5 =	vmul.f32 $8.838834610e-02, v5  }
0x9c: {  	s11 =	simm.s32 $0xA700;
	s6 =	simm.s32 $0x0;
	v4 =	vld [tilespmem:s20+$0xFFFFFFF0];
	[tilespmem:s20+$0x90] =	vst v7;
	v6 =	vmul.f32 $8.838834610e-02, v6  }
.LBB2_5:
0x9d: {  	v7 =	vld [tilespmem:s11+$0xFFFFFF00];
	[tilespmem:s20+$0xA0] =	vst v5;
	v0 =	vmul.f32 $8.838834610e-02, v0  }
0x9e: {  	v5 =	vld [tilespmem:s11+$0xFFFFFF10];
	[tilespmem:s20+$0xB0] =	vst v6;
	v1 =	vmul.f32 $8.838834610e-02, v1  }
0x9f: {  	v6 =	vld [tilespmem:s11+$0xFFFFFF20];
	[tilespmem:s20+$0xC0] =	vst v0;
	v0 =	vmul.f32 $8.838834610e-02, v2  }
0xa0: {  	v2 =	vld [tilespmem:s11+$0xFFFFFF30];
	[tilespmem:s20+$0xD0] =	vst v1;
	v1 =	vmul.f32 $8.838834610e-02, v3  }
0xa1: {  	v3 =	vld [tilespmem:s11+$0xFFFFFF40];
	v4 =	vmul.f32 $8.838834610e-02, v4;
	[tilespmem:s20+$0xE0] =	vst v0  }
0xa2: {  	v0 =	vmul.f32 $8.838834610e-02, v7;
	v7 =	vld [tilespmem:s11+$0xFFFFFF50];
	[tilespmem:s20+$0xF0] =	vst v1  }
0xa3: {  	v1 =	vmul.f32 $8.838834610e-02, v5;
	v5 =	vld [tilespmem:s11+$0xFFFFFF60];
	[tilespmem:s20+$0xFFFFFFF0] =	vst v4;
	s20 =	smov.u32 s11  }
0xa4: {  	[tilespmem:s11+$0xFFFFFF00] =	vst v0;
	v0 =	vmul.f32 $8.838834610e-02, v6;
	v4 =	vld [tilespmem:s11+$0xFFFFFF70]  }
0xa5: {  	[tilespmem:s11+$0xFFFFFF10] =	vst v1;
	v1 =	vmul.f32 $8.838834610e-02, v2;
	v2 =	vld [tilespmem:s11+$0xFFFFFF80]  }
0xa6: {  	[tilespmem:s11+$0xFFFFFF20] =	vst v0;
	v0 =	vmul.f32 $8.838834610e-02, v3;
	v3 =	vld [tilespmem:s11+$0xFFFFFF90]  }
0xa7: {  	[tilespmem:s11+$0xFFFFFF30] =	vst v1;
	v1 =	vmul.f32 $8.838834610e-02, v7;
	v6 =	vld [tilespmem:s11+$0xFFFFFFA0]  }
0xa8: {  	[tilespmem:s11+$0xFFFFFF40] =	vst v0;
	v0 =	vmul.f32 $8.838834610e-02, v5;
	v5 =	vld [tilespmem:s11+$0xFFFFFFB0]  }
0xa9: {  	[tilespmem:s11+$0xFFFFFF50] =	vst v1;
	v1 =	vmul.f32 $8.838834610e-02, v4;
	v4 =	vld [tilespmem:s11+$0xFFFFFFC0]  }
0xaa: {  	[tilespmem:s11+$0xFFFFFF60] =	vst v0;
	v0 =	vmul.f32 $8.838834610e-02, v2;
	v2 =	vld [tilespmem:s11+$0xFFFFFFD0]  }
0xab: {  	[tilespmem:s11+$0xFFFFFF70] =	vst v1;
	v1 =	vmul.f32 $8.838834610e-02, v3;
	v3 =	vld [tilespmem:s11+$0xFFFFFFE0]  }
0xac: {  	[tilespmem:s11+$0xFFFFFF80] =	vst v0;
	v0 =	vmul.f32 $8.838834610e-02, v6;
	v6 =	vld [tilespmem:s11+$0x0]  }
0xad: {  	[tilespmem:s11+$0xFFFFFF90] =	vst v1;
	v1 =	vmul.f32 $8.838834610e-02, v5;
	v5 =	vld [tilespmem:s11+$0x10]  }
0xae: {  	[tilespmem:s11+$0xFFFFFFA0] =	vst v0;
	v0 =	vmul.f32 $8.838834610e-02, v4;
	v4 =	vld [tilespmem:s11+$0x20]  }
0xaf: {  	[tilespmem:s11+$0xFFFFFFB0] =	vst v1;
	v1 =	vmul.f32 $8.838834610e-02, v2;
	v2 =	vld [tilespmem:s11+$0x30]  }
0xb0: {  	[tilespmem:s11+$0xFFFFFFC0] =	vst v0;
	v0 =	vmul.f32 $8.838834610e-02, v3;
	v3 =	vld [tilespmem:s11+$0x40]  }
0xb1: {  	[tilespmem:s11+$0xFFFFFFD0] =	vst v1;
	v1 =	vmul.f32 $8.838834610e-02, v6;
	v6 =	vld [tilespmem:s11+$0x50]  }
0xb2: {  	[tilespmem:s11+$0xFFFFFFE0] =	vst v0;
	v0 =	vmul.f32 $8.838834610e-02, v5;
	v5 =	vld [tilespmem:s11+$0x60]  }
0xb3: {  	[tilespmem:s11+$0x0] =	vst v1;
	v1 =	vmul.f32 $8.838834610e-02, v4;
	v4 =	vld [tilespmem:s11+$0x70]  }
0xb4: {  	[tilespmem:s11+$0x10] =	vst v0;
	v0 =	vmul.f32 $8.838834610e-02, v2;
	v2 =	vld [tilespmem:s11+$0x80]  }
0xb5: {  	[tilespmem:s11+$0x20] =	vst v1;
	v1 =	vmul.f32 $8.838834610e-02, v3;
	v3 =	vld [tilespmem:s11+$0x90]  }
0xb6: {  	s6 =	sadd.s32 $0x4, s6;
	[tilespmem:s11+$0x30] =	vst v0;
	v0 =	vmul.f32 $8.838834610e-02, v6;
	v6 =	vld [tilespmem:s11+$0xA0]  }
0xb7: {  	p0 =	slt.u32 s6, $0x7C;
	[tilespmem:s11+$0x40] =	vst v1;
	v1 =	vmul.f32 $8.838834610e-02, v5;
	v7 =	vld [tilespmem:s11+$0xB0]  }
.Ltmp3:
0xb8: {  	[tilespmem:s11+$0x50] =	vst v0;
	v4 =	vmul.f32 $8.838834610e-02, v4;
	v0 =	vld [tilespmem:s11+$0xC0];
	(pc) =	sbr.rel @p0 .LBB2_5-.Ltmp3, $4  }
0xb9: {  	[tilespmem:s11+$0x60] =	vst v1;
	v5 =	vmul.f32 $8.838834610e-02, v2;
	v1 =	vld [tilespmem:s11+$0xD0]  }
0xba: {  	[tilespmem:s11+$0x70] =	vst v4;
	v8 =	vmul.f32 $8.838834610e-02, v3;
	v2 =	vld [tilespmem:s11+$0xE0]  }
0xbb: {  	[tilespmem:s11+$0x80] =	vst v5;
	v5 =	vmul.f32 $8.838834610e-02, v6;
	v3 =	vld [tilespmem:s11+$0xF0]  }
0xbc: {  	s11 =	sadd.s32 $0x200, s11;
	v4 =	vld [tilespmem:s20+$0xFFFFFFF0];
	[tilespmem:s20+$0x90] =	vst v8;
	v6 =	vmul.f32 $8.838834610e-02, v7  }
0xbd: {  	[tilespmem:s20+$0xA0] =	vst v5;
	v0 =	vmul.f32 $8.838834610e-02, v0  }
0xbe: {  	[tilespmem:s20+$0xB0] =	vst v6;
	v1 =	vmul.f32 $8.838834610e-02, v1  }
0xbf: {  	[tilespmem:s20+$0xC0] =	vst v0;
	v0 =	vmul.f32 $8.838834610e-02, v2  }
0xc0: {  	[tilespmem:s20+$0xD0] =	vst v1;
	v1 =	vmul.f32 $8.838834610e-02, v3  }
0xc1: {  	s6 =	sadd.s32 s18, s7;
	v2 =	vmul.f32 $8.838834610e-02, v4;
	[tilespmem:s20+$0xE0] =	vst v0  }
0xc2: {  	s6 =	sshll.u32 s6, $0x4;
	[tilespmem:s20+$0xF0] =	vst v1  }
0xc3: {  	s6 =	sadd.s32 s3, s6;
	[tilespmem:s20+$0xFFFFFFF0] =	vst v2  }
0xc4: {  	[hbm4b:s6+s4] =	stream.linear.scatter [tilespmem:s15], [sflag:$0x7], $0x4000, $0x38;
	[tilespmem:$0x1A400] =	vst v63  }
0xc5: {  	_ =	swait.ge [sflag:s24], $0x4000  }
0xc6: {  	[sflag:s24] =	ssyncset.done $0x0  }
0xc7: {  	s20 =	simm.s32 $0xE500;
	[sflag:s24] =	ssyncadd.s32 $0xFFFFC000  }
0xc8: {  	v0 =	vld [tilespmem:s20+$0xFFFFFF00]  }
0xc9: {  	v1 =	vld [tilespmem:s20+$0xFFFFFF10]  }
0xca: {  	v2 =	vld [tilespmem:s20+$0xFFFFFF20]  }
0xcb: {  	v3 =	vld [tilespmem:s20+$0xFFFFFF30]  }
0xcc: {  	v4 =	vld [tilespmem:s20+$0xFFFFFF40]  }
0xcd: {  	v5 =	vld [tilespmem:s20+$0xFFFFFF50];
	v0 =	vmul.f32 $8.838834610e-02, v0  }
0xce: {  	v6 =	vld [tilespmem:s20+$0xFFFFFF60];
	v1 =	vmul.f32 $8.838834610e-02, v1  }
0xcf: {  	[tilespmem:s20+$0xFFFFFF00] =	vst v0;
	v0 =	vmul.f32 $8.838834610e-02, v2;
	v2 =	vld [tilespmem:s20+$0xFFFFFF70]  }
0xd0: {  	[tilespmem:s20+$0xFFFFFF10] =	vst v1;
	v1 =	vmul.f32 $8.838834610e-02, v3;
	v3 =	vld [tilespmem:s20+$0xFFFFFF80]  }
0xd1: {  	[tilespmem:s20+$0xFFFFFF20] =	vst v0;
	v0 =	vmul.f32 $8.838834610e-02, v4;
	v4 =	vld [tilespmem:s20+$0xFFFFFF90]  }
0xd2: {  	[tilespmem:s20+$0xFFFFFF30] =	vst v1;
	v1 =	vmul.f32 $8.838834610e-02, v5;
	v5 =	vld [tilespmem:s20+$0xFFFFFFA0]  }
0xd3: {  	[tilespmem:s20+$0xFFFFFF40] =	vst v0;
	v0 =	vmul.f32 $8.838834610e-02, v6;
	v6 =	vld [tilespmem:s20+$0xFFFFFFB0]  }
0xd4: {  	[tilespmem:s20+$0xFFFFFF50] =	vst v1;
	v1 =	vmul.f32 $8.838834610e-02, v2;
	v2 =	vld [tilespmem:s20+$0xFFFFFFC0]  }
0xd5: {  	[tilespmem:s20+$0xFFFFFF60] =	vst v0;
	v0 =	vmul.f32 $8.838834610e-02, v3;
	v3 =	vld [tilespmem:s20+$0xFFFFFFD0]  }
0xd6: {  	[tilespmem:s20+$0xFFFFFF70] =	vst v1;
	v1 =	vmul.f32 $8.838834610e-02, v4;
	v4 =	vld [tilespmem:s20+$0xFFFFFFE0]  }
0xd7: {  	[tilespmem:s20+$0xFFFFFF80] =	vst v0;
	v0 =	vmul.f32 $8.838834610e-02, v5;
	v5 =	vld [tilespmem:s20+$0x0]  }
0xd8: {  	[tilespmem:s20+$0xFFFFFF90] =	vst v1;
	v1 =	vmul.f32 $8.838834610e-02, v6;
	v6 =	vld [tilespmem:s20+$0x10]  }
0xd9: {  	[tilespmem:s20+$0xFFFFFFA0] =	vst v0;
	v0 =	vmul.f32 $8.838834610e-02, v2;
	v2 =	vld [tilespmem:s20+$0x20]  }
0xda: {  	[tilespmem:s20+$0xFFFFFFB0] =	vst v1;
	v1 =	vmul.f32 $8.838834610e-02, v3;
	v3 =	vld [tilespmem:s20+$0x30]  }
0xdb: {  	[tilespmem:s20+$0xFFFFFFC0] =	vst v0;
	v0 =	vmul.f32 $8.838834610e-02, v4;
	v4 =	vld [tilespmem:s20+$0x40]  }
0xdc: {  	[tilespmem:s20+$0xFFFFFFD0] =	vst v1;
	v1 =	vmul.f32 $8.838834610e-02, v5;
	v5 =	vld [tilespmem:s20+$0x50]  }
0xdd: {  	[tilespmem:s20+$0xFFFFFFE0] =	vst v0;
	v0 =	vmul.f32 $8.838834610e-02, v6;
	v6 =	vld [tilespmem:s20+$0x60]  }
0xde: {  	[tilespmem:s20+$0x0] =	vst v1;
	v1 =	vmul.f32 $8.838834610e-02, v2;
	v2 =	vld [tilespmem:s20+$0x70]  }
0xdf: {  	[tilespmem:s20+$0x10] =	vst v0;
	v0 =	vmul.f32 $8.838834610e-02, v3;
	v3 =	vld [tilespmem:s20+$0x80]  }
0xe0: {  	[tilespmem:s20+$0x20] =	vst v1;
	v1 =	vmul.f32 $8.838834610e-02, v4;
	v4 =	vld [tilespmem:s20+$0x90]  }
0xe1: {  	[tilespmem:s20+$0x30] =	vst v0;
	v0 =	vmul.f32 $8.838834610e-02, v5;
	v5 =	vld [tilespmem:s20+$0xA0]  }
0xe2: {  	[tilespmem:s20+$0x40] =	vst v1;
	v1 =	vmul.f32 $8.838834610e-02, v6;
	v6 =	vld [tilespmem:s20+$0xB0]  }
0xe3: {  	[tilespmem:s20+$0x50] =	vst v0;
	v2 =	vmul.f32 $8.838834610e-02, v2;
	v0 =	vld [tilespmem:s20+$0xC0]  }
0xe4: {  	[tilespmem:s20+$0x60] =	vst v1;
	v3 =	vmul.f32 $8.838834610e-02, v3;
	v1 =	vld [tilespmem:s20+$0xD0]  }
0xe5: {  	[tilespmem:s20+$0x70] =	vst v2;
	v7 =	vmul.f32 $8.838834610e-02, v4;
	v2 =	vld [tilespmem:s20+$0xE0]  }
0xe6: {  	[tilespmem:s20+$0x80] =	vst v3;
	v3 =	vld [tilespmem:s20+$0xF0];
	v5 =	vmul.f32 $8.838834610e-02, v5  }
0xe7: {  	s11 =	simm.s32 $0xE700;
	s6 =	simm.s32 $0x0;
	v4 =	vld [tilespmem:s20+$0xFFFFFFF0];
	[tilespmem:s20+$0x90] =	vst v7;
	v6 =	vmul.f32 $8.838834610e-02, v6  }
.LBB2_7:
0xe8: {  	v7 =	vld [tilespmem:s11+$0xFFFFFF00];
	[tilespmem:s20+$0xA0] =	vst v5;
	v0 =	vmul.f32 $8.838834610e-02, v0  }
0xe9: {  	v5 =	vld [tilespmem:s11+$0xFFFFFF10];
	[tilespmem:s20+$0xB0] =	vst v6;
	v1 =	vmul.f32 $8.838834610e-02, v1  }
0xea: {  	v6 =	vld [tilespmem:s11+$0xFFFFFF20];
	[tilespmem:s20+$0xC0] =	vst v0;
	v0 =	vmul.f32 $8.838834610e-02, v2  }
0xeb: {  	v2 =	vld [tilespmem:s11+$0xFFFFFF30];
	[tilespmem:s20+$0xD0] =	vst v1;
	v1 =	vmul.f32 $8.838834610e-02, v3  }
0xec: {  	v3 =	vld [tilespmem:s11+$0xFFFFFF40];
	v4 =	vmul.f32 $8.838834610e-02, v4;
	[tilespmem:s20+$0xE0] =	vst v0  }
0xed: {  	v0 =	vmul.f32 $8.838834610e-02, v7;
	v7 =	vld [tilespmem:s11+$0xFFFFFF50];
	[tilespmem:s20+$0xF0] =	vst v1  }
0xee: {  	v1 =	vmul.f32 $8.838834610e-02, v5;
	v5 =	vld [tilespmem:s11+$0xFFFFFF60];
	[tilespmem:s20+$0xFFFFFFF0] =	vst v4;
	s20 =	smov.u32 s11  }
0xef: {  	[tilespmem:s11+$0xFFFFFF00] =	vst v0;
	v0 =	vmul.f32 $8.838834610e-02, v6;
	v4 =	vld [tilespmem:s11+$0xFFFFFF70]  }
0xf0: {  	[tilespmem:s11+$0xFFFFFF10] =	vst v1;
	v1 =	vmul.f32 $8.838834610e-02, v2;
	v2 =	vld [tilespmem:s11+$0xFFFFFF80]  }
0xf1: {  	[tilespmem:s11+$0xFFFFFF20] =	vst v0;
	v0 =	vmul.f32 $8.838834610e-02, v3;
	v3 =	vld [tilespmem:s11+$0xFFFFFF90]  }
0xf2: {  	[tilespmem:s11+$0xFFFFFF30] =	vst v1;
	v1 =	vmul.f32 $8.838834610e-02, v7;
	v6 =	vld [tilespmem:s11+$0xFFFFFFA0]  }
0xf3: {  	[tilespmem:s11+$0xFFFFFF40] =	vst v0;
	v0 =	vmul.f32 $8.838834610e-02, v5;
	v5 =	vld [tilespmem:s11+$0xFFFFFFB0]  }
0xf4: {  	[tilespmem:s11+$0xFFFFFF50] =	vst v1;
	v1 =	vmul.f32 $8.838834610e-02, v4;
	v4 =	vld [tilespmem:s11+$0xFFFFFFC0]  }
0xf5: {  	[tilespmem:s11+$0xFFFFFF60] =	vst v0;
	v0 =	vmul.f32 $8.838834610e-02, v2;
	v2 =	vld [tilespmem:s11+$0xFFFFFFD0]  }
0xf6: {  	[tilespmem:s11+$0xFFFFFF70] =	vst v1;
	v1 =	vmul.f32 $8.838834610e-02, v3;
	v3 =	vld [tilespmem:s11+$0xFFFFFFE0]  }
0xf7: {  	[tilespmem:s11+$0xFFFFFF80] =	vst v0;
	v0 =	vmul.f32 $8.838834610e-02, v6;
	v6 =	vld [tilespmem:s11+$0x0]  }
0xf8: {  	[tilespmem:s11+$0xFFFFFF90] =	vst v1;
	v1 =	vmul.f32 $8.838834610e-02, v5;
	v5 =	vld [tilespmem:s11+$0x10]  }
0xf9: {  	[tilespmem:s11+$0xFFFFFFA0] =	vst v0;
	v0 =	vmul.f32 $8.838834610e-02, v4;
	v4 =	vld [tilespmem:s11+$0x20]  }
0xfa: {  	[tilespmem:s11+$0xFFFFFFB0] =	vst v1;
	v1 =	vmul.f32 $8.838834610e-02, v2;
	v2 =	vld [tilespmem:s11+$0x30]  }
0xfb: {  	[tilespmem:s11+$0xFFFFFFC0] =	vst v0;
	v0 =	vmul.f32 $8.838834610e-02, v3;
	v3 =	vld [tilespmem:s11+$0x40]  }
0xfc: {  	[tilespmem:s11+$0xFFFFFFD0] =	vst v1;
	v1 =	vmul.f32 $8.838834610e-02, v6;
	v6 =	vld [tilespmem:s11+$0x50]  }
0xfd: {  	[tilespmem:s11+$0xFFFFFFE0] =	vst v0;
	v0 =	vmul.f32 $8.838834610e-02, v5;
	v5 =	vld [tilespmem:s11+$0x60]  }
0xfe: {  	[tilespmem:s11+$0x0] =	vst v1;
	v1 =	vmul.f32 $8.838834610e-02, v4;
	v4 =	vld [tilespmem:s11+$0x70]  }
0xff: {  	[tilespmem:s11+$0x10] =	vst v0;
	v0 =	vmul.f32 $8.838834610e-02, v2;
	v2 =	vld [tilespmem:s11+$0x80]  }
0x100: {  	[tilespmem:s11+$0x20] =	vst v1;
	v1 =	vmul.f32 $8.838834610e-02, v3;
	v3 =	vld [tilespmem:s11+$0x90]  }
0x101: {  	s6 =	sadd.s32 $0x4, s6;
	[tilespmem:s11+$0x30] =	vst v0;
	v0 =	vmul.f32 $8.838834610e-02, v6;
	v6 =	vld [tilespmem:s11+$0xA0]  }
0x102: {  	p0 =	slt.u32 s6, $0x7C;
	[tilespmem:s11+$0x40] =	vst v1;
	v1 =	vmul.f32 $8.838834610e-02, v5;
	v7 =	vld [tilespmem:s11+$0xB0]  }
.Ltmp4:
0x103: {  	[tilespmem:s11+$0x50] =	vst v0;
	v4 =	vmul.f32 $8.838834610e-02, v4;
	v0 =	vld [tilespmem:s11+$0xC0];
	(pc) =	sbr.rel @p0 .LBB2_7-.Ltmp4, $4  }
0x104: {  	[tilespmem:s11+$0x60] =	vst v1;
	v5 =	vmul.f32 $8.838834610e-02, v2;
	v1 =	vld [tilespmem:s11+$0xD0]  }
0x105: {  	[tilespmem:s11+$0x70] =	vst v4;
	v8 =	vmul.f32 $8.838834610e-02, v3;
	v2 =	vld [tilespmem:s11+$0xE0]  }
0x106: {  	[tilespmem:s11+$0x80] =	vst v5;
	v5 =	vmul.f32 $8.838834610e-02, v6;
	v3 =	vld [tilespmem:s11+$0xF0]  }
0x107: {  	s11 =	sadd.s32 $0x200, s11;
	v4 =	vld [tilespmem:s20+$0xFFFFFFF0];
	[tilespmem:s20+$0x90] =	vst v8;
	v6 =	vmul.f32 $8.838834610e-02, v7  }
0x108: {  	[tilespmem:s20+$0xA0] =	vst v5;
	v0 =	vmul.f32 $8.838834610e-02, v0  }
0x109: {  	[tilespmem:s20+$0xB0] =	vst v6;
	v1 =	vmul.f32 $8.838834610e-02, v1  }
0x10a: {  	[tilespmem:s20+$0xC0] =	vst v0;
	v0 =	vmul.f32 $8.838834610e-02, v2  }
0x10b: {  	[tilespmem:s20+$0xD0] =	vst v1;
	v1 =	vmul.f32 $8.838834610e-02, v3  }
0x10c: {  	s6 =	sadd.s32 s18, s8;
	v2 =	vmul.f32 $8.838834610e-02, v4;
	[tilespmem:s20+$0xE0] =	vst v0  }
0x10d: {  	s6 =	sshll.u32 s6, $0x4;
	[tilespmem:s20+$0xF0] =	vst v1  }
0x10e: {  	s6 =	sadd.s32 s3, s6;
	[tilespmem:s20+$0xFFFFFFF0] =	vst v2  }
0x10f: {  	[hbm4b:s6+s4] =	stream.linear.scatter [tilespmem:s17], [sflag:$0x8], $0x4000, $0x38;
	[tilespmem:$0x1A400] =	vst v63  }
0x110: {  	_ =	swait.ge [sflag:s25], $0x4000  }
0x111: {  	[sflag:s25] =	ssyncset.done $0x0  }
0x112: {  	s20 =	simm.s32 $0x12500;
	[sflag:s25] =	ssyncadd.s32 $0xFFFFC000  }
0x113: {  	v0 =	vld [tilespmem:s20+$0xFFFFFF00]  }
0x114: {  	v1 =	vld [tilespmem:s20+$0xFFFFFF10]  }
0x115: {  	v2 =	vld [tilespmem:s20+$0xFFFFFF20]  }
0x116: {  	v3 =	vld [tilespmem:s20+$0xFFFFFF30]  }
0x117: {  	v4 =	vld [tilespmem:s20+$0xFFFFFF40]  }
0x118: {  	v5 =	vld [tilespmem:s20+$0xFFFFFF50];
	v0 =	vmul.f32 $8.838834610e-02, v0  }
0x119: {  	v6 =	vld [tilespmem:s20+$0xFFFFFF60];
	v1 =	vmul.f32 $8.838834610e-02, v1  }
0x11a: {  	[tilespmem:s20+$0xFFFFFF00] =	vst v0;
	v0 =	vmul.f32 $8.838834610e-02, v2;
	v2 =	vld [tilespmem:s20+$0xFFFFFF70]  }
0x11b: {  	[tilespmem:s20+$0xFFFFFF10] =	vst v1;
	v1 =	vmul.f32 $8.838834610e-02, v3;
	v3 =	vld [tilespmem:s20+$0xFFFFFF80]  }
0x11c: {  	[tilespmem:s20+$0xFFFFFF20] =	vst v0;
	v0 =	vmul.f32 $8.838834610e-02, v4;
	v4 =	vld [tilespmem:s20+$0xFFFFFF90]  }
0x11d: {  	[tilespmem:s20+$0xFFFFFF30] =	vst v1;
	v1 =	vmul.f32 $8.838834610e-02, v5;
	v5 =	vld [tilespmem:s20+$0xFFFFFFA0]  }
0x11e: {  	[tilespmem:s20+$0xFFFFFF40] =	vst v0;
	v0 =	vmul.f32 $8.838834610e-02, v6;
	v6 =	vld [tilespmem:s20+$0xFFFFFFB0]  }
0x11f: {  	[tilespmem:s20+$0xFFFFFF50] =	vst v1;
	v1 =	vmul.f32 $8.838834610e-02, v2;
	v2 =	vld [tilespmem:s20+$0xFFFFFFC0]  }
0x120: {  	[tilespmem:s20+$0xFFFFFF60] =	vst v0;
	v0 =	vmul.f32 $8.838834610e-02, v3;
	v3 =	vld [tilespmem:s20+$0xFFFFFFD0]  }
0x121: {  	[tilespmem:s20+$0xFFFFFF70] =	vst v1;
	v1 =	vmul.f32 $8.838834610e-02, v4;
	v4 =	vld [tilespmem:s20+$0xFFFFFFE0]  }
0x122: {  	[tilespmem:s20+$0xFFFFFF80] =	vst v0;
	v0 =	vmul.f32 $8.838834610e-02, v5;
	v5 =	vld [tilespmem:s20+$0x0]  }
0x123: {  	[tilespmem:s20+$0xFFFFFF90] =	vst v1;
	v1 =	vmul.f32 $8.838834610e-02, v6;
	v6 =	vld [tilespmem:s20+$0x10]  }
0x124: {  	[tilespmem:s20+$0xFFFFFFA0] =	vst v0;
	v0 =	vmul.f32 $8.838834610e-02, v2;
	v2 =	vld [tilespmem:s20+$0x20]  }
0x125: {  	[tilespmem:s20+$0xFFFFFFB0] =	vst v1;
	v1 =	vmul.f32 $8.838834610e-02, v3;
	v3 =	vld [tilespmem:s20+$0x30]  }
0x126: {  	[tilespmem:s20+$0xFFFFFFC0] =	vst v0;
	v0 =	vmul.f32 $8.838834610e-02, v4;
	v4 =	vld [tilespmem:s20+$0x40]  }
0x127: {  	[tilespmem:s20+$0xFFFFFFD0] =	vst v1;
	v1 =	vmul.f32 $8.838834610e-02, v5;
	v5 =	vld [tilespmem:s20+$0x50]  }
0x128: {  	[tilespmem:s20+$0xFFFFFFE0] =	vst v0;
	v0 =	vmul.f32 $8.838834610e-02, v6;
	v6 =	vld [tilespmem:s20+$0x60]  }
0x129: {  	[tilespmem:s20+$0x0] =	vst v1;
	v1 =	vmul.f32 $8.838834610e-02, v2;
	v2 =	vld [tilespmem:s20+$0x70]  }
0x12a: {  	[tilespmem:s20+$0x10] =	vst v0;
	v0 =	vmul.f32 $8.838834610e-02, v3;
	v3 =	vld [tilespmem:s20+$0x80]  }
0x12b: {  	[tilespmem:s20+$0x20] =	vst v1;
	v1 =	vmul.f32 $8.838834610e-02, v4;
	v4 =	vld [tilespmem:s20+$0x90]  }
0x12c: {  	[tilespmem:s20+$0x30] =	vst v0;
	v0 =	vmul.f32 $8.838834610e-02, v5;
	v5 =	vld [tilespmem:s20+$0xA0]  }
0x12d: {  	[tilespmem:s20+$0x40] =	vst v1;
	v1 =	vmul.f32 $8.838834610e-02, v6;
	v6 =	vld [tilespmem:s20+$0xB0]  }
0x12e: {  	[tilespmem:s20+$0x50] =	vst v0;
	v2 =	vmul.f32 $8.838834610e-02, v2;
	v0 =	vld [tilespmem:s20+$0xC0]  }
0x12f: {  	[tilespmem:s20+$0x60] =	vst v1;
	v3 =	vmul.f32 $8.838834610e-02, v3;
	v1 =	vld [tilespmem:s20+$0xD0]  }
0x130: {  	[tilespmem:s20+$0x70] =	vst v2;
	v7 =	vmul.f32 $8.838834610e-02, v4;
	v2 =	vld [tilespmem:s20+$0xE0]  }
0x131: {  	[tilespmem:s20+$0x80] =	vst v3;
	v3 =	vld [tilespmem:s20+$0xF0];
	v5 =	vmul.f32 $8.838834610e-02, v5  }
0x132: {  	s11 =	simm.s32 $0x12700;
	s6 =	simm.s32 $0x0;
	v4 =	vld [tilespmem:s20+$0xFFFFFFF0];
	[tilespmem:s20+$0x90] =	vst v7;
	v6 =	vmul.f32 $8.838834610e-02, v6  }
.LBB2_9:
0x133: {  	v7 =	vld [tilespmem:s11+$0xFFFFFF00];
	[tilespmem:s20+$0xA0] =	vst v5;
	v0 =	vmul.f32 $8.838834610e-02, v0  }
0x134: {  	v5 =	vld [tilespmem:s11+$0xFFFFFF10];
	[tilespmem:s20+$0xB0] =	vst v6;
	v1 =	vmul.f32 $8.838834610e-02, v1  }
0x135: {  	v6 =	vld [tilespmem:s11+$0xFFFFFF20];
	[tilespmem:s20+$0xC0] =	vst v0;
	v0 =	vmul.f32 $8.838834610e-02, v2  }
0x136: {  	v2 =	vld [tilespmem:s11+$0xFFFFFF30];
	[tilespmem:s20+$0xD0] =	vst v1;
	v1 =	vmul.f32 $8.838834610e-02, v3  }
0x137: {  	v3 =	vld [tilespmem:s11+$0xFFFFFF40];
	v4 =	vmul.f32 $8.838834610e-02, v4;
	[tilespmem:s20+$0xE0] =	vst v0  }
0x138: {  	v0 =	vmul.f32 $8.838834610e-02, v7;
	v7 =	vld [tilespmem:s11+$0xFFFFFF50];
	[tilespmem:s20+$0xF0] =	vst v1  }
0x139: {  	v1 =	vmul.f32 $8.838834610e-02, v5;
	v5 =	vld [tilespmem:s11+$0xFFFFFF60];
	[tilespmem:s20+$0xFFFFFFF0] =	vst v4;
	s20 =	smov.u32 s11  }
0x13a: {  	[tilespmem:s11+$0xFFFFFF00] =	vst v0;
	v0 =	vmul.f32 $8.838834610e-02, v6;
	v4 =	vld [tilespmem:s11+$0xFFFFFF70]  }
0x13b: {  	[tilespmem:s11+$0xFFFFFF10] =	vst v1;
	v1 =	vmul.f32 $8.838834610e-02, v2;
	v2 =	vld [tilespmem:s11+$0xFFFFFF80]  }
0x13c: {  	[tilespmem:s11+$0xFFFFFF20] =	vst v0;
	v0 =	vmul.f32 $8.838834610e-02, v3;
	v3 =	vld [tilespmem:s11+$0xFFFFFF90]  }
0x13d: {  	[tilespmem:s11+$0xFFFFFF30] =	vst v1;
	v1 =	vmul.f32 $8.838834610e-02, v7;
	v6 =	vld [tilespmem:s11+$0xFFFFFFA0]  }
0x13e: {  	[tilespmem:s11+$0xFFFFFF40] =	vst v0;
	v0 =	vmul.f32 $8.838834610e-02, v5;
	v5 =	vld [tilespmem:s11+$0xFFFFFFB0]  }
0x13f: {  	[tilespmem:s11+$0xFFFFFF50] =	vst v1;
	v1 =	vmul.f32 $8.838834610e-02, v4;
	v4 =	vld [tilespmem:s11+$0xFFFFFFC0]  }
0x140: {  	[tilespmem:s11+$0xFFFFFF60] =	vst v0;
	v0 =	vmul.f32 $8.838834610e-02, v2;
	v2 =	vld [tilespmem:s11+$0xFFFFFFD0]  }
0x141: {  	[tilespmem:s11+$0xFFFFFF70] =	vst v1;
	v1 =	vmul.f32 $8.838834610e-02, v3;
	v3 =	vld [tilespmem:s11+$0xFFFFFFE0]  }
0x142: {  	[tilespmem:s11+$0xFFFFFF80] =	vst v0;
	v0 =	vmul.f32 $8.838834610e-02, v6;
	v6 =	vld [tilespmem:s11+$0x0]  }
0x143: {  	[tilespmem:s11+$0xFFFFFF90] =	vst v1;
	v1 =	vmul.f32 $8.838834610e-02, v5;
	v5 =	vld [tilespmem:s11+$0x10]  }
0x144: {  	[tilespmem:s11+$0xFFFFFFA0] =	vst v0;
	v0 =	vmul.f32 $8.838834610e-02, v4;
	v4 =	vld [tilespmem:s11+$0x20]  }
0x145: {  	[tilespmem:s11+$0xFFFFFFB0] =	vst v1;
	v1 =	vmul.f32 $8.838834610e-02, v2;
	v2 =	vld [tilespmem:s11+$0x30]  }
0x146: {  	[tilespmem:s11+$0xFFFFFFC0] =	vst v0;
	v0 =	vmul.f32 $8.838834610e-02, v3;
	v3 =	vld [tilespmem:s11+$0x40]  }
0x147: {  	[tilespmem:s11+$0xFFFFFFD0] =	vst v1;
	v1 =	vmul.f32 $8.838834610e-02, v6;
	v6 =	vld [tilespmem:s11+$0x50]  }
0x148: {  	[tilespmem:s11+$0xFFFFFFE0] =	vst v0;
	v0 =	vmul.f32 $8.838834610e-02, v5;
	v5 =	vld [tilespmem:s11+$0x60]  }
0x149: {  	[tilespmem:s11+$0x0] =	vst v1;
	v1 =	vmul.f32 $8.838834610e-02, v4;
	v4 =	vld [tilespmem:s11+$0x70]  }
0x14a: {  	[tilespmem:s11+$0x10] =	vst v0;
	v0 =	vmul.f32 $8.838834610e-02, v2;
	v2 =	vld [tilespmem:s11+$0x80]  }
0x14b: {  	[tilespmem:s11+$0x20] =	vst v1;
	v1 =	vmul.f32 $8.838834610e-02, v3;
	v3 =	vld [tilespmem:s11+$0x90]  }
0x14c: {  	s6 =	sadd.s32 $0x4, s6;
	[tilespmem:s11+$0x30] =	vst v0;
	v0 =	vmul.f32 $8.838834610e-02, v6;
	v6 =	vld [tilespmem:s11+$0xA0]  }
0x14d: {  	p0 =	slt.u32 s6, $0x7C;
	[tilespmem:s11+$0x40] =	vst v1;
	v1 =	vmul.f32 $8.838834610e-02, v5;
	v7 =	vld [tilespmem:s11+$0xB0]  }
.Ltmp5:
0x14e: {  	[tilespmem:s11+$0x50] =	vst v0;
	v4 =	vmul.f32 $8.838834610e-02, v4;
	v0 =	vld [tilespmem:s11+$0xC0];
	(pc) =	sbr.rel @p0 .LBB2_9-.Ltmp5, $4  }
0x14f: {  	[tilespmem:s11+$0x60] =	vst v1;
	v5 =	vmul.f32 $8.838834610e-02, v2;
	v1 =	vld [tilespmem:s11+$0xD0]  }
0x150: {  	[tilespmem:s11+$0x70] =	vst v4;
	v8 =	vmul.f32 $8.838834610e-02, v3;
	v2 =	vld [tilespmem:s11+$0xE0]  }
0x151: {  	[tilespmem:s11+$0x80] =	vst v5;
	v5 =	vmul.f32 $8.838834610e-02, v6;
	v3 =	vld [tilespmem:s11+$0xF0]  }
0x152: {  	s11 =	sadd.s32 $0x200, s11;
	v4 =	vld [tilespmem:s20+$0xFFFFFFF0];
	[tilespmem:s20+$0x90] =	vst v8;
	v6 =	vmul.f32 $8.838834610e-02, v7  }
0x153: {  	[tilespmem:s20+$0xA0] =	vst v5;
	v0 =	vmul.f32 $8.838834610e-02, v0  }
0x154: {  	[tilespmem:s20+$0xB0] =	vst v6;
	v1 =	vmul.f32 $8.838834610e-02, v1  }
0x155: {  	[tilespmem:s20+$0xC0] =	vst v0;
	v0 =	vmul.f32 $8.838834610e-02, v2  }
0x156: {  	[tilespmem:s20+$0xD0] =	vst v1;
	v1 =	vmul.f32 $8.838834610e-02, v3  }
0x157: {  	s6 =	sadd.s32 s18, s9;
	v2 =	vmul.f32 $8.838834610e-02, v4;
	[tilespmem:s20+$0xE0] =	vst v0  }
0x158: {  	s6 =	sshll.u32 s6, $0x4;
	[tilespmem:s20+$0xF0] =	vst v1  }
0x159: {  	s6 =	sadd.s32 s3, s6;
	[tilespmem:s20+$0xFFFFFFF0] =	vst v2  }
0x15a: {  	[hbm4b:s6+s4] =	stream.linear.scatter [tilespmem:s19], [sflag:$0x9], $0x4000, $0x38;
	[tilespmem:$0x1A400] =	vst v63  }
0x15b: {  	_ =	swait.ge [sflag:s26], $0x4000  }
0x15c: {  	[sflag:s26] =	ssyncset.done $0x0  }
0x15d: {  	s20 =	simm.s32 $0x16500;
	[sflag:s26] =	ssyncadd.s32 $0xFFFFC000  }
0x15e: {  	v0 =	vld [tilespmem:s20+$0xFFFFFF00]  }
0x15f: {  	v1 =	vld [tilespmem:s20+$0xFFFFFF10]  }
0x160: {  	v2 =	vld [tilespmem:s20+$0xFFFFFF20]  }
0x161: {  	v3 =	vld [tilespmem:s20+$0xFFFFFF30]  }
0x162: {  	v4 =	vld [tilespmem:s20+$0xFFFFFF40]  }
0x163: {  	v5 =	vld [tilespmem:s20+$0xFFFFFF50];
	v0 =	vmul.f32 $8.838834610e-02, v0  }
0x164: {  	v6 =	vld [tilespmem:s20+$0xFFFFFF60];
	v1 =	vmul.f32 $8.838834610e-02, v1  }
0x165: {  	[tilespmem:s20+$0xFFFFFF00] =	vst v0;
	v0 =	vmul.f32 $8.838834610e-02, v2;
	v2 =	vld [tilespmem:s20+$0xFFFFFF70]  }
0x166: {  	[tilespmem:s20+$0xFFFFFF10] =	vst v1;
	v1 =	vmul.f32 $8.838834610e-02, v3;
	v3 =	vld [tilespmem:s20+$0xFFFFFF80]  }
0x167: {  	[tilespmem:s20+$0xFFFFFF20] =	vst v0;
	v0 =	vmul.f32 $8.838834610e-02, v4;
	v4 =	vld [tilespmem:s20+$0xFFFFFF90]  }
0x168: {  	[tilespmem:s20+$0xFFFFFF30] =	vst v1;
	v1 =	vmul.f32 $8.838834610e-02, v5;
	v5 =	vld [tilespmem:s20+$0xFFFFFFA0]  }
0x169: {  	[tilespmem:s20+$0xFFFFFF40] =	vst v0;
	v0 =	vmul.f32 $8.838834610e-02, v6;
	v6 =	vld [tilespmem:s20+$0xFFFFFFB0]  }
0x16a: {  	[tilespmem:s20+$0xFFFFFF50] =	vst v1;
	v1 =	vmul.f32 $8.838834610e-02, v2;
	v2 =	vld [tilespmem:s20+$0xFFFFFFC0]  }
0x16b: {  	[tilespmem:s20+$0xFFFFFF60] =	vst v0;
	v0 =	vmul.f32 $8.838834610e-02, v3;
	v3 =	vld [tilespmem:s20+$0xFFFFFFD0]  }
0x16c: {  	[tilespmem:s20+$0xFFFFFF70] =	vst v1;
	v1 =	vmul.f32 $8.838834610e-02, v4;
	v4 =	vld [tilespmem:s20+$0xFFFFFFE0]  }
0x16d: {  	[tilespmem:s20+$0xFFFFFF80] =	vst v0;
	v0 =	vmul.f32 $8.838834610e-02, v5;
	v5 =	vld [tilespmem:s20+$0x0]  }
0x16e: {  	[tilespmem:s20+$0xFFFFFF90] =	vst v1;
	v1 =	vmul.f32 $8.838834610e-02, v6;
	v6 =	vld [tilespmem:s20+$0x10]  }
0x16f: {  	[tilespmem:s20+$0xFFFFFFA0] =	vst v0;
	v0 =	vmul.f32 $8.838834610e-02, v2;
	v2 =	vld [tilespmem:s20+$0x20]  }
0x170: {  	[tilespmem:s20+$0xFFFFFFB0] =	vst v1;
	v1 =	vmul.f32 $8.838834610e-02, v3;
	v3 =	vld [tilespmem:s20+$0x30]  }
0x171: {  	[tilespmem:s20+$0xFFFFFFC0] =	vst v0;
	v0 =	vmul.f32 $8.838834610e-02, v4;
	v4 =	vld [tilespmem:s20+$0x40]  }
0x172: {  	[tilespmem:s20+$0xFFFFFFD0] =	vst v1;
	v1 =	vmul.f32 $8.838834610e-02, v5;
	v5 =	vld [tilespmem:s20+$0x50]  }
0x173: {  	[tilespmem:s20+$0xFFFFFFE0] =	vst v0;
	v0 =	vmul.f32 $8.838834610e-02, v6;
	v6 =	vld [tilespmem:s20+$0x60]  }
0x174: {  	[tilespmem:s20+$0x0] =	vst v1;
	v1 =	vmul.f32 $8.838834610e-02, v2;
	v2 =	vld [tilespmem:s20+$0x70]  }
0x175: {  	[tilespmem:s20+$0x10] =	vst v0;
	v0 =	vmul.f32 $8.838834610e-02, v3;
	v3 =	vld [tilespmem:s20+$0x80]  }
0x176: {  	[tilespmem:s20+$0x20] =	vst v1;
	v1 =	vmul.f32 $8.838834610e-02, v4;
	v4 =	vld [tilespmem:s20+$0x90]  }
0x177: {  	[tilespmem:s20+$0x30] =	vst v0;
	v0 =	vmul.f32 $8.838834610e-02, v5;
	v5 =	vld [tilespmem:s20+$0xA0]  }
0x178: {  	[tilespmem:s20+$0x40] =	vst v1;
	v1 =	vmul.f32 $8.838834610e-02, v6;
	v6 =	vld [tilespmem:s20+$0xB0]  }
0x179: {  	[tilespmem:s20+$0x50] =	vst v0;
	v2 =	vmul.f32 $8.838834610e-02, v2;
	v0 =	vld [tilespmem:s20+$0xC0]  }
0x17a: {  	[tilespmem:s20+$0x60] =	vst v1;
	v3 =	vmul.f32 $8.838834610e-02, v3;
	v1 =	vld [tilespmem:s20+$0xD0]  }
0x17b: {  	[tilespmem:s20+$0x70] =	vst v2;
	v7 =	vmul.f32 $8.838834610e-02, v4;
	v2 =	vld [tilespmem:s20+$0xE0]  }
0x17c: {  	[tilespmem:s20+$0x80] =	vst v3;
	v3 =	vld [tilespmem:s20+$0xF0];
	v5 =	vmul.f32 $8.838834610e-02, v5  }
0x17d: {  	s11 =	simm.s32 $0x16700;
	s6 =	simm.s32 $0x0;
	v4 =	vld [tilespmem:s20+$0xFFFFFFF0];
	[tilespmem:s20+$0x90] =	vst v7;
	v6 =	vmul.f32 $8.838834610e-02, v6  }
.LBB2_11:
0x17e: {  	v7 =	vld [tilespmem:s11+$0xFFFFFF00];
	[tilespmem:s20+$0xA0] =	vst v5;
	v0 =	vmul.f32 $8.838834610e-02, v0  }
0x17f: {  	v5 =	vld [tilespmem:s11+$0xFFFFFF10];
	[tilespmem:s20+$0xB0] =	vst v6;
	v1 =	vmul.f32 $8.838834610e-02, v1  }
0x180: {  	v6 =	vld [tilespmem:s11+$0xFFFFFF20];
	[tilespmem:s20+$0xC0] =	vst v0;
	v0 =	vmul.f32 $8.838834610e-02, v2  }
0x181: {  	v2 =	vld [tilespmem:s11+$0xFFFFFF30];
	[tilespmem:s20+$0xD0] =	vst v1;
	v1 =	vmul.f32 $8.838834610e-02, v3  }
0x182: {  	v3 =	vld [tilespmem:s11+$0xFFFFFF40];
	v4 =	vmul.f32 $8.838834610e-02, v4;
	[tilespmem:s20+$0xE0] =	vst v0  }
0x183: {  	v0 =	vmul.f32 $8.838834610e-02, v7;
	v7 =	vld [tilespmem:s11+$0xFFFFFF50];
	[tilespmem:s20+$0xF0] =	vst v1  }
0x184: {  	v1 =	vmul.f32 $8.838834610e-02, v5;
	v5 =	vld [tilespmem:s11+$0xFFFFFF60];
	[tilespmem:s20+$0xFFFFFFF0] =	vst v4;
	s20 =	smov.u32 s11  }
0x185: {  	[tilespmem:s11+$0xFFFFFF00] =	vst v0;
	v0 =	vmul.f32 $8.838834610e-02, v6;
	v4 =	vld [tilespmem:s11+$0xFFFFFF70]  }
0x186: {  	[tilespmem:s11+$0xFFFFFF10] =	vst v1;
	v1 =	vmul.f32 $8.838834610e-02, v2;
	v2 =	vld [tilespmem:s11+$0xFFFFFF80]  }
0x187: {  	[tilespmem:s11+$0xFFFFFF20] =	vst v0;
	v0 =	vmul.f32 $8.838834610e-02, v3;
	v3 =	vld [tilespmem:s11+$0xFFFFFF90]  }
0x188: {  	[tilespmem:s11+$0xFFFFFF30] =	vst v1;
	v1 =	vmul.f32 $8.838834610e-02, v7;
	v6 =	vld [tilespmem:s11+$0xFFFFFFA0]  }
0x189: {  	[tilespmem:s11+$0xFFFFFF40] =	vst v0;
	v0 =	vmul.f32 $8.838834610e-02, v5;
	v5 =	vld [tilespmem:s11+$0xFFFFFFB0]  }
0x18a: {  	[tilespmem:s11+$0xFFFFFF50] =	vst v1;
	v1 =	vmul.f32 $8.838834610e-02, v4;
	v4 =	vld [tilespmem:s11+$0xFFFFFFC0]  }
0x18b: {  	[tilespmem:s11+$0xFFFFFF60] =	vst v0;
	v0 =	vmul.f32 $8.838834610e-02, v2;
	v2 =	vld [tilespmem:s11+$0xFFFFFFD0]  }
0x18c: {  	[tilespmem:s11+$0xFFFFFF70] =	vst v1;
	v1 =	vmul.f32 $8.838834610e-02, v3;
	v3 =	vld [tilespmem:s11+$0xFFFFFFE0]  }
0x18d: {  	[tilespmem:s11+$0xFFFFFF80] =	vst v0;
	v0 =	vmul.f32 $8.838834610e-02, v6;
	v6 =	vld [tilespmem:s11+$0x0]  }
0x18e: {  	[tilespmem:s11+$0xFFFFFF90] =	vst v1;
	v1 =	vmul.f32 $8.838834610e-02, v5;
	v5 =	vld [tilespmem:s11+$0x10]  }
0x18f: {  	[tilespmem:s11+$0xFFFFFFA0] =	vst v0;
	v0 =	vmul.f32 $8.838834610e-02, v4;
	v4 =	vld [tilespmem:s11+$0x20]  }
0x190: {  	[tilespmem:s11+$0xFFFFFFB0] =	vst v1;
	v1 =	vmul.f32 $8.838834610e-02, v2;
	v2 =	vld [tilespmem:s11+$0x30]  }
0x191: {  	[tilespmem:s11+$0xFFFFFFC0] =	vst v0;
	v0 =	vmul.f32 $8.838834610e-02, v3;
	v3 =	vld [tilespmem:s11+$0x40]  }
0x192: {  	[tilespmem:s11+$0xFFFFFFD0] =	vst v1;
	v1 =	vmul.f32 $8.838834610e-02, v6;
	v6 =	vld [tilespmem:s11+$0x50]  }
0x193: {  	[tilespmem:s11+$0xFFFFFFE0] =	vst v0;
	v0 =	vmul.f32 $8.838834610e-02, v5;
	v5 =	vld [tilespmem:s11+$0x60]  }
0x194: {  	[tilespmem:s11+$0x0] =	vst v1;
	v1 =	vmul.f32 $8.838834610e-02, v4;
	v4 =	vld [tilespmem:s11+$0x70]  }
0x195: {  	[tilespmem:s11+$0x10] =	vst v0;
	v0 =	vmul.f32 $8.838834610e-02, v2;
	v2 =	vld [tilespmem:s11+$0x80]  }
0x196: {  	[tilespmem:s11+$0x20] =	vst v1;
	v1 =	vmul.f32 $8.838834610e-02, v3;
	v3 =	vld [tilespmem:s11+$0x90]  }
0x197: {  	s6 =	sadd.s32 $0x4, s6;
	[tilespmem:s11+$0x30] =	vst v0;
	v0 =	vmul.f32 $8.838834610e-02, v6;
	v6 =	vld [tilespmem:s11+$0xA0]  }
0x198: {  	p0 =	slt.u32 s6, $0x7C;
	[tilespmem:s11+$0x40] =	vst v1;
	v1 =	vmul.f32 $8.838834610e-02, v5;
	v7 =	vld [tilespmem:s11+$0xB0]  }
.Ltmp6:
0x199: {  	[tilespmem:s11+$0x50] =	vst v0;
	v4 =	vmul.f32 $8.838834610e-02, v4;
	v0 =	vld [tilespmem:s11+$0xC0];
	(pc) =	sbr.rel @p0 .LBB2_11-.Ltmp6, $4  }
0x19a: {  	[tilespmem:s11+$0x60] =	vst v1;
	v5 =	vmul.f32 $8.838834610e-02, v2;
	v1 =	vld [tilespmem:s11+$0xD0]  }
0x19b: {  	[tilespmem:s11+$0x70] =	vst v4;
	v8 =	vmul.f32 $8.838834610e-02, v3;
	v2 =	vld [tilespmem:s11+$0xE0]  }
0x19c: {  	[tilespmem:s11+$0x80] =	vst v5;
	v5 =	vmul.f32 $8.838834610e-02, v6;
	v3 =	vld [tilespmem:s11+$0xF0]  }
0x19d: {  	s11 =	sadd.s32 $0x200, s11;
	v4 =	vld [tilespmem:s20+$0xFFFFFFF0];
	[tilespmem:s20+$0x90] =	vst v8;
	v6 =	vmul.f32 $8.838834610e-02, v7  }
0x19e: {  	[tilespmem:s20+$0xA0] =	vst v5;
	v0 =	vmul.f32 $8.838834610e-02, v0  }
0x19f: {  	[tilespmem:s20+$0xB0] =	vst v6;
	v1 =	vmul.f32 $8.838834610e-02, v1  }
0x1a0: {  	[tilespmem:s20+$0xC0] =	vst v0;
	v61 =	vmul.f32 $8.838834610e-02, v2  }
0x1a1: {  	[tilespmem:s20+$0xD0] =	vst v1;
	v62 =	vmul.f32 $8.838834610e-02, v3  }
0x1a2: {  	s6 =	sadd.s32 s18, s10;
	v63 =	vmul.f32 $8.838834610e-02, v4;
	[tilespmem:s20+$0xE0] =	vst v61  }
0x1a3: {  	p0 =	seq.s32 s16, $0x27;
	s6 =	sshll.u32 s6, $0x4;
	[tilespmem:s20+$0xF0] =	vst v62  }
.Ltmp7:
0x1a4: {  	s6 =	sadd.s32 s3, s6;
	[tilespmem:s20+$0xFFFFFFF0] =	vst v63;
	(pc) =	sbr.rel @p0 .LBB2_14-.Ltmp7, $4  }
0x1a5: {  	[hbm4b:s6+s4] =	stream.linear.scatter [tilespmem:s21], [sflag:$0xA], $0x4000, $0x38;
	[tilespmem:$0x1A400] =	vst v63  }
0x1a6: {  	_ =	swait.ge [sflag:s28], $0x4000  }
0x1a7: {  	[sflag:s28] =	ssyncset.done $0x0  }
0x1a8: {  	[sflag:s28] =	ssyncadd.s32 $0xFFFFC000  }
0x1a9: {  	s6 =	smul.u32 $0xA00, s16;
	_ =	sdelay $0x1  }
0x1aa: {  	s6 =	sshra.s32 s6, $0x2  }
0x1ab: {  	s11 =	sadd.s32 $0x280, s6  }
0x1ac: {  	[tilespmem:s14], [sflag:$0x1] =	stream.indirect.gather [hbm4b:s2+s13], $0x80, s11, s13, $0xb8;
	[tilespmem:$0x1A400] =	vst v63  }
0x1ad: {  	_ =	swait.ge [sflag:s29], $0x4000  }
0x1ae: {  	[sflag:s29] =	ssyncset.done $0x0  }
0x1af: {  	s20 =	sadd.s32 $0x300, s6;
	[sflag:s29] =	ssyncadd.s32 $0xFFFFC000  }
0x1b0: {  	[tilespmem:s15], [sflag:$0x2] =	stream.indirect.gather [hbm4b:s2+s13], $0x80, s20, s13, $0xb8;
	[tilespmem:$0x1A400] =	vst v63  }
0x1b1: {  	_ =	swait.ge [sflag:s30], $0x4000  }
0x1b2: {  	[sflag:s30] =	ssyncset.done $0x0  }
0x1b3: {  	s18 =	sadd.s32 $0x380, s6;
	[sflag:s30] =	ssyncadd.s32 $0xFFFFC000  }
0x1b4: {  	[tilespmem:s17], [sflag:$0x3] =	stream.indirect.gather [hbm4b:s2+s13], $0x80, s18, s13, $0xb8;
	[tilespmem:$0x1A400] =	vst v63  }
0x1b5: {  	_ =	swait.ge [sflag:s31], $0x4000  }
0x1b6: {  	[sflag:s31] =	ssyncset.done $0x0  }
0x1b7: {  	s20 =	sadd.s32 $0x400, s6;
	[sflag:s31] =	ssyncadd.s32 $0xFFFFC000  }
0x1b8: {  	[tilespmem:s19], [sflag:$0x4] =	stream.indirect.gather [hbm4b:s2+s13], $0x80, s20, s13, $0xb8;
	[tilespmem:$0x1A400] =	vst v63  }
.Ltmp8:
0x1b9: {  	_ = 	snop;
	(pc) =	sbr.rel .LBB2_2-.Ltmp8, $4  }
0x1ba: {  	_ =	swait.ge [sflag:s1], $0x4000  }
0x1bb: {  	[sflag:s1] =	ssyncset.done $0x0  }
0x1bc: {  	s16 =	sadd.s32 $0x1, s16;
	s6 =	sadd.s32 $0x480, s6;
	[sflag:s1] =	ssyncadd.s32 $0xFFFFC000  }
0x1bd: {  	[tilespmem:s21], [sflag:$0x5] =	stream.indirect.gather [hbm4b:s2+s13], $0x80, s6, s13, $0xb8;
	[tilespmem:$0x1A400] =	vst v63  }
.LBB2_15:
0x1be: {  	_ =	sfence.sel $0x180000  }
0x1bf: {  	[bflag:$0x0] =	sbarrier.arrive $0xFFFF  }
0x1c0: {  	_ =	strace $0x90000047  }
0x1c1: {  	s0 =	stileid.u32;
	[bflag:$0x2] =	sbarrier.arrive $0xFFFF  }
0x1c2: {  	p0 =	sne.s32 s0, $0x0;
	s0 =	rddreg [dreg:$0x3]  }
0x1c3: {  	s0 =	sadd.s32 @!p0 $0x100000, s0  }
0x1c4: {  	[sflag:s0] =	ssyncadd.tile.s32 @!p0 $0x1;
	_ =	shalt  }
.Lfunc_end2:
_tile_overlayer_lowered:
.L_overlay_start_2:
0x1c5: {  	(tag) =	ssettag $0x2  }
0x1c6: {  	s0 =	rddreg [dreg:$0x0];
	s2 =	stileid.u32  }
0x1c7: {  	s1 =	rddreg [dreg:$0x1];
	p0 =	sne.s32 s2, $0x0  }
0x1c8: {  	s3 =	rddreg [dreg:$0x2];
	[bflag:$0x3] =	sbarrier.arrive $0xFFFF;
	s2 =	simm.s32 @!p0 $0x1C0B  }
0x1c9: {  	[timem:s3], [sflag:s2] =	dma.local @!p0 [hbm:s0], s1  }
0x1ca: {  	s0 =	simm.s32 @!p0 $0xB  }
0x1cb: {  	_ =	swait.ge @!p0 [sflag:s0], s1  }
0x1cc: {  	s1 =	ssub.s32 @!p0 $0x0, s1;
	[sflag:s0] =	ssyncset.done @!p0 $0x0  }
0x1cd: {  	[sflag:s0] =	ssyncadd.s32 @!p0 s1  }
0x1ce: {  	[bflag:$0x3] =	sbarrier.arrive $0xFFFF  }
0x1cf: {  	_ =	shalt  }

</sc_bundles>
